<compile_context>
chip_gen: v7x
topology: tpu7x:2x2x1
jax: 0.10.2.dev20260603
libtpu: 0.0.44.dev20260713+nightly
codegen_flags: <defaults>
</compile_context>

<pallas_src>
import functools

import jax
import jax.numpy as jnp
import numpy as np
from jax import lax
from jax.experimental import pallas as pl
from jax.experimental.pallas import tpu as pltpu
from jax.experimental.pallas import tpu_sc as plsc

DIM = 128
MAX_SEQ_LEN = 8192
THETA = 10000.0


@functools.lru_cache(maxsize=1)
def _combined_table():
    inv_freq = (1.0 / (THETA ** (np.arange(0, DIM, 2, dtype=np.float32) / DIM))).astype(np.float32)
    t = np.arange(MAX_SEQ_LEN, dtype=np.float32)
    freqs = np.outer(t, inv_freq).astype(np.float32)
    c = np.cos(freqs).astype(np.float32)
    s = np.sin(freqs).astype(np.float32)
    return np.concatenate((c, c, s, s), axis=-1)


def _make_gather(batch_total):
    info = plsc.get_sparse_core_info()
    nw = info.num_cores * info.num_subcores
    b_per_w = batch_total // nw
    chunk = 64
    n_chunks = b_per_w // chunk
    nbuf = 7
    ahead = 5

    mesh = plsc.VectorSubcoreMesh(core_axis_name="c", subcore_axis_name="s")

    @functools.partial(
        pl.kernel,
        mesh=mesh,
        out_type=[
            jax.ShapeDtypeStruct((batch_total, DIM), jnp.float32),
            jax.ShapeDtypeStruct((batch_total, DIM), jnp.float32),
        ],
        scratch_types=[
            pltpu.VMEM((b_per_w,), jnp.int32),
            pltpu.VMEM((nbuf, chunk, 2 * DIM), jnp.float32),
        ]
        + [pltpu.SemaphoreType.DMA] * (2 * nbuf),
    )
    def gather_kernel(tab_hbm, idx_hbm, cos_out, sin_out, idx_v, buf, *sems):
        gsems = sems[:nbuf]
        wsems = sems[nbuf:]
        wid = lax.axis_index("s") * info.num_cores + lax.axis_index("c")
        base = wid * b_per_w
        pltpu.sync_copy(idx_hbm.at[pl.ds(base, b_per_w)], idx_v)

        def gather(c):
            p = c % nbuf
            return pltpu.async_copy(
                tab_hbm.at[idx_v.at[pl.ds(c * chunk, chunk)]], buf.at[p], gsems[p])

        def writes(c):
            p = c % nbuf
            rows = pl.ds(base + c * chunk, chunk)
            return [
                pltpu.async_copy(buf.at[p, :, pl.ds(0, DIM)], cos_out.at[rows], wsems[p]),
                pltpu.async_copy(buf.at[p, :, pl.ds(DIM, DIM)], sin_out.at[rows], wsems[p]),
            ]

        g = {c: gather(c) for c in range(min(ahead, n_chunks))}
        w = {}
        for c in range(n_chunks):
            g.pop(c).wait()
            w[c] = writes(c)
            nxt = c + ahead
            if nxt < n_chunks:
                prev = nxt - nbuf
                if prev >= 0:
                    for x in w.pop(prev):
                        x.wait()
                g[nxt] = gather(nxt)
        for c in sorted(w):
            for x in w[c]:
                x.wait()

    return gather_kernel


def kernel(x, seq_len, position_ids):
    del x, seq_len
    tab = jnp.asarray(_combined_table())
    b, s = position_ids.shape
    idx = position_ids.reshape(b * s).astype(jnp.int32)
    cos, sin = _make_gather(b * s)(tab, idx)
    return cos.reshape(b, s, DIM), sin.reshape(b, s, DIM)

# --- scband reference (transcript-rebuilt; emitter-appended) ---
"""Pipeline reference for scband-rotary-positional-embedding-48627619725901 (READ-ONLY COPY).

The authoritative reference and input builder live on the scoring server;
editing this copy changes nothing except your own understanding.
"""

import jax, jax.numpy as jnp
import numpy as np

DIM = 128
MAX_SEQ_LEN = 8192
THETA = 10000.0


def _build_cache(seq_len):
    inv_freq = 1.0 / (THETA ** (jnp.arange(0, DIM, 2, dtype=jnp.float32) / DIM))
    t = jnp.arange(seq_len, dtype=jnp.float32)
    freqs = jnp.outer(t, inv_freq)
    emb = jnp.concatenate((freqs, freqs), axis=-1)
    return jnp.cos(emb), jnp.sin(emb)


def setup_inputs(seed: int = 0) -> dict:
    key = jax.random.key(seed)
    k1, k2 = jax.random.split(key)
    x = jax.random.normal(k1, (4, 8192, DIM), dtype=jnp.float32)
    position_ids = jax.random.randint(k2, (4, 8192), 0, 8192, dtype=jnp.int32)
    return {"x": x, "seq_len": 8192, "position_ids": position_ids}


def reference(x, seq_len, position_ids):
    # Faithful translation of RotaryPositionalEmbedding.forward with position_ids provided.
    # Cache is precomputed for MAX_SEQ_LEN (static build; positions are guaranteed in-range).
    cos_cached, sin_cached = _build_cache(MAX_SEQ_LEN)
    pos = position_ids.astype(jnp.int32)
    # gather: (batch, seq_len, dim)
    cos = jnp.take(cos_cached, pos, axis=0)
    sin = jnp.take(sin_cached, pos, axis=0)
    return (cos, sin)

if __name__ == "__main__":
    import jax
    _d = setup_inputs()
    print(jax.jit(kernel)(*tuple(_d.values())))

</pallas_src>

<mosaic_0001>
#map = affine_map<(d0, d1) -> (0, 0)>
#map1 = affine_map<(d0, d1) -> (0)>
module attributes {stable_mosaic.version = 14 : i64} {
  func.func @gather_kernel(%arg0: i32, %arg1: i32, %arg2: memref<8192x256xf32, #tpu.memory_space<hbm>>, %arg3: memref<32768xi32, #tpu.memory_space<hbm>>, %arg4: memref<32768x128xf32, #tpu.memory_space<hbm>>, %arg5: memref<32768x128xf32, #tpu.memory_space<hbm>>, %arg6: memref<1024xi32, #tpu.memory_space<vmem>>, %arg7: memref<7x64x256xf32, #tpu.memory_space<vmem>>, %arg8: memref<!tpu.dma_semaphore, #tpu.memory_space<semaphore_mem>>, %arg9: memref<!tpu.dma_semaphore, #tpu.memory_space<semaphore_mem>>, %arg10: memref<!tpu.dma_semaphore, #tpu.memory_space<semaphore_mem>>, %arg11: memref<!tpu.dma_semaphore, #tpu.memory_space<semaphore_mem>>, %arg12: memref<!tpu.dma_semaphore, #tpu.memory_space<semaphore_mem>>, %arg13: memref<!tpu.dma_semaphore, #tpu.memory_space<semaphore_mem>>, %arg14: memref<!tpu.dma_semaphore, #tpu.memory_space<semaphore_mem>>, %arg15: memref<!tpu.dma_semaphore, #tpu.memory_space<semaphore_mem>>, %arg16: memref<!tpu.dma_semaphore, #tpu.memory_space<semaphore_mem>>, %arg17: memref<!tpu.dma_semaphore, #tpu.memory_space<semaphore_mem>>, %arg18: memref<!tpu.dma_semaphore, #tpu.memory_space<semaphore_mem>>, %arg19: memref<!tpu.dma_semaphore, #tpu.memory_space<semaphore_mem>>, %arg20: memref<!tpu.dma_semaphore, #tpu.memory_space<semaphore_mem>>, %arg21: memref<!tpu.dma_semaphore, #tpu.memory_space<semaphore_mem>>) attributes {dimension_semantics = [#tpu.dimension_semantics<core_parallel>, #tpu.dimension_semantics<subcore_parallel>], iteration_bounds = array<i64: 2, 16>, scalar_prefetch = 0 : i64, scratch_operands = 16 : i64, tpu.core_type = #tpu.core_type<sc_vector_subcore>, window_params = [{transform_indices = #map}, {transform_indices = #map1}, {transform_indices = #map}, {transform_indices = #map}]} {
    %mul3A = arith.constant 2 : i32
    %mul3A_0 = arith.muli %arg1, %mul3A : i32
    %add3A = arith.addi %mul3A_0, %arg0 : i32
    %mul3A_1 = arith.constant 1024 : i32
    %mul3A_2 = arith.muli %add3A, %mul3A_1 : i32
    "tpu.region"() ({
      %run_scoped3A = tpu.sem_alloc : memref<!tpu.dma_semaphore, #tpu.memory_space<semaphore_mem>>
      %dma_start3A_1185 = tpu.memref_slice %arg3[%mul3A_2] : memref<32768xi32, #tpu.memory_space<hbm>> -> memref<1024xi32, #tpu.memory_space<hbm>>
      %dma_start3A_1186 = tpu.memref_slice %arg3[%mul3A_2] : memref<32768xi32, #tpu.memory_space<hbm>> -> memref<1024xi32, #tpu.memory_space<hbm>>
      tpu.enqueue_dma source(%dma_start3A_1186 : memref<1024xi32, #tpu.memory_space<hbm>>) target(%arg6 : memref<1024xi32, #tpu.memory_space<vmem>>) target_semaphore(%run_scoped3A : memref<!tpu.dma_semaphore, #tpu.memory_space<semaphore_mem>>)
      %dma_wait3A_1187 = tpu.memref_slice %arg3[%mul3A_2] : memref<32768xi32, #tpu.memory_space<hbm>> -> memref<1024xi32, #tpu.memory_space<hbm>>
      %dma_wait3A_1188 = tpu.memref_slice %arg3[%mul3A_2] : memref<32768xi32, #tpu.memory_space<hbm>> -> memref<1024xi32, #tpu.memory_space<hbm>>
      tpu.wait_dma2 semaphore(%run_scoped3A : memref<!tpu.dma_semaphore, #tpu.memory_space<semaphore_mem>>) src(%dma_wait3A_1188 : memref<1024xi32, #tpu.memory_space<hbm>>) dst(%arg6 : memref<1024xi32, #tpu.memory_space<vmem>>)
      tpu.yield
    }) : () -> ()
    %dma_start3A = arith.constant 0 : i32
    %dma_start3A_3 = arith.constant 0 : i32
    %dma_start3A_4 = arith.constant 0 : i32
    %dma_start3A_5 = tpu.memref_slice %arg7[%dma_start3A, %dma_start3A_3, %dma_start3A_4] : memref<7x64x256xf32, #tpu.memory_space<vmem>> -> memref<1x64x256xf32, #tpu.memory_space<vmem>>
    %dma_start3A_6 = tpu.memref_squeeze %dma_start3A_5 : memref<1x64x256xf32, #tpu.memory_space<vmem>> -> memref<64x256xf32, #tpu.memory_space<vmem>>
    %dma_start3A_7 = arith.constant 0 : i32
    %dma_start3A_8 = tpu.memref_slice %arg6[%dma_start3A_7] : memref<1024xi32, #tpu.memory_space<vmem>> -> memref<64xi32, #tpu.memory_space<vmem>>
    %dma_start3A_9 = arith.constant 0 : i32
    %dma_start3A_10 = arith.constant 0 : i32
    %dma_start3A_11 = tpu.memref_slice %arg2[%dma_start3A_9, %dma_start3A_10] : memref<8192x256xf32, #tpu.memory_space<hbm>> -> memref<8192x256xf32, #tpu.memory_space<hbm>>
    tpu.enqueue_indirect_dma source(%dma_start3A_11 : memref<8192x256xf32, #tpu.memory_space<hbm>>) target(%dma_start3A_6 : memref<64x256xf32, #tpu.memory_space<vmem>>) offsets(%dma_start3A_8 : memref<64xi32, #tpu.memory_space<vmem>>) semaphore(%arg8 : memref<!tpu.dma_semaphore, #tpu.memory_space<semaphore_mem>>)
    %dma_start3A_12 = arith.constant 1 : i32
    %dma_start3A_13 = arith.constant 0 : i32
    %dma_start3A_14 = arith.constant 0 : i32
    %dma_start3A_15 = tpu.memref_slice %arg7[%dma_start3A_12, %dma_start3A_13, %dma_start3A_14] : memref<7x64x256xf32, #tpu.memory_space<vmem>> -> memref<1x64x256xf32, #tpu.memory_space<vmem>>
    %dma_start3A_16 = tpu.memref_squeeze %dma_start3A_15 : memref<1x64x256xf32, #tpu.memory_space<vmem>> -> memref<64x256xf32, #tpu.memory_space<vmem>>
    %dma_start3A_17 = arith.constant 64 : i32
    %dma_start3A_18 = tpu.memref_slice %arg6[%dma_start3A_17] : memref<1024xi32, #tpu.memory_space<vmem>> -> memref<64xi32, #tpu.memory_space<vmem>>
    %dma_start3A_19 = arith.constant 0 : i32
    %dma_start3A_20 = arith.constant 0 : i32
    %dma_start3A_21 = tpu.memref_slice %arg2[%dma_start3A_19, %dma_start3A_20] : memref<8192x256xf32, #tpu.memory_space<hbm>> -> memref<8192x256xf32, #tpu.memory_space<hbm>>
    tpu.enqueue_indirect_dma source(%dma_start3A_21 : memref<8192x256xf32, #tpu.memory_space<hbm>>) target(%dma_start3A_16 : memref<64x256xf32, #tpu.memory_space<vmem>>) offsets(%dma_start3A_18 : memref<64xi32, #tpu.memory_space<vmem>>) semaphore(%arg9 : memref<!tpu.dma_semaphore, #tpu.memory_space<semaphore_mem>>)
    %dma_start3A_22 = arith.constant 2 : i32
    %dma_start3A_23 = arith.constant 0 : i32
    %dma_start3A_24 = arith.constant 0 : i32
    %dma_start3A_25 = tpu.memref_slice %arg7[%dma_start3A_22, %dma_start3A_23, %dma_start3A_24] : memref<7x64x256xf32, #tpu.memory_space<vmem>> -> memref<1x64x256xf32, #tpu.memory_space<vmem>>
    %dma_start3A_26 = tpu.memref_squeeze %dma_start3A_25 : memref<1x64x256xf32, #tpu.memory_space<vmem>> -> memref<64x256xf32, #tpu.memory_space<vmem>>
    %dma_start3A_27 = arith.constant 128 : i32
    %dma_start3A_28 = tpu.memref_slice %arg6[%dma_start3A_27] : memref<1024xi32, #tpu.memory_space<vmem>> -> memref<64xi32, #tpu.memory_space<vmem>>
    %dma_start3A_29 = arith.constant 0 : i32
    %dma_start3A_30 = arith.constant 0 : i32
    %dma_start3A_31 = tpu.memref_slice %arg2[%dma_start3A_29, %dma_start3A_30] : memref<8192x256xf32, #tpu.memory_space<hbm>> -> memref<8192x256xf32, #tpu.memory_space<hbm>>
    tpu.enqueue_indirect_dma source(%dma_start3A_31 : memref<8192x256xf32, #tpu.memory_space<hbm>>) target(%dma_start3A_26 : memref<64x256xf32, #tpu.memory_space<vmem>>) offsets(%dma_start3A_28 : memref<64xi32, #tpu.memory_space<vmem>>) semaphore(%arg10 : memref<!tpu.dma_semaphore, #tpu.memory_space<semaphore_mem>>)
    %dma_start3A_32 = arith.constant 3 : i32
    %dma_start3A_33 = arith.constant 0 : i32
    %dma_start3A_34 = arith.constant 0 : i32
    %dma_start3A_35 = tpu.memref_slice %arg7[%dma_start3A_32, %dma_start3A_33, %dma_start3A_34] : memref<7x64x256xf32, #tpu.memory_space<vmem>> -> memref<1x64x256xf32, #tpu.memory_space<vmem>>
    %dma_start3A_36 = tpu.memref_squeeze %dma_start3A_35 : memref<1x64x256xf32, #tpu.memory_space<vmem>> -> memref<64x256xf32, #tpu.memory_space<vmem>>
    %dma_start3A_37 = arith.constant 192 : i32
    %dma_start3A_38 = tpu.memref_slice %arg6[%dma_start3A_37] : memref<1024xi32, #tpu.memory_space<vmem>> -> memref<64xi32, #tpu.memory_space<vmem>>
    %dma_start3A_39 = arith.constant 0 : i32
    %dma_start3A_40 = arith.constant 0 : i32
    %dma_start3A_41 = tpu.memref_slice %arg2[%dma_start3A_39, %dma_start3A_40] : memref<8192x256xf32, #tpu.memory_space<hbm>> -> memref<8192x256xf32, #tpu.memory_space<hbm>>
    tpu.enqueue_indirect_dma source(%dma_start3A_41 : memref<8192x256xf32, #tpu.memory_space<hbm>>) target(%dma_start3A_36 : memref<64x256xf32, #tpu.memory_space<vmem>>) offsets(%dma_start3A_38 : memref<64xi32, #tpu.memory_space<vmem>>) semaphore(%arg11 : memref<!tpu.dma_semaphore, #tpu.memory_space<semaphore_mem>>)
    %dma_start3A_42 = arith.constant 4 : i32
    %dma_start3A_43 = arith.constant 0 : i32
    %dma_start3A_44 = arith.constant 0 : i32
    %dma_start3A_45 = tpu.memref_slice %arg7[%dma_start3A_42, %dma_start3A_43, %dma_start3A_44] : memref<7x64x256xf32, #tpu.memory_space<vmem>> -> memref<1x64x256xf32, #tpu.memory_space<vmem>>
    %dma_start3A_46 = tpu.memref_squeeze %dma_start3A_45 : memref<1x64x256xf32, #tpu.memory_space<vmem>> -> memref<64x256xf32, #tpu.memory_space<vmem>>
    %dma_start3A_47 = arith.constant 256 : i32
    %dma_start3A_48 = tpu.memref_slice %arg6[%dma_start3A_47] : memref<1024xi32, #tpu.memory_space<vmem>> -> memref<64xi32, #tpu.memory_space<vmem>>
    %dma_start3A_49 = arith.constant 0 : i32
    %dma_start3A_50 = arith.constant 0 : i32
    %dma_start3A_51 = tpu.memref_slice %arg2[%dma_start3A_49, %dma_start3A_50] : memref<8192x256xf32, #tpu.memory_space<hbm>> -> memref<8192x256xf32, #tpu.memory_space<hbm>>
    tpu.enqueue_indirect_dma source(%dma_start3A_51 : memref<8192x256xf32, #tpu.memory_space<hbm>>) target(%dma_start3A_46 : memref<64x256xf32, #tpu.memory_space<vmem>>) offsets(%dma_start3A_48 : memref<64xi32, #tpu.memory_space<vmem>>) semaphore(%arg12 : memref<!tpu.dma_semaphore, #tpu.memory_space<semaphore_mem>>)
    %dma_wait3A = arith.constant 0 : i32
    %dma_wait3A_52 = arith.constant 0 : i32
    %dma_wait3A_53 = arith.constant 0 : i32
    %dma_wait3A_54 = tpu.memref_slice %arg7[%dma_wait3A, %dma_wait3A_52, %dma_wait3A_53] : memref<7x64x256xf32, #tpu.memory_space<vmem>> -> memref<1x64x256xf32, #tpu.memory_space<vmem>>
    %dma_wait3A_55 = tpu.memref_squeeze %dma_wait3A_54 : memref<1x64x256xf32, #tpu.memory_space<vmem>> -> memref<64x256xf32, #tpu.memory_space<vmem>>
    %dma_wait3A_56 = arith.constant 0 : i32
    %dma_wait3A_57 = tpu.memref_slice %arg6[%dma_wait3A_56] : memref<1024xi32, #tpu.memory_space<vmem>> -> memref<64xi32, #tpu.memory_space<vmem>>
    %dma_wait3A_58 = arith.constant 0 : i32
    %dma_wait3A_59 = arith.constant 0 : i32
    %dma_wait3A_60 = tpu.memref_slice %arg2[%dma_wait3A_58, %dma_wait3A_59] : memref<8192x256xf32, #tpu.memory_space<hbm>> -> memref<8192x256xf32, #tpu.memory_space<hbm>>
    tpu.wait_indirect_dma semaphore(%arg8 : memref<!tpu.dma_semaphore, #tpu.memory_space<semaphore_mem>>) src(%dma_wait3A_60 : memref<8192x256xf32, #tpu.memory_space<hbm>>) dst(%dma_wait3A_55 : memref<64x256xf32, #tpu.memory_space<vmem>>)
    %add3A_61 = arith.constant 0 : i32
    %add3A_62 = arith.addi %mul3A_2, %add3A_61 : i32
    %dma_start3A_63 = arith.constant 0 : i32
    %dma_start3A_64 = arith.constant 0 : i32
    %dma_start3A_65 = arith.constant 0 : i32
    %dma_start3A_66 = tpu.memref_slice %arg7[%dma_start3A_63, %dma_start3A_64, %dma_start3A_65] : memref<7x64x256xf32, #tpu.memory_space<vmem>> -> memref<1x64x128xf32, #tpu.memory_space<vmem>>
    %dma_start3A_67 = tpu.memref_squeeze %dma_start3A_66 : memref<1x64x128xf32, #tpu.memory_space<vmem>> -> memref<64x128xf32, #tpu.memory_space<vmem>>
    %dma_start3A_68 = arith.constant 0 : i32
    %dma_start3A_69 = tpu.memref_slice %arg4[%add3A_62, %dma_start3A_68] : memref<32768x128xf32, #tpu.memory_space<hbm>> -> memref<64x128xf32, #tpu.memory_space<hbm>>
    %dma_start3A_70 = arith.constant 0 : i32
    %dma_start3A_71 = tpu.memref_slice %arg4[%add3A_62, %dma_start3A_70] : memref<32768x128xf32, #tpu.memory_space<hbm>> -> memref<64x128xf32, #tpu.memory_space<hbm>>
    %dma_start3A_72 = arith.constant 0 : i32
    %dma_start3A_73 = arith.constant 0 : i32
    %dma_start3A_74 = tpu.memref_slice %arg7[%dma_start3A_63, %dma_start3A_72, %dma_start3A_73] : memref<7x64x256xf32, #tpu.memory_space<vmem>> -> memref<1x64x128xf32, #tpu.memory_space<vmem>>
    %dma_start3A_75 = tpu.memref_squeeze %dma_start3A_74 : memref<1x64x128xf32, #tpu.memory_space<vmem>> -> memref<64x128xf32, #tpu.memory_space<vmem>>
    tpu.enqueue_dma source(%dma_start3A_75 : memref<64x128xf32, #tpu.memory_space<vmem>>) target(%dma_start3A_71 : memref<64x128xf32, #tpu.memory_space<hbm>>) target_semaphore(%arg15 : memref<!tpu.dma_semaphore, #tpu.memory_space<semaphore_mem>>)
    %dma_start3A_76 = arith.constant 0 : i32
    %dma_start3A_77 = arith.constant 0 : i32
    %dma_start3A_78 = arith.constant 128 : i32
    %dma_start3A_79 = tpu.memref_slice %arg7[%dma_start3A_76, %dma_start3A_77, %dma_start3A_78] : memref<7x64x256xf32, #tpu.memory_space<vmem>> -> memref<1x64x128xf32, #tpu.memory_space<vmem>>
    %dma_start3A_80 = tpu.memref_squeeze %dma_start3A_79 : memref<1x64x128xf32, #tpu.memory_space<vmem>> -> memref<64x128xf32, #tpu.memory_space<vmem>>
    %dma_start3A_81 = arith.constant 0 : i32
    %dma_start3A_82 = tpu.memref_slice %arg5[%add3A_62, %dma_start3A_81] : memref<32768x128xf32, #tpu.memory_space<hbm>> -> memref<64x128xf32, #tpu.memory_space<hbm>>
    %dma_start3A_83 = arith.constant 0 : i32
    %dma_start3A_84 = tpu.memref_slice %arg5[%add3A_62, %dma_start3A_83] : memref<32768x128xf32, #tpu.memory_space<hbm>> -> memref<64x128xf32, #tpu.memory_space<hbm>>
    %dma_start3A_85 = arith.constant 0 : i32
    %dma_start3A_86 = arith.constant 128 : i32
    %dma_start3A_87 = tpu.memref_slice %arg7[%dma_start3A_76, %dma_start3A_85, %dma_start3A_86] : memref<7x64x256xf32, #tpu.memory_space<vmem>> -> memref<1x64x128xf32, #tpu.memory_space<vmem>>
    %dma_start3A_88 = tpu.memref_squeeze %dma_start3A_87 : memref<1x64x128xf32, #tpu.memory_space<vmem>> -> memref<64x128xf32, #tpu.memory_space<vmem>>
    tpu.enqueue_dma source(%dma_start3A_88 : memref<64x128xf32, #tpu.memory_space<vmem>>) target(%dma_start3A_84 : memref<64x128xf32, #tpu.memory_space<hbm>>) target_semaphore(%arg15 : memref<!tpu.dma_semaphore, #tpu.memory_space<semaphore_mem>>)
    %dma_start3A_89 = arith.constant 5 : i32
    %dma_start3A_90 = arith.constant 0 : i32
    %dma_start3A_91 = arith.constant 0 : i32
    %dma_start3A_92 = tpu.memref_slice %arg7[%dma_start3A_89, %dma_start3A_90, %dma_start3A_91] : memref<7x64x256xf32, #tpu.memory_space<vmem>> -> memref<1x64x256xf32, #tpu.memory_space<vmem>>
    %dma_start3A_93 = tpu.memref_squeeze %dma_start3A_92 : memref<1x64x256xf32, #tpu.memory_space<vmem>> -> memref<64x256xf32, #tpu.memory_space<vmem>>
    %dma_start3A_94 = arith.constant 320 : i32
    %dma_start3A_95 = tpu.memref_slice %arg6[%dma_start3A_94] : memref<1024xi32, #tpu.memory_space<vmem>> -> memref<64xi32, #tpu.memory_space<vmem>>
    %dma_start3A_96 = arith.constant 0 : i32
    %dma_start3A_97 = arith.constant 0 : i32
    %dma_start3A_98 = tpu.memref_slice %arg2[%dma_start3A_96, %dma_start3A_97] : memref<8192x256xf32, #tpu.memory_space<hbm>> -> memref<8192x256xf32, #tpu.memory_space<hbm>>
    tpu.enqueue_indirect_dma source(%dma_start3A_98 : memref<8192x256xf32, #tpu.memory_space<hbm>>) target(%dma_start3A_93 : memref<64x256xf32, #tpu.memory_space<vmem>>) offsets(%dma_start3A_95 : memref<64xi32, #tpu.memory_space<vmem>>) semaphore(%arg13 : memref<!tpu.dma_semaphore, #tpu.memory_space<semaphore_mem>>)
    %dma_wait3A_99 = arith.constant 1 : i32
    %dma_wait3A_100 = arith.constant 0 : i32
    %dma_wait3A_101 = arith.constant 0 : i32
    %dma_wait3A_102 = tpu.memref_slice %arg7[%dma_wait3A_99, %dma_wait3A_100, %dma_wait3A_101] : memref<7x64x256xf32, #tpu.memory_space<vmem>> -> memref<1x64x256xf32, #tpu.memory_space<vmem>>
    %dma_wait3A_103 = tpu.memref_squeeze %dma_wait3A_102 : memref<1x64x256xf32, #tpu.memory_space<vmem>> -> memref<64x256xf32, #tpu.memory_space<vmem>>
    %dma_wait3A_104 = arith.constant 64 : i32
    %dma_wait3A_105 = tpu.memref_slice %arg6[%dma_wait3A_104] : memref<1024xi32, #tpu.memory_space<vmem>> -> memref<64xi32, #tpu.memory_space<vmem>>
    %dma_wait3A_106 = arith.constant 0 : i32
    %dma_wait3A_107 = arith.constant 0 : i32
    %dma_wait3A_108 = tpu.memref_slice %arg2[%dma_wait3A_106, %dma_wait3A_107] : memref<8192x256xf32, #tpu.memory_space<hbm>> -> memref<8192x256xf32, #tpu.memory_space<hbm>>
    tpu.wait_indirect_dma semaphore(%arg9 : memref<!tpu.dma_semaphore, #tpu.memory_space<semaphore_mem>>) src(%dma_wait3A_108 : memref<8192x256xf32, #tpu.memory_space<hbm>>) dst(%dma_wait3A_103 : memref<64x256xf32, #tpu.memory_space<vmem>>)
    %add3A_109 = arith.constant 64 : i32
    %add3A_110 = arith.addi %mul3A_2, %add3A_109 : i32
    %dma_start3A_111 = arith.constant 1 : i32
    %dma_start3A_112 = arith.constant 0 : i32
    %dma_start3A_113 = arith.constant 0 : i32
    %dma_start3A_114 = tpu.memref_slice %arg7[%dma_start3A_111, %dma_start3A_112, %dma_start3A_113] : memref<7x64x256xf32, #tpu.memory_space<vmem>> -> memref<1x64x128xf32, #tpu.memory_space<vmem>>
    %dma_start3A_115 = tpu.memref_squeeze %dma_start3A_114 : memref<1x64x128xf32, #tpu.memory_space<vmem>> -> memref<64x128xf32, #tpu.memory_space<vmem>>
    %dma_start3A_116 = arith.constant 0 : i32
    %dma_start3A_117 = tpu.memref_slice %arg4[%add3A_110, %dma_start3A_116] : memref<32768x128xf32, #tpu.memory_space<hbm>> -> memref<64x128xf32, #tpu.memory_space<hbm>>
    %dma_start3A_118 = arith.constant 0 : i32
    %dma_start3A_119 = tpu.memref_slice %arg4[%add3A_110, %dma_start3A_118] : memref<32768x128xf32, #tpu.memory_space<hbm>> -> memref<64x128xf32, #tpu.memory_space<hbm>>
    %dma_start3A_120 = arith.constant 0 : i32
    %dma_start3A_121 = arith.constant 0 : i32
    %dma_start3A_122 = tpu.memref_slice %arg7[%dma_start3A_111, %dma_start3A_120, %dma_start3A_121] : memref<7x64x256xf32, #tpu.memory_space<vmem>> -> memref<1x64x128xf32, #tpu.memory_space<vmem>>
    %dma_start3A_123 = tpu.memref_squeeze %dma_start3A_122 : memref<1x64x128xf32, #tpu.memory_space<vmem>> -> memref<64x128xf32, #tpu.memory_space<vmem>>
    tpu.enqueue_dma source(%dma_start3A_123 : memref<64x128xf32, #tpu.memory_space<vmem>>) target(%dma_start3A_119 : memref<64x128xf32, #tpu.memory_space<hbm>>) target_semaphore(%arg16 : memref<!tpu.dma_semaphore, #tpu.memory_space<semaphore_mem>>)
    %dma_start3A_124 = arith.constant 1 : i32
    %dma_start3A_125 = arith.constant 0 : i32
    %dma_start3A_126 = arith.constant 128 : i32
    %dma_start3A_127 = tpu.memref_slice %arg7[%dma_start3A_124, %dma_start3A_125, %dma_start3A_126] : memref<7x64x256xf32, #tpu.memory_space<vmem>> -> memref<1x64x128xf32, #tpu.memory_space<vmem>>
    %dma_start3A_128 = tpu.memref_squeeze %dma_start3A_127 : memref<1x64x128xf32, #tpu.memory_space<vmem>> -> memref<64x128xf32, #tpu.memory_space<vmem>>
    %dma_start3A_129 = arith.constant 0 : i32
    %dma_start3A_130 = tpu.memref_slice %arg5[%add3A_110, %dma_start3A_129] : memref<32768x128xf32, #tpu.memory_space<hbm>> -> memref<64x128xf32, #tpu.memory_space<hbm>>
    %dma_start3A_131 = arith.constant 0 : i32
    %dma_start3A_132 = tpu.memref_slice %arg5[%add3A_110, %dma_start3A_131] : memref<32768x128xf32, #tpu.memory_space<hbm>> -> memref<64x128xf32, #tpu.memory_space<hbm>>
    %dma_start3A_133 = arith.constant 0 : i32
    %dma_start3A_134 = arith.constant 128 : i32
    %dma_start3A_135 = tpu.memref_slice %arg7[%dma_start3A_124, %dma_start3A_133, %dma_start3A_134] : memref<7x64x256xf32, #tpu.memory_space<vmem>> -> memref<1x64x128xf32, #tpu.memory_space<vmem>>
    %dma_start3A_136 = tpu.memref_squeeze %dma_start3A_135 : memref<1x64x128xf32, #tpu.memory_space<vmem>> -> memref<64x128xf32, #tpu.memory_space<vmem>>
    tpu.enqueue_dma source(%dma_start3A_136 : memref<64x128xf32, #tpu.memory_space<vmem>>) target(%dma_start3A_132 : memref<64x128xf32, #tpu.memory_space<hbm>>) target_semaphore(%arg16 : memref<!tpu.dma_semaphore, #tpu.memory_space<semaphore_mem>>)
    %dma_start3A_137 = arith.constant 6 : i32
    %dma_start3A_138 = arith.constant 0 : i32
    %dma_start3A_139 = arith.constant 0 : i32
    %dma_start3A_140 = tpu.memref_slice %arg7[%dma_start3A_137, %dma_start3A_138, %dma_start3A_139] : memref<7x64x256xf32, #tpu.memory_space<vmem>> -> memref<1x64x256xf32, #tpu.memory_space<vmem>>
    %dma_start3A_141 = tpu.memref_squeeze %dma_start3A_140 : memref<1x64x256xf32, #tpu.memory_space<vmem>> -> memref<64x256xf32, #tpu.memory_space<vmem>>
    %dma_start3A_142 = arith.constant 384 : i32
    %dma_start3A_143 = tpu.memref_slice %arg6[%dma_start3A_142] : memref<1024xi32, #tpu.memory_space<vmem>> -> memref<64xi32, #tpu.memory_space<vmem>>
    %dma_start3A_144 = arith.constant 0 : i32
    %dma_start3A_145 = arith.constant 0 : i32
    %dma_start3A_146 = tpu.memref_slice %arg2[%dma_start3A_144, %dma_start3A_145] : memref<8192x256xf32, #tpu.memory_space<hbm>> -> memref<8192x256xf32, #tpu.memory_space<hbm>>
    tpu.enqueue_indirect_dma source(%dma_start3A_146 : memref<8192x256xf32, #tpu.memory_space<hbm>>) target(%dma_start3A_141 : memref<64x256xf32, #tpu.memory_space<vmem>>) offsets(%dma_start3A_143 : memref<64xi32, #tpu.memory_space<vmem>>) semaphore(%arg14 : memref<!tpu.dma_semaphore, #tpu.memory_space<semaphore_mem>>)
    %dma_wait3A_147 = arith.constant 2 : i32
    %dma_wait3A_148 = arith.constant 0 : i32
    %dma_wait3A_149 = arith.constant 0 : i32
    %dma_wait3A_150 = tpu.memref_slice %arg7[%dma_wait3A_147, %dma_wait3A_148, %dma_wait3A_149] : memref<7x64x256xf32, #tpu.memory_space<vmem>> -> memref<1x64x256xf32, #tpu.memory_space<vmem>>
    %dma_wait3A_151 = tpu.memref_squeeze %dma_wait3A_150 : memref<1x64x256xf32, #tpu.memory_space<vmem>> -> memref<64x256xf32, #tpu.memory_space<vmem>>
    %dma_wait3A_152 = arith.constant 128 : i32
    %dma_wait3A_153 = tpu.memref_slice %arg6[%dma_wait3A_152] : memref<1024xi32, #tpu.memory_space<vmem>> -> memref<64xi32, #tpu.memory_space<vmem>>
    %dma_wait3A_154 = arith.constant 0 : i32
    %dma_wait3A_155 = arith.constant 0 : i32
    %dma_wait3A_156 = tpu.memref_slice %arg2[%dma_wait3A_154, %dma_wait3A_155] : memref<8192x256xf32, #tpu.memory_space<hbm>> -> memref<8192x256xf32, #tpu.memory_space<hbm>>
    tpu.wait_indirect_dma semaphore(%arg10 : memref<!tpu.dma_semaphore, #tpu.memory_space<semaphore_mem>>) src(%dma_wait3A_156 : memref<8192x256xf32, #tpu.memory_space<hbm>>) dst(%dma_wait3A_151 : memref<64x256xf32, #tpu.memory_space<vmem>>)
    %add3A_157 = arith.constant 128 : i32
    %add3A_158 = arith.addi %mul3A_2, %add3A_157 : i32
    %dma_start3A_159 = arith.constant 2 : i32
    %dma_start3A_160 = arith.constant 0 : i32
    %dma_start3A_161 = arith.constant 0 : i32
    %dma_start3A_162 = tpu.memref_slice %arg7[%dma_start3A_159, %dma_start3A_160, %dma_start3A_161] : memref<7x64x256xf32, #tpu.memory_space<vmem>> -> memref<1x64x128xf32, #tpu.memory_space<vmem>>
    %dma_start3A_163 = tpu.memref_squeeze %dma_start3A_162 : memref<1x64x128xf32, #tpu.memory_space<vmem>> -> memref<64x128xf32, #tpu.memory_space<vmem>>
    %dma_start3A_164 = arith.constant 0 : i32
    %dma_start3A_165 = tpu.memref_slice %arg4[%add3A_158, %dma_start3A_164] : memref<32768x128xf32, #tpu.memory_space<hbm>> -> memref<64x128xf32, #tpu.memory_space<hbm>>
    %dma_start3A_166 = arith.constant 0 : i32
    %dma_start3A_167 = tpu.memref_slice %arg4[%add3A_158, %dma_start3A_166] : memref<32768x128xf32, #tpu.memory_space<hbm>> -> memref<64x128xf32, #tpu.memory_space<hbm>>
    %dma_start3A_168 = arith.constant 0 : i32
    %dma_start3A_169 = arith.constant 0 : i32
    %dma_start3A_170 = tpu.memref_slice %arg7[%dma_start3A_159, %dma_start3A_168, %dma_start3A_169] : memref<7x64x256xf32, #tpu.memory_space<vmem>> -> memref<1x64x128xf32, #tpu.memory_space<vmem>>
    %dma_start3A_171 = tpu.memref_squeeze %dma_start3A_170 : memref<1x64x128xf32, #tpu.memory_space<vmem>> -> memref<64x128xf32, #tpu.memory_space<vmem>>
    tpu.enqueue_dma source(%dma_start3A_171 : memref<64x128xf32, #tpu.memory_space<vmem>>) target(%dma_start3A_167 : memref<64x128xf32, #tpu.memory_space<hbm>>) target_semaphore(%arg17 : memref<!tpu.dma_semaphore, #tpu.memory_space<semaphore_mem>>)
    %dma_start3A_172 = arith.constant 2 : i32
    %dma_start3A_173 = arith.constant 0 : i32
    %dma_start3A_174 = arith.constant 128 : i32
    %dma_start3A_175 = tpu.memref_slice %arg7[%dma_start3A_172, %dma_start3A_173, %dma_start3A_174] : memref<7x64x256xf32, #tpu.memory_space<vmem>> -> memref<1x64x128xf32, #tpu.memory_space<vmem>>
    %dma_start3A_176 = tpu.memref_squeeze %dma_start3A_175 : memref<1x64x128xf32, #tpu.memory_space<vmem>> -> memref<64x128xf32, #tpu.memory_space<vmem>>
    %dma_start3A_177 = arith.constant 0 : i32
    %dma_start3A_178 = tpu.memref_slice %arg5[%add3A_158, %dma_start3A_177] : memref<32768x128xf32, #tpu.memory_space<hbm>> -> memref<64x128xf32, #tpu.memory_space<hbm>>
    %dma_start3A_179 = arith.constant 0 : i32
    %dma_start3A_180 = tpu.memref_slice %arg5[%add3A_158, %dma_start3A_179] : memref<32768x128xf32, #tpu.memory_space<hbm>> -> memref<64x128xf32, #tpu.memory_space<hbm>>
    %dma_start3A_181 = arith.constant 0 : i32
    %dma_start3A_182 = arith.constant 128 : i32
    %dma_start3A_183 = tpu.memref_slice %arg7[%dma_start3A_172, %dma_start3A_181, %dma_start3A_182] : memref<7x64x256xf32, #tpu.memory_space<vmem>> -> memref<1x64x128xf32, #tpu.memory_space<vmem>>
    %dma_start3A_184 = tpu.memref_squeeze %dma_start3A_183 : memref<1x64x128xf32, #tpu.memory_space<vmem>> -> memref<64x128xf32, #tpu.memory_space<vmem>>
    tpu.enqueue_dma source(%dma_start3A_184 : memref<64x128xf32, #tpu.memory_space<vmem>>) target(%dma_start3A_180 : memref<64x128xf32, #tpu.memory_space<hbm>>) target_semaphore(%arg17 : memref<!tpu.dma_semaphore, #tpu.memory_space<semaphore_mem>>)
    %dma_wait3A_185 = arith.constant 0 : i32
    %dma_wait3A_186 = arith.constant 0 : i32
    %dma_wait3A_187 = arith.constant 0 : i32
    %dma_wait3A_188 = tpu.memref_slice %arg7[%dma_wait3A_185, %dma_wait3A_186, %dma_wait3A_187] : memref<7x64x256xf32, #tpu.memory_space<vmem>> -> memref<1x64x128xf32, #tpu.memory_space<vmem>>
    %dma_wait3A_189 = tpu.memref_squeeze %dma_wait3A_188 : memref<1x64x128xf32, #tpu.memory_space<vmem>> -> memref<64x128xf32, #tpu.memory_space<vmem>>
    %dma_wait3A_190 = arith.constant 0 : i32
    %dma_wait3A_191 = tpu.memref_slice %arg4[%add3A_62, %dma_wait3A_190] : memref<32768x128xf32, #tpu.memory_space<hbm>> -> memref<64x128xf32, #tpu.memory_space<hbm>>
    %dma_wait3A_192 = arith.constant 0 : i32
    %dma_wait3A_193 = tpu.memref_slice %arg4[%add3A_62, %dma_wait3A_192] : memref<32768x128xf32, #tpu.memory_space<hbm>> -> memref<64x128xf32, #tpu.memory_space<hbm>>
    %dma_wait3A_194 = arith.constant 0 : i32
    %dma_wait3A_195 = arith.constant 0 : i32
    %dma_wait3A_196 = tpu.memref_slice %arg7[%dma_wait3A_185, %dma_wait3A_194, %dma_wait3A_195] : memref<7x64x256xf32, #tpu.memory_space<vmem>> -> memref<1x64x128xf32, #tpu.memory_space<vmem>>
    %dma_wait3A_197 = tpu.memref_squeeze %dma_wait3A_196 : memref<1x64x128xf32, #tpu.memory_space<vmem>> -> memref<64x128xf32, #tpu.memory_space<vmem>>
    tpu.wait_dma2 semaphore(%arg15 : memref<!tpu.dma_semaphore, #tpu.memory_space<semaphore_mem>>) src(%dma_wait3A_197 : memref<64x128xf32, #tpu.memory_space<vmem>>) dst(%dma_wait3A_193 : memref<64x128xf32, #tpu.memory_space<hbm>>)
    %dma_wait3A_198 = arith.constant 0 : i32
    %dma_wait3A_199 = arith.constant 0 : i32
    %dma_wait3A_200 = arith.constant 128 : i32
    %dma_wait3A_201 = tpu.memref_slice %arg7[%dma_wait3A_198, %dma_wait3A_199, %dma_wait3A_200] : memref<7x64x256xf32, #tpu.memory_space<vmem>> -> memref<1x64x128xf32, #tpu.memory_space<vmem>>
    %dma_wait3A_202 = tpu.memref_squeeze %dma_wait3A_201 : memref<1x64x128xf32, #tpu.memory_space<vmem>> -> memref<64x128xf32, #tpu.memory_space<vmem>>
    %dma_wait3A_203 = arith.constant 0 : i32
    %dma_wait3A_204 = tpu.memref_slice %arg5[%add3A_62, %dma_wait3A_203] : memref<32768x128xf32, #tpu.memory_space<hbm>> -> memref<64x128xf32, #tpu.memory_space<hbm>>
    %dma_wait3A_205 = arith.constant 0 : i32
    %dma_wait3A_206 = tpu.memref_slice %arg5[%add3A_62, %dma_wait3A_205] : memref<32768x128xf32, #tpu.memory_space<hbm>> -> memref<64x128xf32, #tpu.memory_space<hbm>>
    %dma_wait3A_207 = arith.constant 0 : i32
    %dma_wait3A_208 = arith.constant 128 : i32
    %dma_wait3A_209 = tpu.memref_slice %arg7[%dma_wait3A_198, %dma_wait3A_207, %dma_wait3A_208] : memref<7x64x256xf32, #tpu.memory_space<vmem>> -> memref<1x64x128xf32, #tpu.memory_space<vmem>>
    %dma_wait3A_210 = tpu.memref_squeeze %dma_wait3A_209 : memref<1x64x128xf32, #tpu.memory_space<vmem>> -> memref<64x128xf32, #tpu.memory_space<vmem>>
    tpu.wait_dma2 semaphore(%arg15 : memref<!tpu.dma_semaphore, #tpu.memory_space<semaphore_mem>>) src(%dma_wait3A_210 : memref<64x128xf32, #tpu.memory_space<vmem>>) dst(%dma_wait3A_206 : memref<64x128xf32, #tpu.memory_space<hbm>>)
    %dma_start3A_211 = arith.constant 0 : i32
    %dma_start3A_212 = arith.constant 0 : i32
    %dma_start3A_213 = arith.constant 0 : i32
    %dma_start3A_214 = tpu.memref_slice %arg7[%dma_start3A_211, %dma_start3A_212, %dma_start3A_213] : memref<7x64x256xf32, #tpu.memory_space<vmem>> -> memref<1x64x256xf32, #tpu.memory_space<vmem>>
    %dma_start3A_215 = tpu.memref_squeeze %dma_start3A_214 : memref<1x64x256xf32, #tpu.memory_space<vmem>> -> memref<64x256xf32, #tpu.memory_space<vmem>>
    %dma_start3A_216 = arith.constant 448 : i32
    %dma_start3A_217 = tpu.memref_slice %arg6[%dma_start3A_216] : memref<1024xi32, #tpu.memory_space<vmem>> -> memref<64xi32, #tpu.memory_space<vmem>>
    %dma_start3A_218 = arith.constant 0 : i32
    %dma_start3A_219 = arith.constant 0 : i32
    %dma_start3A_220 = tpu.memref_slice %arg2[%dma_start3A_218, %dma_start3A_219] : memref<8192x256xf32, #tpu.memory_space<hbm>> -> memref<8192x256xf32, #tpu.memory_space<hbm>>
    tpu.enqueue_indirect_dma source(%dma_start3A_220 : memref<8192x256xf32, #tpu.memory_space<hbm>>) target(%dma_start3A_215 : memref<64x256xf32, #tpu.memory_space<vmem>>) offsets(%dma_start3A_217 : memref<64xi32, #tpu.memory_space<vmem>>) semaphore(%arg8 : memref<!tpu.dma_semaphore, #tpu.memory_space<semaphore_mem>>)
    %dma_wait3A_221 = arith.constant 3 : i32
    %dma_wait3A_222 = arith.constant 0 : i32
    %dma_wait3A_223 = arith.constant 0 : i32
    %dma_wait3A_224 = tpu.memref_slice %arg7[%dma_wait3A_221, %dma_wait3A_222, %dma_wait3A_223] : memref<7x64x256xf32, #tpu.memory_space<vmem>> -> memref<1x64x256xf32, #tpu.memory_space<vmem>>
    %dma_wait3A_225 = tpu.memref_squeeze %dma_wait3A_224 : memref<1x64x256xf32, #tpu.memory_space<vmem>> -> memref<64x256xf32, #tpu.memory_space<vmem>>
    %dma_wait3A_226 = arith.constant 192 : i32
    %dma_wait3A_227 = tpu.memref_slice %arg6[%dma_wait3A_226] : memref<1024xi32, #tpu.memory_space<vmem>> -> memref<64xi32, #tpu.memory_space<vmem>>
    %dma_wait3A_228 = arith.constant 0 : i32
    %dma_wait3A_229 = arith.constant 0 : i32
    %dma_wait3A_230 = tpu.memref_slice %arg2[%dma_wait3A_228, %dma_wait3A_229] : memref<8192x256xf32, #tpu.memory_space<hbm>> -> memref<8192x256xf32, #tpu.memory_space<hbm>>
    tpu.wait_indirect_dma semaphore(%arg11 : memref<!tpu.dma_semaphore, #tpu.memory_space<semaphore_mem>>) src(%dma_wait3A_230 : memref<8192x256xf32, #tpu.memory_space<hbm>>) dst(%dma_wait3A_225 : memref<64x256xf32, #tpu.memory_space<vmem>>)
    %add3A_231 = arith.constant 192 : i32
    %add3A_232 = arith.addi %mul3A_2, %add3A_231 : i32
    %dma_start3A_233 = arith.constant 3 : i32
    %dma_start3A_234 = arith.constant 0 : i32
    %dma_start3A_235 = arith.constant 0 : i32
    %dma_start3A_236 = tpu.memref_slice %arg7[%dma_start3A_233, %dma_start3A_234, %dma_start3A_235] : memref<7x64x256xf32, #tpu.memory_space<vmem>> -> memref<1x64x128xf32, #tpu.memory_space<vmem>>
    %dma_start3A_237 = tpu.memref_squeeze %dma_start3A_236 : memref<1x64x128xf32, #tpu.memory_space<vmem>> -> memref<64x128xf32, #tpu.memory_space<vmem>>
    %dma_start3A_238 = arith.constant 0 : i32
    %dma_start3A_239 = tpu.memref_slice %arg4[%add3A_232, %dma_start3A_238] : memref<32768x128xf32, #tpu.memory_space<hbm>> -> memref<64x128xf32, #tpu.memory_space<hbm>>
    %dma_start3A_240 = arith.constant 0 : i32
    %dma_start3A_241 = tpu.memref_slice %arg4[%add3A_232, %dma_start3A_240] : memref<32768x128xf32, #tpu.memory_space<hbm>> -> memref<64x128xf32, #tpu.memory_space<hbm>>
    %dma_start3A_242 = arith.constant 0 : i32
    %dma_start3A_243 = arith.constant 0 : i32
    %dma_start3A_244 = tpu.memref_slice %arg7[%dma_start3A_233, %dma_start3A_242, %dma_start3A_243] : memref<7x64x256xf32, #tpu.memory_space<vmem>> -> memref<1x64x128xf32, #tpu.memory_space<vmem>>
    %dma_start3A_245 = tpu.memref_squeeze %dma_start3A_244 : memref<1x64x128xf32, #tpu.memory_space<vmem>> -> memref<64x128xf32, #tpu.memory_space<vmem>>
    tpu.enqueue_dma source(%dma_start3A_245 : memref<64x128xf32, #tpu.memory_space<vmem>>) target(%dma_start3A_241 : memref<64x128xf32, #tpu.memory_space<hbm>>) target_semaphore(%arg18 : memref<!tpu.dma_semaphore, #tpu.memory_space<semaphore_mem>>)
    %dma_start3A_246 = arith.constant 3 : i32
    %dma_start3A_247 = arith.constant 0 : i32
    %dma_start3A_248 = arith.constant 128 : i32
    %dma_start3A_249 = tpu.memref_slice %arg7[%dma_start3A_246, %dma_start3A_247, %dma_start3A_248] : memref<7x64x256xf32, #tpu.memory_space<vmem>> -> memref<1x64x128xf32, #tpu.memory_space<vmem>>
    %dma_start3A_250 = tpu.memref_squeeze %dma_start3A_249 : memref<1x64x128xf32, #tpu.memory_space<vmem>> -> memref<64x128xf32, #tpu.memory_space<vmem>>
    %dma_start3A_251 = arith.constant 0 : i32
    %dma_start3A_252 = tpu.memref_slice %arg5[%add3A_232, %dma_start3A_251] : memref<32768x128xf32, #tpu.memory_space<hbm>> -> memref<64x128xf32, #tpu.memory_space<hbm>>
    %dma_start3A_253 = arith.constant 0 : i32
    %dma_start3A_254 = tpu.memref_slice %arg5[%add3A_232, %dma_start3A_253] : memref<32768x128xf32, #tpu.memory_space<hbm>> -> memref<64x128xf32, #tpu.memory_space<hbm>>
    %dma_start3A_255 = arith.constant 0 : i32
    %dma_start3A_256 = arith.constant 128 : i32
    %dma_start3A_257 = tpu.memref_slice %arg7[%dma_start3A_246, %dma_start3A_255, %dma_start3A_256] : memref<7x64x256xf32, #tpu.memory_space<vmem>> -> memref<1x64x128xf32, #tpu.memory_space<vmem>>
    %dma_start3A_258 = tpu.memref_squeeze %dma_start3A_257 : memref<1x64x128xf32, #tpu.memory_space<vmem>> -> memref<64x128xf32, #tpu.memory_space<vmem>>
    tpu.enqueue_dma source(%dma_start3A_258 : memref<64x128xf32, #tpu.memory_space<vmem>>) target(%dma_start3A_254 : memref<64x128xf32, #tpu.memory_space<hbm>>) target_semaphore(%arg18 : memref<!tpu.dma_semaphore, #tpu.memory_space<semaphore_mem>>)
    %dma_wait3A_259 = arith.constant 1 : i32
    %dma_wait3A_260 = arith.constant 0 : i32
    %dma_wait3A_261 = arith.constant 0 : i32
    %dma_wait3A_262 = tpu.memref_slice %arg7[%dma_wait3A_259, %dma_wait3A_260, %dma_wait3A_261] : memref<7x64x256xf32, #tpu.memory_space<vmem>> -> memref<1x64x128xf32, #tpu.memory_space<vmem>>
    %dma_wait3A_263 = tpu.memref_squeeze %dma_wait3A_262 : memref<1x64x128xf32, #tpu.memory_space<vmem>> -> memref<64x128xf32, #tpu.memory_space<vmem>>
    %dma_wait3A_264 = arith.constant 0 : i32
    %dma_wait3A_265 = tpu.memref_slice %arg4[%add3A_110, %dma_wait3A_264] : memref<32768x128xf32, #tpu.memory_space<hbm>> -> memref<64x128xf32, #tpu.memory_space<hbm>>
    %dma_wait3A_266 = arith.constant 0 : i32
    %dma_wait3A_267 = tpu.memref_slice %arg4[%add3A_110, %dma_wait3A_266] : memref<32768x128xf32, #tpu.memory_space<hbm>> -> memref<64x128xf32, #tpu.memory_space<hbm>>
    %dma_wait3A_268 = arith.constant 0 : i32
    %dma_wait3A_269 = arith.constant 0 : i32
    %dma_wait3A_270 = tpu.memref_slice %arg7[%dma_wait3A_259, %dma_wait3A_268, %dma_wait3A_269] : memref<7x64x256xf32, #tpu.memory_space<vmem>> -> memref<1x64x128xf32, #tpu.memory_space<vmem>>
    %dma_wait3A_271 = tpu.memref_squeeze %dma_wait3A_270 : memref<1x64x128xf32, #tpu.memory_space<vmem>> -> memref<64x128xf32, #tpu.memory_space<vmem>>
    tpu.wait_dma2 semaphore(%arg16 : memref<!tpu.dma_semaphore, #tpu.memory_space<semaphore_mem>>) src(%dma_wait3A_271 : memref<64x128xf32, #tpu.memory_space<vmem>>) dst(%dma_wait3A_267 : memref<64x128xf32, #tpu.memory_space<hbm>>)
    %dma_wait3A_272 = arith.constant 1 : i32
    %dma_wait3A_273 = arith.constant 0 : i32
    %dma_wait3A_274 = arith.constant 128 : i32
    %dma_wait3A_275 = tpu.memref_slice %arg7[%dma_wait3A_272, %dma_wait3A_273, %dma_wait3A_274] : memref<7x64x256xf32, #tpu.memory_space<vmem>> -> memref<1x64x128xf32, #tpu.memory_space<vmem>>
    %dma_wait3A_276 = tpu.memref_squeeze %dma_wait3A_275 : memref<1x64x128xf32, #tpu.memory_space<vmem>> -> memref<64x128xf32, #tpu.memory_space<vmem>>
    %dma_wait3A_277 = arith.constant 0 : i32
    %dma_wait3A_278 = tpu.memref_slice %arg5[%add3A_110, %dma_wait3A_277] : memref<32768x128xf32, #tpu.memory_space<hbm>> -> memref<64x128xf32, #tpu.memory_space<hbm>>
    %dma_wait3A_279 = arith.constant 0 : i32
    %dma_wait3A_280 = tpu.memref_slice %arg5[%add3A_110, %dma_wait3A_279] : memref<32768x128xf32, #tpu.memory_space<hbm>> -> memref<64x128xf32, #tpu.memory_space<hbm>>
    %dma_wait3A_281 = arith.constant 0 : i32
    %dma_wait3A_282 = arith.constant 128 : i32
    %dma_wait3A_283 = tpu.memref_slice %arg7[%dma_wait3A_272, %dma_wait3A_281, %dma_wait3A_282] : memref<7x64x256xf32, #tpu.memory_space<vmem>> -> memref<1x64x128xf32, #tpu.memory_space<vmem>>
    %dma_wait3A_284 = tpu.memref_squeeze %dma_wait3A_283 : memref<1x64x128xf32, #tpu.memory_space<vmem>> -> memref<64x128xf32, #tpu.memory_space<vmem>>
    tpu.wait_dma2 semaphore(%arg16 : memref<!tpu.dma_semaphore, #tpu.memory_space<semaphore_mem>>) src(%dma_wait3A_284 : memref<64x128xf32, #tpu.memory_space<vmem>>) dst(%dma_wait3A_280 : memref<64x128xf32, #tpu.memory_space<hbm>>)
    %dma_start3A_285 = arith.constant 1 : i32
    %dma_start3A_286 = arith.constant 0 : i32
    %dma_start3A_287 = arith.constant 0 : i32
    %dma_start3A_288 = tpu.memref_slice %arg7[%dma_start3A_285, %dma_start3A_286, %dma_start3A_287] : memref<7x64x256xf32, #tpu.memory_space<vmem>> -> memref<1x64x256xf32, #tpu.memory_space<vmem>>
    %dma_start3A_289 = tpu.memref_squeeze %dma_start3A_288 : memref<1x64x256xf32, #tpu.memory_space<vmem>> -> memref<64x256xf32, #tpu.memory_space<vmem>>
    %dma_start3A_290 = arith.constant 512 : i32
    %dma_start3A_291 = tpu.memref_slice %arg6[%dma_start3A_290] : memref<1024xi32, #tpu.memory_space<vmem>> -> memref<64xi32, #tpu.memory_space<vmem>>
    %dma_start3A_292 = arith.constant 0 : i32
    %dma_start3A_293 = arith.constant 0 : i32
    %dma_start3A_294 = tpu.memref_slice %arg2[%dma_start3A_292, %dma_start3A_293] : memref<8192x256xf32, #tpu.memory_space<hbm>> -> memref<8192x256xf32, #tpu.memory_space<hbm>>
    tpu.enqueue_indirect_dma source(%dma_start3A_294 : memref<8192x256xf32, #tpu.memory_space<hbm>>) target(%dma_start3A_289 : memref<64x256xf32, #tpu.memory_space<vmem>>) offsets(%dma_start3A_291 : memref<64xi32, #tpu.memory_space<vmem>>) semaphore(%arg9 : memref<!tpu.dma_semaphore, #tpu.memory_space<semaphore_mem>>)
    %dma_wait3A_295 = arith.constant 4 : i32
    %dma_wait3A_296 = arith.constant 0 : i32
    %dma_wait3A_297 = arith.constant 0 : i32
    %dma_wait3A_298 = tpu.memref_slice %arg7[%dma_wait3A_295, %dma_wait3A_296, %dma_wait3A_297] : memref<7x64x256xf32, #tpu.memory_space<vmem>> -> memref<1x64x256xf32, #tpu.memory_space<vmem>>
    %dma_wait3A_299 = tpu.memref_squeeze %dma_wait3A_298 : memref<1x64x256xf32, #tpu.memory_space<vmem>> -> memref<64x256xf32, #tpu.memory_space<vmem>>
    %dma_wait3A_300 = arith.constant 256 : i32
    %dma_wait3A_301 = tpu.memref_slice %arg6[%dma_wait3A_300] : memref<1024xi32, #tpu.memory_space<vmem>> -> memref<64xi32, #tpu.memory_space<vmem>>
    %dma_wait3A_302 = arith.constant 0 : i32
    %dma_wait3A_303 = arith.constant 0 : i32
    %dma_wait3A_304 = tpu.memref_slice %arg2[%dma_wait3A_302, %dma_wait3A_303] : memref<8192x256xf32, #tpu.memory_space<hbm>> -> memref<8192x256xf32, #tpu.memory_space<hbm>>
    tpu.wait_indirect_dma semaphore(%arg12 : memref<!tpu.dma_semaphore, #tpu.memory_space<semaphore_mem>>) src(%dma_wait3A_304 : memref<8192x256xf32, #tpu.memory_space<hbm>>) dst(%dma_wait3A_299 : memref<64x256xf32, #tpu.memory_space<vmem>>)
    %add3A_305 = arith.constant 256 : i32
    %add3A_306 = arith.addi %mul3A_2, %add3A_305 : i32
    %dma_start3A_307 = arith.constant 4 : i32
    %dma_start3A_308 = arith.constant 0 : i32
    %dma_start3A_309 = arith.constant 0 : i32
    %dma_start3A_310 = tpu.memref_slice %arg7[%dma_start3A_307, %dma_start3A_308, %dma_start3A_309] : memref<7x64x256xf32, #tpu.memory_space<vmem>> -> memref<1x64x128xf32, #tpu.memory_space<vmem>>
    %dma_start3A_311 = tpu.memref_squeeze %dma_start3A_310 : memref<1x64x128xf32, #tpu.memory_space<vmem>> -> memref<64x128xf32, #tpu.memory_space<vmem>>
    %dma_start3A_312 = arith.constant 0 : i32
    %dma_start3A_313 = tpu.memref_slice %arg4[%add3A_306, %dma_start3A_312] : memref<32768x128xf32, #tpu.memory_space<hbm>> -> memref<64x128xf32, #tpu.memory_space<hbm>>
    %dma_start3A_314 = arith.constant 0 : i32
    %dma_start3A_315 = tpu.memref_slice %arg4[%add3A_306, %dma_start3A_314] : memref<32768x128xf32, #tpu.memory_space<hbm>> -> memref<64x128xf32, #tpu.memory_space<hbm>>
    %dma_start3A_316 = arith.constant 0 : i32
    %dma_start3A_317 = arith.constant 0 : i32
    %dma_start3A_318 = tpu.memref_slice %arg7[%dma_start3A_307, %dma_start3A_316, %dma_start3A_317] : memref<7x64x256xf32, #tpu.memory_space<vmem>> -> memref<1x64x128xf32, #tpu.memory_space<vmem>>
    %dma_start3A_319 = tpu.memref_squeeze %dma_start3A_318 : memref<1x64x128xf32, #tpu.memory_space<vmem>> -> memref<64x128xf32, #tpu.memory_space<vmem>>
    tpu.enqueue_dma source(%dma_start3A_319 : memref<64x128xf32, #tpu.memory_space<vmem>>) target(%dma_start3A_315 : memref<64x128xf32, #tpu.memory_space<hbm>>) target_semaphore(%arg19 : memref<!tpu.dma_semaphore, #tpu.memory_space<semaphore_mem>>)
    %dma_start3A_320 = arith.constant 4 : i32
    %dma_start3A_321 = arith.constant 0 : i32
    %dma_start3A_322 = arith.constant 128 : i32
    %dma_start3A_323 = tpu.memref_slice %arg7[%dma_start3A_320, %dma_start3A_321, %dma_start3A_322] : memref<7x64x256xf32, #tpu.memory_space<vmem>> -> memref<1x64x128xf32, #tpu.memory_space<vmem>>
    %dma_start3A_324 = tpu.memref_squeeze %dma_start3A_323 : memref<1x64x128xf32, #tpu.memory_space<vmem>> -> memref<64x128xf32, #tpu.memory_space<vmem>>
    %dma_start3A_325 = arith.constant 0 : i32
    %dma_start3A_326 = tpu.memref_slice %arg5[%add3A_306, %dma_start3A_325] : memref<32768x128xf32, #tpu.memory_space<hbm>> -> memref<64x128xf32, #tpu.memory_space<hbm>>
    %dma_start3A_327 = arith.constant 0 : i32
    %dma_start3A_328 = tpu.memref_slice %arg5[%add3A_306, %dma_start3A_327] : memref<32768x128xf32, #tpu.memory_space<hbm>> -> memref<64x128xf32, #tpu.memory_space<hbm>>
    %dma_start3A_329 = arith.constant 0 : i32
    %dma_start3A_330 = arith.constant 128 : i32
    %dma_start3A_331 = tpu.memref_slice %arg7[%dma_start3A_320, %dma_start3A_329, %dma_start3A_330] : memref<7x64x256xf32, #tpu.memory_space<vmem>> -> memref<1x64x128xf32, #tpu.memory_space<vmem>>
    %dma_start3A_332 = tpu.memref_squeeze %dma_start3A_331 : memref<1x64x128xf32, #tpu.memory_space<vmem>> -> memref<64x128xf32, #tpu.memory_space<vmem>>
    tpu.enqueue_dma source(%dma_start3A_332 : memref<64x128xf32, #tpu.memory_space<vmem>>) target(%dma_start3A_328 : memref<64x128xf32, #tpu.memory_space<hbm>>) target_semaphore(%arg19 : memref<!tpu.dma_semaphore, #tpu.memory_space<semaphore_mem>>)
    %dma_wait3A_333 = arith.constant 2 : i32
    %dma_wait3A_334 = arith.constant 0 : i32
    %dma_wait3A_335 = arith.constant 0 : i32
    %dma_wait3A_336 = tpu.memref_slice %arg7[%dma_wait3A_333, %dma_wait3A_334, %dma_wait3A_335] : memref<7x64x256xf32, #tpu.memory_space<vmem>> -> memref<1x64x128xf32, #tpu.memory_space<vmem>>
    %dma_wait3A_337 = tpu.memref_squeeze %dma_wait3A_336 : memref<1x64x128xf32, #tpu.memory_space<vmem>> -> memref<64x128xf32, #tpu.memory_space<vmem>>
    %dma_wait3A_338 = arith.constant 0 : i32
    %dma_wait3A_339 = tpu.memref_slice %arg4[%add3A_158, %dma_wait3A_338] : memref<32768x128xf32, #tpu.memory_space<hbm>> -> memref<64x128xf32, #tpu.memory_space<hbm>>
    %dma_wait3A_340 = arith.constant 0 : i32
    %dma_wait3A_341 = tpu.memref_slice %arg4[%add3A_158, %dma_wait3A_340] : memref<32768x128xf32, #tpu.memory_space<hbm>> -> memref<64x128xf32, #tpu.memory_space<hbm>>
    %dma_wait3A_342 = arith.constant 0 : i32
    %dma_wait3A_343 = arith.constant 0 : i32
    %dma_wait3A_344 = tpu.memref_slice %arg7[%dma_wait3A_333, %dma_wait3A_342, %dma_wait3A_343] : memref<7x64x256xf32, #tpu.memory_space<vmem>> -> memref<1x64x128xf32, #tpu.memory_space<vmem>>
    %dma_wait3A_345 = tpu.memref_squeeze %dma_wait3A_344 : memref<1x64x128xf32, #tpu.memory_space<vmem>> -> memref<64x128xf32, #tpu.memory_space<vmem>>
    tpu.wait_dma2 semaphore(%arg17 : memref<!tpu.dma_semaphore, #tpu.memory_space<semaphore_mem>>) src(%dma_wait3A_345 : memref<64x128xf32, #tpu.memory_space<vmem>>) dst(%dma_wait3A_341 : memref<64x128xf32, #tpu.memory_space<hbm>>)
    %dma_wait3A_346 = arith.constant 2 : i32
    %dma_wait3A_347 = arith.constant 0 : i32
    %dma_wait3A_348 = arith.constant 128 : i32
    %dma_wait3A_349 = tpu.memref_slice %arg7[%dma_wait3A_346, %dma_wait3A_347, %dma_wait3A_348] : memref<7x64x256xf32, #tpu.memory_space<vmem>> -> memref<1x64x128xf32, #tpu.memory_space<vmem>>
    %dma_wait3A_350 = tpu.memref_squeeze %dma_wait3A_349 : memref<1x64x128xf32, #tpu.memory_space<vmem>> -> memref<64x128xf32, #tpu.memory_space<vmem>>
    %dma_wait3A_351 = arith.constant 0 : i32
    %dma_wait3A_352 = tpu.memref_slice %arg5[%add3A_158, %dma_wait3A_351] : memref<32768x128xf32, #tpu.memory_space<hbm>> -> memref<64x128xf32, #tpu.memory_space<hbm>>
    %dma_wait3A_353 = arith.constant 0 : i32
    %dma_wait3A_354 = tpu.memref_slice %arg5[%add3A_158, %dma_wait3A_353] : memref<32768x128xf32, #tpu.memory_space<hbm>> -> memref<64x128xf32, #tpu.memory_space<hbm>>
    %dma_wait3A_355 = arith.constant 0 : i32
    %dma_wait3A_356 = arith.constant 128 : i32
    %dma_wait3A_357 = tpu.memref_slice %arg7[%dma_wait3A_346, %dma_wait3A_355, %dma_wait3A_356] : memref<7x64x256xf32, #tpu.memory_space<vmem>> -> memref<1x64x128xf32, #tpu.memory_space<vmem>>
    %dma_wait3A_358 = tpu.memref_squeeze %dma_wait3A_357 : memref<1x64x128xf32, #tpu.memory_space<vmem>> -> memref<64x128xf32, #tpu.memory_space<vmem>>
    tpu.wait_dma2 semaphore(%arg17 : memref<!tpu.dma_semaphore, #tpu.memory_space<semaphore_mem>>) src(%dma_wait3A_358 : memref<64x128xf32, #tpu.memory_space<vmem>>) dst(%dma_wait3A_354 : memref<64x128xf32, #tpu.memory_space<hbm>>)
    %dma_start3A_359 = arith.constant 2 : i32
    %dma_start3A_360 = arith.constant 0 : i32
    %dma_start3A_361 = arith.constant 0 : i32
    %dma_start3A_362 = tpu.memref_slice %arg7[%dma_start3A_359, %dma_start3A_360, %dma_start3A_361] : memref<7x64x256xf32, #tpu.memory_space<vmem>> -> memref<1x64x256xf32, #tpu.memory_space<vmem>>
    %dma_start3A_363 = tpu.memref_squeeze %dma_start3A_362 : memref<1x64x256xf32, #tpu.memory_space<vmem>> -> memref<64x256xf32, #tpu.memory_space<vmem>>
    %dma_start3A_364 = arith.constant 576 : i32
    %dma_start3A_365 = tpu.memref_slice %arg6[%dma_start3A_364] : memref<1024xi32, #tpu.memory_space<vmem>> -> memref<64xi32, #tpu.memory_space<vmem>>
    %dma_start3A_366 = arith.constant 0 : i32
    %dma_start3A_367 = arith.constant 0 : i32
    %dma_start3A_368 = tpu.memref_slice %arg2[%dma_start3A_366, %dma_start3A_367] : memref<8192x256xf32, #tpu.memory_space<hbm>> -> memref<8192x256xf32, #tpu.memory_space<hbm>>
    tpu.enqueue_indirect_dma source(%dma_start3A_368 : memref<8192x256xf32, #tpu.memory_space<hbm>>) target(%dma_start3A_363 : memref<64x256xf32, #tpu.memory_space<vmem>>) offsets(%dma_start3A_365 : memref<64xi32, #tpu.memory_space<vmem>>) semaphore(%arg10 : memref<!tpu.dma_semaphore, #tpu.memory_space<semaphore_mem>>)
    %dma_wait3A_369 = arith.constant 5 : i32
    %dma_wait3A_370 = arith.constant 0 : i32
    %dma_wait3A_371 = arith.constant 0 : i32
    %dma_wait3A_372 = tpu.memref_slice %arg7[%dma_wait3A_369, %dma_wait3A_370, %dma_wait3A_371] : memref<7x64x256xf32, #tpu.memory_space<vmem>> -> memref<1x64x256xf32, #tpu.memory_space<vmem>>
    %dma_wait3A_373 = tpu.memref_squeeze %dma_wait3A_372 : memref<1x64x256xf32, #tpu.memory_space<vmem>> -> memref<64x256xf32, #tpu.memory_space<vmem>>
    %dma_wait3A_374 = arith.constant 320 : i32
    %dma_wait3A_375 = tpu.memref_slice %arg6[%dma_wait3A_374] : memref<1024xi32, #tpu.memory_space<vmem>> -> memref<64xi32, #tpu.memory_space<vmem>>
    %dma_wait3A_376 = arith.constant 0 : i32
    %dma_wait3A_377 = arith.constant 0 : i32
    %dma_wait3A_378 = tpu.memref_slice %arg2[%dma_wait3A_376, %dma_wait3A_377] : memref<8192x256xf32, #tpu.memory_space<hbm>> -> memref<8192x256xf32, #tpu.memory_space<hbm>>
    tpu.wait_indirect_dma semaphore(%arg13 : memref<!tpu.dma_semaphore, #tpu.memory_space<semaphore_mem>>) src(%dma_wait3A_378 : memref<8192x256xf32, #tpu.memory_space<hbm>>) dst(%dma_wait3A_373 : memref<64x256xf32, #tpu.memory_space<vmem>>)
    %add3A_379 = arith.constant 320 : i32
    %add3A_380 = arith.addi %mul3A_2, %add3A_379 : i32
    %dma_start3A_381 = arith.constant 5 : i32
    %dma_start3A_382 = arith.constant 0 : i32
    %dma_start3A_383 = arith.constant 0 : i32
    %dma_start3A_384 = tpu.memref_slice %arg7[%dma_start3A_381, %dma_start3A_382, %dma_start3A_383] : memref<7x64x256xf32, #tpu.memory_space<vmem>> -> memref<1x64x128xf32, #tpu.memory_space<vmem>>
    %dma_start3A_385 = tpu.memref_squeeze %dma_start3A_384 : memref<1x64x128xf32, #tpu.memory_space<vmem>> -> memref<64x128xf32, #tpu.memory_space<vmem>>
    %dma_start3A_386 = arith.constant 0 : i32
    %dma_start3A_387 = tpu.memref_slice %arg4[%add3A_380, %dma_start3A_386] : memref<32768x128xf32, #tpu.memory_space<hbm>> -> memref<64x128xf32, #tpu.memory_space<hbm>>
    %dma_start3A_388 = arith.constant 0 : i32
    %dma_start3A_389 = tpu.memref_slice %arg4[%add3A_380, %dma_start3A_388] : memref<32768x128xf32, #tpu.memory_space<hbm>> -> memref<64x128xf32, #tpu.memory_space<hbm>>
    %dma_start3A_390 = arith.constant 0 : i32
    %dma_start3A_391 = arith.constant 0 : i32
    %dma_start3A_392 = tpu.memref_slice %arg7[%dma_start3A_381, %dma_start3A_390, %dma_start3A_391] : memref<7x64x256xf32, #tpu.memory_space<vmem>> -> memref<1x64x128xf32, #tpu.memory_space<vmem>>
    %dma_start3A_393 = tpu.memref_squeeze %dma_start3A_392 : memref<1x64x128xf32, #tpu.memory_space<vmem>> -> memref<64x128xf32, #tpu.memory_space<vmem>>
    tpu.enqueue_dma source(%dma_start3A_393 : memref<64x128xf32, #tpu.memory_space<vmem>>) target(%dma_start3A_389 : memref<64x128xf32, #tpu.memory_space<hbm>>) target_semaphore(%arg20 : memref<!tpu.dma_semaphore, #tpu.memory_space<semaphore_mem>>)
    %dma_start3A_394 = arith.constant 5 : i32
    %dma_start3A_395 = arith.constant 0 : i32
    %dma_start3A_396 = arith.constant 128 : i32
    %dma_start3A_397 = tpu.memref_slice %arg7[%dma_start3A_394, %dma_start3A_395, %dma_start3A_396] : memref<7x64x256xf32, #tpu.memory_space<vmem>> -> memref<1x64x128xf32, #tpu.memory_space<vmem>>
    %dma_start3A_398 = tpu.memref_squeeze %dma_start3A_397 : memref<1x64x128xf32, #tpu.memory_space<vmem>> -> memref<64x128xf32, #tpu.memory_space<vmem>>
    %dma_start3A_399 = arith.constant 0 : i32
    %dma_start3A_400 = tpu.memref_slice %arg5[%add3A_380, %dma_start3A_399] : memref<32768x128xf32, #tpu.memory_space<hbm>> -> memref<64x128xf32, #tpu.memory_space<hbm>>
    %dma_start3A_401 = arith.constant 0 : i32
    %dma_start3A_402 = tpu.memref_slice %arg5[%add3A_380, %dma_start3A_401] : memref<32768x128xf32, #tpu.memory_space<hbm>> -> memref<64x128xf32, #tpu.memory_space<hbm>>
    %dma_start3A_403 = arith.constant 0 : i32
    %dma_start3A_404 = arith.constant 128 : i32
    %dma_start3A_405 = tpu.memref_slice %arg7[%dma_start3A_394, %dma_start3A_403, %dma_start3A_404] : memref<7x64x256xf32, #tpu.memory_space<vmem>> -> memref<1x64x128xf32, #tpu.memory_space<vmem>>
    %dma_start3A_406 = tpu.memref_squeeze %dma_start3A_405 : memref<1x64x128xf32, #tpu.memory_space<vmem>> -> memref<64x128xf32, #tpu.memory_space<vmem>>
    tpu.enqueue_dma source(%dma_start3A_406 : memref<64x128xf32, #tpu.memory_space<vmem>>) target(%dma_start3A_402 : memref<64x128xf32, #tpu.memory_space<hbm>>) target_semaphore(%arg20 : memref<!tpu.dma_semaphore, #tpu.memory_space<semaphore_mem>>)
    %dma_wait3A_407 = arith.constant 3 : i32
    %dma_wait3A_408 = arith.constant 0 : i32
    %dma_wait3A_409 = arith.constant 0 : i32
    %dma_wait3A_410 = tpu.memref_slice %arg7[%dma_wait3A_407, %dma_wait3A_408, %dma_wait3A_409] : memref<7x64x256xf32, #tpu.memory_space<vmem>> -> memref<1x64x128xf32, #tpu.memory_space<vmem>>
    %dma_wait3A_411 = tpu.memref_squeeze %dma_wait3A_410 : memref<1x64x128xf32, #tpu.memory_space<vmem>> -> memref<64x128xf32, #tpu.memory_space<vmem>>
    %dma_wait3A_412 = arith.constant 0 : i32
    %dma_wait3A_413 = tpu.memref_slice %arg4[%add3A_232, %dma_wait3A_412] : memref<32768x128xf32, #tpu.memory_space<hbm>> -> memref<64x128xf32, #tpu.memory_space<hbm>>
    %dma_wait3A_414 = arith.constant 0 : i32
    %dma_wait3A_415 = tpu.memref_slice %arg4[%add3A_232, %dma_wait3A_414] : memref<32768x128xf32, #tpu.memory_space<hbm>> -> memref<64x128xf32, #tpu.memory_space<hbm>>
    %dma_wait3A_416 = arith.constant 0 : i32
    %dma_wait3A_417 = arith.constant 0 : i32
    %dma_wait3A_418 = tpu.memref_slice %arg7[%dma_wait3A_407, %dma_wait3A_416, %dma_wait3A_417] : memref<7x64x256xf32, #tpu.memory_space<vmem>> -> memref<1x64x128xf32, #tpu.memory_space<vmem>>
    %dma_wait3A_419 = tpu.memref_squeeze %dma_wait3A_418 : memref<1x64x128xf32, #tpu.memory_space<vmem>> -> memref<64x128xf32, #tpu.memory_space<vmem>>
    tpu.wait_dma2 semaphore(%arg18 : memref<!tpu.dma_semaphore, #tpu.memory_space<semaphore_mem>>) src(%dma_wait3A_419 : memref<64x128xf32, #tpu.memory_space<vmem>>) dst(%dma_wait3A_415 : memref<64x128xf32, #tpu.memory_space<hbm>>)
    %dma_wait3A_420 = arith.constant 3 : i32
    %dma_wait3A_421 = arith.constant 0 : i32
    %dma_wait3A_422 = arith.constant 128 : i32
    %dma_wait3A_423 = tpu.memref_slice %arg7[%dma_wait3A_420, %dma_wait3A_421, %dma_wait3A_422] : memref<7x64x256xf32, #tpu.memory_space<vmem>> -> memref<1x64x128xf32, #tpu.memory_space<vmem>>
    %dma_wait3A_424 = tpu.memref_squeeze %dma_wait3A_423 : memref<1x64x128xf32, #tpu.memory_space<vmem>> -> memref<64x128xf32, #tpu.memory_space<vmem>>
    %dma_wait3A_425 = arith.constant 0 : i32
    %dma_wait3A_426 = tpu.memref_slice %arg5[%add3A_232, %dma_wait3A_425] : memref<32768x128xf32, #tpu.memory_space<hbm>> -> memref<64x128xf32, #tpu.memory_space<hbm>>
    %dma_wait3A_427 = arith.constant 0 : i32
    %dma_wait3A_428 = tpu.memref_slice %arg5[%add3A_232, %dma_wait3A_427] : memref<32768x128xf32, #tpu.memory_space<hbm>> -> memref<64x128xf32, #tpu.memory_space<hbm>>
    %dma_wait3A_429 = arith.constant 0 : i32
    %dma_wait3A_430 = arith.constant 128 : i32
    %dma_wait3A_431 = tpu.memref_slice %arg7[%dma_wait3A_420, %dma_wait3A_429, %dma_wait3A_430] : memref<7x64x256xf32, #tpu.memory_space<vmem>> -> memref<1x64x128xf32, #tpu.memory_space<vmem>>
    %dma_wait3A_432 = tpu.memref_squeeze %dma_wait3A_431 : memref<1x64x128xf32, #tpu.memory_space<vmem>> -> memref<64x128xf32, #tpu.memory_space<vmem>>
    tpu.wait_dma2 semaphore(%arg18 : memref<!tpu.dma_semaphore, #tpu.memory_space<semaphore_mem>>) src(%dma_wait3A_432 : memref<64x128xf32, #tpu.memory_space<vmem>>) dst(%dma_wait3A_428 : memref<64x128xf32, #tpu.memory_space<hbm>>)
    %dma_start3A_433 = arith.constant 3 : i32
    %dma_start3A_434 = arith.constant 0 : i32
    %dma_start3A_435 = arith.constant 0 : i32
    %dma_start3A_436 = tpu.memref_slice %arg7[%dma_start3A_433, %dma_start3A_434, %dma_start3A_435] : memref<7x64x256xf32, #tpu.memory_space<vmem>> -> memref<1x64x256xf32, #tpu.memory_space<vmem>>
    %dma_start3A_437 = tpu.memref_squeeze %dma_start3A_436 : memref<1x64x256xf32, #tpu.memory_space<vmem>> -> memref<64x256xf32, #tpu.memory_space<vmem>>
    %dma_start3A_438 = arith.constant 640 : i32
    %dma_start3A_439 = tpu.memref_slice %arg6[%dma_start3A_438] : memref<1024xi32, #tpu.memory_space<vmem>> -> memref<64xi32, #tpu.memory_space<vmem>>
    %dma_start3A_440 = arith.constant 0 : i32
    %dma_start3A_441 = arith.constant 0 : i32
    %dma_start3A_442 = tpu.memref_slice %arg2[%dma_start3A_440, %dma_start3A_441] : memref<8192x256xf32, #tpu.memory_space<hbm>> -> memref<8192x256xf32, #tpu.memory_space<hbm>>
    tpu.enqueue_indirect_dma source(%dma_start3A_442 : memref<8192x256xf32, #tpu.memory_space<hbm>>) target(%dma_start3A_437 : memref<64x256xf32, #tpu.memory_space<vmem>>) offsets(%dma_start3A_439 : memref<64xi32, #tpu.memory_space<vmem>>) semaphore(%arg11 : memref<!tpu.dma_semaphore, #tpu.memory_space<semaphore_mem>>)
    %dma_wait3A_443 = arith.constant 6 : i32
    %dma_wait3A_444 = arith.constant 0 : i32
    %dma_wait3A_445 = arith.constant 0 : i32
    %dma_wait3A_446 = tpu.memref_slice %arg7[%dma_wait3A_443, %dma_wait3A_444, %dma_wait3A_445] : memref<7x64x256xf32, #tpu.memory_space<vmem>> -> memref<1x64x256xf32, #tpu.memory_space<vmem>>
    %dma_wait3A_447 = tpu.memref_squeeze %dma_wait3A_446 : memref<1x64x256xf32, #tpu.memory_space<vmem>> -> memref<64x256xf32, #tpu.memory_space<vmem>>
    %dma_wait3A_448 = arith.constant 384 : i32
    %dma_wait3A_449 = tpu.memref_slice %arg6[%dma_wait3A_448] : memref<1024xi32, #tpu.memory_space<vmem>> -> memref<64xi32, #tpu.memory_space<vmem>>
    %dma_wait3A_450 = arith.constant 0 : i32
    %dma_wait3A_451 = arith.constant 0 : i32
    %dma_wait3A_452 = tpu.memref_slice %arg2[%dma_wait3A_450, %dma_wait3A_451] : memref<8192x256xf32, #tpu.memory_space<hbm>> -> memref<8192x256xf32, #tpu.memory_space<hbm>>
    tpu.wait_indirect_dma semaphore(%arg14 : memref<!tpu.dma_semaphore, #tpu.memory_space<semaphore_mem>>) src(%dma_wait3A_452 : memref<8192x256xf32, #tpu.memory_space<hbm>>) dst(%dma_wait3A_447 : memref<64x256xf32, #tpu.memory_space<vmem>>)
    %add3A_453 = arith.constant 384 : i32
    %add3A_454 = arith.addi %mul3A_2, %add3A_453 : i32
    %dma_start3A_455 = arith.constant 6 : i32
    %dma_start3A_456 = arith.constant 0 : i32
    %dma_start3A_457 = arith.constant 0 : i32
    %dma_start3A_458 = tpu.memref_slice %arg7[%dma_start3A_455, %dma_start3A_456, %dma_start3A_457] : memref<7x64x256xf32, #tpu.memory_space<vmem>> -> memref<1x64x128xf32, #tpu.memory_space<vmem>>
    %dma_start3A_459 = tpu.memref_squeeze %dma_start3A_458 : memref<1x64x128xf32, #tpu.memory_space<vmem>> -> memref<64x128xf32, #tpu.memory_space<vmem>>
    %dma_start3A_460 = arith.constant 0 : i32
    %dma_start3A_461 = tpu.memref_slice %arg4[%add3A_454, %dma_start3A_460] : memref<32768x128xf32, #tpu.memory_space<hbm>> -> memref<64x128xf32, #tpu.memory_space<hbm>>
    %dma_start3A_462 = arith.constant 0 : i32
    %dma_start3A_463 = tpu.memref_slice %arg4[%add3A_454, %dma_start3A_462] : memref<32768x128xf32, #tpu.memory_space<hbm>> -> memref<64x128xf32, #tpu.memory_space<hbm>>
    %dma_start3A_464 = arith.constant 0 : i32
    %dma_start3A_465 = arith.constant 0 : i32
    %dma_start3A_466 = tpu.memref_slice %arg7[%dma_start3A_455, %dma_start3A_464, %dma_start3A_465] : memref<7x64x256xf32, #tpu.memory_space<vmem>> -> memref<1x64x128xf32, #tpu.memory_space<vmem>>
    %dma_start3A_467 = tpu.memref_squeeze %dma_start3A_466 : memref<1x64x128xf32, #tpu.memory_space<vmem>> -> memref<64x128xf32, #tpu.memory_space<vmem>>
    tpu.enqueue_dma source(%dma_start3A_467 : memref<64x128xf32, #tpu.memory_space<vmem>>) target(%dma_start3A_463 : memref<64x128xf32, #tpu.memory_space<hbm>>) target_semaphore(%arg21 : memref<!tpu.dma_semaphore, #tpu.memory_space<semaphore_mem>>)
    %dma_start3A_468 = arith.constant 6 : i32
    %dma_start3A_469 = arith.constant 0 : i32
    %dma_start3A_470 = arith.constant 128 : i32
    %dma_start3A_471 = tpu.memref_slice %arg7[%dma_start3A_468, %dma_start3A_469, %dma_start3A_470] : memref<7x64x256xf32, #tpu.memory_space<vmem>> -> memref<1x64x128xf32, #tpu.memory_space<vmem>>
    %dma_start3A_472 = tpu.memref_squeeze %dma_start3A_471 : memref<1x64x128xf32, #tpu.memory_space<vmem>> -> memref<64x128xf32, #tpu.memory_space<vmem>>
    %dma_start3A_473 = arith.constant 0 : i32
    %dma_start3A_474 = tpu.memref_slice %arg5[%add3A_454, %dma_start3A_473] : memref<32768x128xf32, #tpu.memory_space<hbm>> -> memref<64x128xf32, #tpu.memory_space<hbm>>
    %dma_start3A_475 = arith.constant 0 : i32
    %dma_start3A_476 = tpu.memref_slice %arg5[%add3A_454, %dma_start3A_475] : memref<32768x128xf32, #tpu.memory_space<hbm>> -> memref<64x128xf32, #tpu.memory_space<hbm>>
    %dma_start3A_477 = arith.constant 0 : i32
    %dma_start3A_478 = arith.constant 128 : i32
    %dma_start3A_479 = tpu.memref_slice %arg7[%dma_start3A_468, %dma_start3A_477, %dma_start3A_478] : memref<7x64x256xf32, #tpu.memory_space<vmem>> -> memref<1x64x128xf32, #tpu.memory_space<vmem>>
    %dma_start3A_480 = tpu.memref_squeeze %dma_start3A_479 : memref<1x64x128xf32, #tpu.memory_space<vmem>> -> memref<64x128xf32, #tpu.memory_space<vmem>>
    tpu.enqueue_dma source(%dma_start3A_480 : memref<64x128xf32, #tpu.memory_space<vmem>>) target(%dma_start3A_476 : memref<64x128xf32, #tpu.memory_space<hbm>>) target_semaphore(%arg21 : memref<!tpu.dma_semaphore, #tpu.memory_space<semaphore_mem>>)
    %dma_wait3A_481 = arith.constant 4 : i32
    %dma_wait3A_482 = arith.constant 0 : i32
    %dma_wait3A_483 = arith.constant 0 : i32
    %dma_wait3A_484 = tpu.memref_slice %arg7[%dma_wait3A_481, %dma_wait3A_482, %dma_wait3A_483] : memref<7x64x256xf32, #tpu.memory_space<vmem>> -> memref<1x64x128xf32, #tpu.memory_space<vmem>>
    %dma_wait3A_485 = tpu.memref_squeeze %dma_wait3A_484 : memref<1x64x128xf32, #tpu.memory_space<vmem>> -> memref<64x128xf32, #tpu.memory_space<vmem>>
    %dma_wait3A_486 = arith.constant 0 : i32
    %dma_wait3A_487 = tpu.memref_slice %arg4[%add3A_306, %dma_wait3A_486] : memref<32768x128xf32, #tpu.memory_space<hbm>> -> memref<64x128xf32, #tpu.memory_space<hbm>>
    %dma_wait3A_488 = arith.constant 0 : i32
    %dma_wait3A_489 = tpu.memref_slice %arg4[%add3A_306, %dma_wait3A_488] : memref<32768x128xf32, #tpu.memory_space<hbm>> -> memref<64x128xf32, #tpu.memory_space<hbm>>
    %dma_wait3A_490 = arith.constant 0 : i32
    %dma_wait3A_491 = arith.constant 0 : i32
    %dma_wait3A_492 = tpu.memref_slice %arg7[%dma_wait3A_481, %dma_wait3A_490, %dma_wait3A_491] : memref<7x64x256xf32, #tpu.memory_space<vmem>> -> memref<1x64x128xf32, #tpu.memory_space<vmem>>
    %dma_wait3A_493 = tpu.memref_squeeze %dma_wait3A_492 : memref<1x64x128xf32, #tpu.memory_space<vmem>> -> memref<64x128xf32, #tpu.memory_space<vmem>>
    tpu.wait_dma2 semaphore(%arg19 : memref<!tpu.dma_semaphore, #tpu.memory_space<semaphore_mem>>) src(%dma_wait3A_493 : memref<64x128xf32, #tpu.memory_space<vmem>>) dst(%dma_wait3A_489 : memref<64x128xf32, #tpu.memory_space<hbm>>)
    %dma_wait3A_494 = arith.constant 4 : i32
    %dma_wait3A_495 = arith.constant 0 : i32
    %dma_wait3A_496 = arith.constant 128 : i32
    %dma_wait3A_497 = tpu.memref_slice %arg7[%dma_wait3A_494, %dma_wait3A_495, %dma_wait3A_496] : memref<7x64x256xf32, #tpu.memory_space<vmem>> -> memref<1x64x128xf32, #tpu.memory_space<vmem>>
    %dma_wait3A_498 = tpu.memref_squeeze %dma_wait3A_497 : memref<1x64x128xf32, #tpu.memory_space<vmem>> -> memref<64x128xf32, #tpu.memory_space<vmem>>
    %dma_wait3A_499 = arith.constant 0 : i32
    %dma_wait3A_500 = tpu.memref_slice %arg5[%add3A_306, %dma_wait3A_499] : memref<32768x128xf32, #tpu.memory_space<hbm>> -> memref<64x128xf32, #tpu.memory_space<hbm>>
    %dma_wait3A_501 = arith.constant 0 : i32
    %dma_wait3A_502 = tpu.memref_slice %arg5[%add3A_306, %dma_wait3A_501] : memref<32768x128xf32, #tpu.memory_space<hbm>> -> memref<64x128xf32, #tpu.memory_space<hbm>>
    %dma_wait3A_503 = arith.constant 0 : i32
    %dma_wait3A_504 = arith.constant 128 : i32
    %dma_wait3A_505 = tpu.memref_slice %arg7[%dma_wait3A_494, %dma_wait3A_503, %dma_wait3A_504] : memref<7x64x256xf32, #tpu.memory_space<vmem>> -> memref<1x64x128xf32, #tpu.memory_space<vmem>>
    %dma_wait3A_506 = tpu.memref_squeeze %dma_wait3A_505 : memref<1x64x128xf32, #tpu.memory_space<vmem>> -> memref<64x128xf32, #tpu.memory_space<vmem>>
    tpu.wait_dma2 semaphore(%arg19 : memref<!tpu.dma_semaphore, #tpu.memory_space<semaphore_mem>>) src(%dma_wait3A_506 : memref<64x128xf32, #tpu.memory_space<vmem>>) dst(%dma_wait3A_502 : memref<64x128xf32, #tpu.memory_space<hbm>>)
    %dma_start3A_507 = arith.constant 4 : i32
    %dma_start3A_508 = arith.constant 0 : i32
    %dma_start3A_509 = arith.constant 0 : i32
    %dma_start3A_510 = tpu.memref_slice %arg7[%dma_start3A_507, %dma_start3A_508, %dma_start3A_509] : memref<7x64x256xf32, #tpu.memory_space<vmem>> -> memref<1x64x256xf32, #tpu.memory_space<vmem>>
    %dma_start3A_511 = tpu.memref_squeeze %dma_start3A_510 : memref<1x64x256xf32, #tpu.memory_space<vmem>> -> memref<64x256xf32, #tpu.memory_space<vmem>>
    %dma_start3A_512 = arith.constant 704 : i32
    %dma_start3A_513 = tpu.memref_slice %arg6[%dma_start3A_512] : memref<1024xi32, #tpu.memory_space<vmem>> -> memref<64xi32, #tpu.memory_space<vmem>>
    %dma_start3A_514 = arith.constant 0 : i32
    %dma_start3A_515 = arith.constant 0 : i32
    %dma_start3A_516 = tpu.memref_slice %arg2[%dma_start3A_514, %dma_start3A_515] : memref<8192x256xf32, #tpu.memory_space<hbm>> -> memref<8192x256xf32, #tpu.memory_space<hbm>>
    tpu.enqueue_indirect_dma source(%dma_start3A_516 : memref<8192x256xf32, #tpu.memory_space<hbm>>) target(%dma_start3A_511 : memref<64x256xf32, #tpu.memory_space<vmem>>) offsets(%dma_start3A_513 : memref<64xi32, #tpu.memory_space<vmem>>) semaphore(%arg12 : memref<!tpu.dma_semaphore, #tpu.memory_space<semaphore_mem>>)
    %dma_wait3A_517 = arith.constant 0 : i32
    %dma_wait3A_518 = arith.constant 0 : i32
    %dma_wait3A_519 = arith.constant 0 : i32
    %dma_wait3A_520 = tpu.memref_slice %arg7[%dma_wait3A_517, %dma_wait3A_518, %dma_wait3A_519] : memref<7x64x256xf32, #tpu.memory_space<vmem>> -> memref<1x64x256xf32, #tpu.memory_space<vmem>>
    %dma_wait3A_521 = tpu.memref_squeeze %dma_wait3A_520 : memref<1x64x256xf32, #tpu.memory_space<vmem>> -> memref<64x256xf32, #tpu.memory_space<vmem>>
    %dma_wait3A_522 = arith.constant 448 : i32
    %dma_wait3A_523 = tpu.memref_slice %arg6[%dma_wait3A_522] : memref<1024xi32, #tpu.memory_space<vmem>> -> memref<64xi32, #tpu.memory_space<vmem>>
    %dma_wait3A_524 = arith.constant 0 : i32
    %dma_wait3A_525 = arith.constant 0 : i32
    %dma_wait3A_526 = tpu.memref_slice %arg2[%dma_wait3A_524, %dma_wait3A_525] : memref<8192x256xf32, #tpu.memory_space<hbm>> -> memref<8192x256xf32, #tpu.memory_space<hbm>>
    tpu.wait_indirect_dma semaphore(%arg8 : memref<!tpu.dma_semaphore, #tpu.memory_space<semaphore_mem>>) src(%dma_wait3A_526 : memref<8192x256xf32, #tpu.memory_space<hbm>>) dst(%dma_wait3A_521 : memref<64x256xf32, #tpu.memory_space<vmem>>)
    %add3A_527 = arith.constant 448 : i32
    %add3A_528 = arith.addi %mul3A_2, %add3A_527 : i32
    %dma_start3A_529 = arith.constant 0 : i32
    %dma_start3A_530 = arith.constant 0 : i32
    %dma_start3A_531 = arith.constant 0 : i32
    %dma_start3A_532 = tpu.memref_slice %arg7[%dma_start3A_529, %dma_start3A_530, %dma_start3A_531] : memref<7x64x256xf32, #tpu.memory_space<vmem>> -> memref<1x64x128xf32, #tpu.memory_space<vmem>>
    %dma_start3A_533 = tpu.memref_squeeze %dma_start3A_532 : memref<1x64x128xf32, #tpu.memory_space<vmem>> -> memref<64x128xf32, #tpu.memory_space<vmem>>
    %dma_start3A_534 = arith.constant 0 : i32
    %dma_start3A_535 = tpu.memref_slice %arg4[%add3A_528, %dma_start3A_534] : memref<32768x128xf32, #tpu.memory_space<hbm>> -> memref<64x128xf32, #tpu.memory_space<hbm>>
    %dma_start3A_536 = arith.constant 0 : i32
    %dma_start3A_537 = tpu.memref_slice %arg4[%add3A_528, %dma_start3A_536] : memref<32768x128xf32, #tpu.memory_space<hbm>> -> memref<64x128xf32, #tpu.memory_space<hbm>>
    %dma_start3A_538 = arith.constant 0 : i32
    %dma_start3A_539 = arith.constant 0 : i32
    %dma_start3A_540 = tpu.memref_slice %arg7[%dma_start3A_529, %dma_start3A_538, %dma_start3A_539] : memref<7x64x256xf32, #tpu.memory_space<vmem>> -> memref<1x64x128xf32, #tpu.memory_space<vmem>>
    %dma_start3A_541 = tpu.memref_squeeze %dma_start3A_540 : memref<1x64x128xf32, #tpu.memory_space<vmem>> -> memref<64x128xf32, #tpu.memory_space<vmem>>
    tpu.enqueue_dma source(%dma_start3A_541 : memref<64x128xf32, #tpu.memory_space<vmem>>) target(%dma_start3A_537 : memref<64x128xf32, #tpu.memory_space<hbm>>) target_semaphore(%arg15 : memref<!tpu.dma_semaphore, #tpu.memory_space<semaphore_mem>>)
    %dma_start3A_542 = arith.constant 0 : i32
    %dma_start3A_543 = arith.constant 0 : i32
    %dma_start3A_544 = arith.constant 128 : i32
    %dma_start3A_545 = tpu.memref_slice %arg7[%dma_start3A_542, %dma_start3A_543, %dma_start3A_544] : memref<7x64x256xf32, #tpu.memory_space<vmem>> -> memref<1x64x128xf32, #tpu.memory_space<vmem>>
    %dma_start3A_546 = tpu.memref_squeeze %dma_start3A_545 : memref<1x64x128xf32, #tpu.memory_space<vmem>> -> memref<64x128xf32, #tpu.memory_space<vmem>>
    %dma_start3A_547 = arith.constant 0 : i32
    %dma_start3A_548 = tpu.memref_slice %arg5[%add3A_528, %dma_start3A_547] : memref<32768x128xf32, #tpu.memory_space<hbm>> -> memref<64x128xf32, #tpu.memory_space<hbm>>
    %dma_start3A_549 = arith.constant 0 : i32
    %dma_start3A_550 = tpu.memref_slice %arg5[%add3A_528, %dma_start3A_549] : memref<32768x128xf32, #tpu.memory_space<hbm>> -> memref<64x128xf32, #tpu.memory_space<hbm>>
    %dma_start3A_551 = arith.constant 0 : i32
    %dma_start3A_552 = arith.constant 128 : i32
    %dma_start3A_553 = tpu.memref_slice %arg7[%dma_start3A_542, %dma_start3A_551, %dma_start3A_552] : memref<7x64x256xf32, #tpu.memory_space<vmem>> -> memref<1x64x128xf32, #tpu.memory_space<vmem>>
    %dma_start3A_554 = tpu.memref_squeeze %dma_start3A_553 : memref<1x64x128xf32, #tpu.memory_space<vmem>> -> memref<64x128xf32, #tpu.memory_space<vmem>>
    tpu.enqueue_dma source(%dma_start3A_554 : memref<64x128xf32, #tpu.memory_space<vmem>>) target(%dma_start3A_550 : memref<64x128xf32, #tpu.memory_space<hbm>>) target_semaphore(%arg15 : memref<!tpu.dma_semaphore, #tpu.memory_space<semaphore_mem>>)
    %dma_wait3A_555 = arith.constant 5 : i32
    %dma_wait3A_556 = arith.constant 0 : i32
    %dma_wait3A_557 = arith.constant 0 : i32
    %dma_wait3A_558 = tpu.memref_slice %arg7[%dma_wait3A_555, %dma_wait3A_556, %dma_wait3A_557] : memref<7x64x256xf32, #tpu.memory_space<vmem>> -> memref<1x64x128xf32, #tpu.memory_space<vmem>>
    %dma_wait3A_559 = tpu.memref_squeeze %dma_wait3A_558 : memref<1x64x128xf32, #tpu.memory_space<vmem>> -> memref<64x128xf32, #tpu.memory_space<vmem>>
    %dma_wait3A_560 = arith.constant 0 : i32
    %dma_wait3A_561 = tpu.memref_slice %arg4[%add3A_380, %dma_wait3A_560] : memref<32768x128xf32, #tpu.memory_space<hbm>> -> memref<64x128xf32, #tpu.memory_space<hbm>>
    %dma_wait3A_562 = arith.constant 0 : i32
    %dma_wait3A_563 = tpu.memref_slice %arg4[%add3A_380, %dma_wait3A_562] : memref<32768x128xf32, #tpu.memory_space<hbm>> -> memref<64x128xf32, #tpu.memory_space<hbm>>
    %dma_wait3A_564 = arith.constant 0 : i32
    %dma_wait3A_565 = arith.constant 0 : i32
    %dma_wait3A_566 = tpu.memref_slice %arg7[%dma_wait3A_555, %dma_wait3A_564, %dma_wait3A_565] : memref<7x64x256xf32, #tpu.memory_space<vmem>> -> memref<1x64x128xf32, #tpu.memory_space<vmem>>
    %dma_wait3A_567 = tpu.memref_squeeze %dma_wait3A_566 : memref<1x64x128xf32, #tpu.memory_space<vmem>> -> memref<64x128xf32, #tpu.memory_space<vmem>>
    tpu.wait_dma2 semaphore(%arg20 : memref<!tpu.dma_semaphore, #tpu.memory_space<semaphore_mem>>) src(%dma_wait3A_567 : memref<64x128xf32, #tpu.memory_space<vmem>>) dst(%dma_wait3A_563 : memref<64x128xf32, #tpu.memory_space<hbm>>)
    %dma_wait3A_568 = arith.constant 5 : i32
    %dma_wait3A_569 = arith.constant 0 : i32
    %dma_wait3A_570 = arith.constant 128 : i32
    %dma_wait3A_571 = tpu.memref_slice %arg7[%dma_wait3A_568, %dma_wait3A_569, %dma_wait3A_570] : memref<7x64x256xf32, #tpu.memory_space<vmem>> -> memref<1x64x128xf32, #tpu.memory_space<vmem>>
    %dma_wait3A_572 = tpu.memref_squeeze %dma_wait3A_571 : memref<1x64x128xf32, #tpu.memory_space<vmem>> -> memref<64x128xf32, #tpu.memory_space<vmem>>
    %dma_wait3A_573 = arith.constant 0 : i32
    %dma_wait3A_574 = tpu.memref_slice %arg5[%add3A_380, %dma_wait3A_573] : memref<32768x128xf32, #tpu.memory_space<hbm>> -> memref<64x128xf32, #tpu.memory_space<hbm>>
    %dma_wait3A_575 = arith.constant 0 : i32
    %dma_wait3A_576 = tpu.memref_slice %arg5[%add3A_380, %dma_wait3A_575] : memref<32768x128xf32, #tpu.memory_space<hbm>> -> memref<64x128xf32, #tpu.memory_space<hbm>>
    %dma_wait3A_577 = arith.constant 0 : i32
    %dma_wait3A_578 = arith.constant 128 : i32
    %dma_wait3A_579 = tpu.memref_slice %arg7[%dma_wait3A_568, %dma_wait3A_577, %dma_wait3A_578] : memref<7x64x256xf32, #tpu.memory_space<vmem>> -> memref<1x64x128xf32, #tpu.memory_space<vmem>>
    %dma_wait3A_580 = tpu.memref_squeeze %dma_wait3A_579 : memref<1x64x128xf32, #tpu.memory_space<vmem>> -> memref<64x128xf32, #tpu.memory_space<vmem>>
    tpu.wait_dma2 semaphore(%arg20 : memref<!tpu.dma_semaphore, #tpu.memory_space<semaphore_mem>>) src(%dma_wait3A_580 : memref<64x128xf32, #tpu.memory_space<vmem>>) dst(%dma_wait3A_576 : memref<64x128xf32, #tpu.memory_space<hbm>>)
    %dma_start3A_581 = arith.constant 5 : i32
    %dma_start3A_582 = arith.constant 0 : i32
    %dma_start3A_583 = arith.constant 0 : i32
    %dma_start3A_584 = tpu.memref_slice %arg7[%dma_start3A_581, %dma_start3A_582, %dma_start3A_583] : memref<7x64x256xf32, #tpu.memory_space<vmem>> -> memref<1x64x256xf32, #tpu.memory_space<vmem>>
    %dma_start3A_585 = tpu.memref_squeeze %dma_start3A_584 : memref<1x64x256xf32, #tpu.memory_space<vmem>> -> memref<64x256xf32, #tpu.memory_space<vmem>>
    %dma_start3A_586 = arith.constant 768 : i32
    %dma_start3A_587 = tpu.memref_slice %arg6[%dma_start3A_586] : memref<1024xi32, #tpu.memory_space<vmem>> -> memref<64xi32, #tpu.memory_space<vmem>>
    %dma_start3A_588 = arith.constant 0 : i32
    %dma_start3A_589 = arith.constant 0 : i32
    %dma_start3A_590 = tpu.memref_slice %arg2[%dma_start3A_588, %dma_start3A_589] : memref<8192x256xf32, #tpu.memory_space<hbm>> -> memref<8192x256xf32, #tpu.memory_space<hbm>>
    tpu.enqueue_indirect_dma source(%dma_start3A_590 : memref<8192x256xf32, #tpu.memory_space<hbm>>) target(%dma_start3A_585 : memref<64x256xf32, #tpu.memory_space<vmem>>) offsets(%dma_start3A_587 : memref<64xi32, #tpu.memory_space<vmem>>) semaphore(%arg13 : memref<!tpu.dma_semaphore, #tpu.memory_space<semaphore_mem>>)
    %dma_wait3A_591 = arith.constant 1 : i32
    %dma_wait3A_592 = arith.constant 0 : i32
    %dma_wait3A_593 = arith.constant 0 : i32
    %dma_wait3A_594 = tpu.memref_slice %arg7[%dma_wait3A_591, %dma_wait3A_592, %dma_wait3A_593] : memref<7x64x256xf32, #tpu.memory_space<vmem>> -> memref<1x64x256xf32, #tpu.memory_space<vmem>>
    %dma_wait3A_595 = tpu.memref_squeeze %dma_wait3A_594 : memref<1x64x256xf32, #tpu.memory_space<vmem>> -> memref<64x256xf32, #tpu.memory_space<vmem>>
    %dma_wait3A_596 = arith.constant 512 : i32
    %dma_wait3A_597 = tpu.memref_slice %arg6[%dma_wait3A_596] : memref<1024xi32, #tpu.memory_space<vmem>> -> memref<64xi32, #tpu.memory_space<vmem>>
    %dma_wait3A_598 = arith.constant 0 : i32
    %dma_wait3A_599 = arith.constant 0 : i32
    %dma_wait3A_600 = tpu.memref_slice %arg2[%dma_wait3A_598, %dma_wait3A_599] : memref<8192x256xf32, #tpu.memory_space<hbm>> -> memref<8192x256xf32, #tpu.memory_space<hbm>>
    tpu.wait_indirect_dma semaphore(%arg9 : memref<!tpu.dma_semaphore, #tpu.memory_space<semaphore_mem>>) src(%dma_wait3A_600 : memref<8192x256xf32, #tpu.memory_space<hbm>>) dst(%dma_wait3A_595 : memref<64x256xf32, #tpu.memory_space<vmem>>)
    %add3A_601 = arith.constant 512 : i32
    %add3A_602 = arith.addi %mul3A_2, %add3A_601 : i32
    %dma_start3A_603 = arith.constant 1 : i32
    %dma_start3A_604 = arith.constant 0 : i32
    %dma_start3A_605 = arith.constant 0 : i32
    %dma_start3A_606 = tpu.memref_slice %arg7[%dma_start3A_603, %dma_start3A_604, %dma_start3A_605] : memref<7x64x256xf32, #tpu.memory_space<vmem>> -> memref<1x64x128xf32, #tpu.memory_space<vmem>>
    %dma_start3A_607 = tpu.memref_squeeze %dma_start3A_606 : memref<1x64x128xf32, #tpu.memory_space<vmem>> -> memref<64x128xf32, #tpu.memory_space<vmem>>
    %dma_start3A_608 = arith.constant 0 : i32
    %dma_start3A_609 = tpu.memref_slice %arg4[%add3A_602, %dma_start3A_608] : memref<32768x128xf32, #tpu.memory_space<hbm>> -> memref<64x128xf32, #tpu.memory_space<hbm>>
    %dma_start3A_610 = arith.constant 0 : i32
    %dma_start3A_611 = tpu.memref_slice %arg4[%add3A_602, %dma_start3A_610] : memref<32768x128xf32, #tpu.memory_space<hbm>> -> memref<64x128xf32, #tpu.memory_space<hbm>>
    %dma_start3A_612 = arith.constant 0 : i32
    %dma_start3A_613 = arith.constant 0 : i32
    %dma_start3A_614 = tpu.memref_slice %arg7[%dma_start3A_603, %dma_start3A_612, %dma_start3A_613] : memref<7x64x256xf32, #tpu.memory_space<vmem>> -> memref<1x64x128xf32, #tpu.memory_space<vmem>>
    %dma_start3A_615 = tpu.memref_squeeze %dma_start3A_614 : memref<1x64x128xf32, #tpu.memory_space<vmem>> -> memref<64x128xf32, #tpu.memory_space<vmem>>
    tpu.enqueue_dma source(%dma_start3A_615 : memref<64x128xf32, #tpu.memory_space<vmem>>) target(%dma_start3A_611 : memref<64x128xf32, #tpu.memory_space<hbm>>) target_semaphore(%arg16 : memref<!tpu.dma_semaphore, #tpu.memory_space<semaphore_mem>>)
    %dma_start3A_616 = arith.constant 1 : i32
    %dma_start3A_617 = arith.constant 0 : i32
    %dma_start3A_618 = arith.constant 128 : i32
    %dma_start3A_619 = tpu.memref_slice %arg7[%dma_start3A_616, %dma_start3A_617, %dma_start3A_618] : memref<7x64x256xf32, #tpu.memory_space<vmem>> -> memref<1x64x128xf32, #tpu.memory_space<vmem>>
    %dma_start3A_620 = tpu.memref_squeeze %dma_start3A_619 : memref<1x64x128xf32, #tpu.memory_space<vmem>> -> memref<64x128xf32, #tpu.memory_space<vmem>>
    %dma_start3A_621 = arith.constant 0 : i32
    %dma_start3A_622 = tpu.memref_slice %arg5[%add3A_602, %dma_start3A_621] : memref<32768x128xf32, #tpu.memory_space<hbm>> -> memref<64x128xf32, #tpu.memory_space<hbm>>
    %dma_start3A_623 = arith.constant 0 : i32
    %dma_start3A_624 = tpu.memref_slice %arg5[%add3A_602, %dma_start3A_623] : memref<32768x128xf32, #tpu.memory_space<hbm>> -> memref<64x128xf32, #tpu.memory_space<hbm>>
    %dma_start3A_625 = arith.constant 0 : i32
    %dma_start3A_626 = arith.constant 128 : i32
    %dma_start3A_627 = tpu.memref_slice %arg7[%dma_start3A_616, %dma_start3A_625, %dma_start3A_626] : memref<7x64x256xf32, #tpu.memory_space<vmem>> -> memref<1x64x128xf32, #tpu.memory_space<vmem>>
    %dma_start3A_628 = tpu.memref_squeeze %dma_start3A_627 : memref<1x64x128xf32, #tpu.memory_space<vmem>> -> memref<64x128xf32, #tpu.memory_space<vmem>>
    tpu.enqueue_dma source(%dma_start3A_628 : memref<64x128xf32, #tpu.memory_space<vmem>>) target(%dma_start3A_624 : memref<64x128xf32, #tpu.memory_space<hbm>>) target_semaphore(%arg16 : memref<!tpu.dma_semaphore, #tpu.memory_space<semaphore_mem>>)
    %dma_wait3A_629 = arith.constant 6 : i32
    %dma_wait3A_630 = arith.constant 0 : i32
    %dma_wait3A_631 = arith.constant 0 : i32
    %dma_wait3A_632 = tpu.memref_slice %arg7[%dma_wait3A_629, %dma_wait3A_630, %dma_wait3A_631] : memref<7x64x256xf32, #tpu.memory_space<vmem>> -> memref<1x64x128xf32, #tpu.memory_space<vmem>>
    %dma_wait3A_633 = tpu.memref_squeeze %dma_wait3A_632 : memref<1x64x128xf32, #tpu.memory_space<vmem>> -> memref<64x128xf32, #tpu.memory_space<vmem>>
    %dma_wait3A_634 = arith.constant 0 : i32
    %dma_wait3A_635 = tpu.memref_slice %arg4[%add3A_454, %dma_wait3A_634] : memref<32768x128xf32, #tpu.memory_space<hbm>> -> memref<64x128xf32, #tpu.memory_space<hbm>>
    %dma_wait3A_636 = arith.constant 0 : i32
    %dma_wait3A_637 = tpu.memref_slice %arg4[%add3A_454, %dma_wait3A_636] : memref<32768x128xf32, #tpu.memory_space<hbm>> -> memref<64x128xf32, #tpu.memory_space<hbm>>
    %dma_wait3A_638 = arith.constant 0 : i32
    %dma_wait3A_639 = arith.constant 0 : i32
    %dma_wait3A_640 = tpu.memref_slice %arg7[%dma_wait3A_629, %dma_wait3A_638, %dma_wait3A_639] : memref<7x64x256xf32, #tpu.memory_space<vmem>> -> memref<1x64x128xf32, #tpu.memory_space<vmem>>
    %dma_wait3A_641 = tpu.memref_squeeze %dma_wait3A_640 : memref<1x64x128xf32, #tpu.memory_space<vmem>> -> memref<64x128xf32, #tpu.memory_space<vmem>>
    tpu.wait_dma2 semaphore(%arg21 : memref<!tpu.dma_semaphore, #tpu.memory_space<semaphore_mem>>) src(%dma_wait3A_641 : memref<64x128xf32, #tpu.memory_space<vmem>>) dst(%dma_wait3A_637 : memref<64x128xf32, #tpu.memory_space<hbm>>)
    %dma_wait3A_642 = arith.constant 6 : i32
    %dma_wait3A_643 = arith.constant 0 : i32
    %dma_wait3A_644 = arith.constant 128 : i32
    %dma_wait3A_645 = tpu.memref_slice %arg7[%dma_wait3A_642, %dma_wait3A_643, %dma_wait3A_644] : memref<7x64x256xf32, #tpu.memory_space<vmem>> -> memref<1x64x128xf32, #tpu.memory_space<vmem>>
    %dma_wait3A_646 = tpu.memref_squeeze %dma_wait3A_645 : memref<1x64x128xf32, #tpu.memory_space<vmem>> -> memref<64x128xf32, #tpu.memory_space<vmem>>
    %dma_wait3A_647 = arith.constant 0 : i32
    %dma_wait3A_648 = tpu.memref_slice %arg5[%add3A_454, %dma_wait3A_647] : memref<32768x128xf32, #tpu.memory_space<hbm>> -> memref<64x128xf32, #tpu.memory_space<hbm>>
    %dma_wait3A_649 = arith.constant 0 : i32
    %dma_wait3A_650 = tpu.memref_slice %arg5[%add3A_454, %dma_wait3A_649] : memref<32768x128xf32, #tpu.memory_space<hbm>> -> memref<64x128xf32, #tpu.memory_space<hbm>>
    %dma_wait3A_651 = arith.constant 0 : i32
    %dma_wait3A_652 = arith.constant 128 : i32
    %dma_wait3A_653 = tpu.memref_slice %arg7[%dma_wait3A_642, %dma_wait3A_651, %dma_wait3A_652] : memref<7x64x256xf32, #tpu.memory_space<vmem>> -> memref<1x64x128xf32, #tpu.memory_space<vmem>>
    %dma_wait3A_654 = tpu.memref_squeeze %dma_wait3A_653 : memref<1x64x128xf32, #tpu.memory_space<vmem>> -> memref<64x128xf32, #tpu.memory_space<vmem>>
    tpu.wait_dma2 semaphore(%arg21 : memref<!tpu.dma_semaphore, #tpu.memory_space<semaphore_mem>>) src(%dma_wait3A_654 : memref<64x128xf32, #tpu.memory_space<vmem>>) dst(%dma_wait3A_650 : memref<64x128xf32, #tpu.memory_space<hbm>>)
    %dma_start3A_655 = arith.constant 6 : i32
    %dma_start3A_656 = arith.constant 0 : i32
    %dma_start3A_657 = arith.constant 0 : i32
    %dma_start3A_658 = tpu.memref_slice %arg7[%dma_start3A_655, %dma_start3A_656, %dma_start3A_657] : memref<7x64x256xf32, #tpu.memory_space<vmem>> -> memref<1x64x256xf32, #tpu.memory_space<vmem>>
    %dma_start3A_659 = tpu.memref_squeeze %dma_start3A_658 : memref<1x64x256xf32, #tpu.memory_space<vmem>> -> memref<64x256xf32, #tpu.memory_space<vmem>>
    %dma_start3A_660 = arith.constant 832 : i32
    %dma_start3A_661 = tpu.memref_slice %arg6[%dma_start3A_660] : memref<1024xi32, #tpu.memory_space<vmem>> -> memref<64xi32, #tpu.memory_space<vmem>>
    %dma_start3A_662 = arith.constant 0 : i32
    %dma_start3A_663 = arith.constant 0 : i32
    %dma_start3A_664 = tpu.memref_slice %arg2[%dma_start3A_662, %dma_start3A_663] : memref<8192x256xf32, #tpu.memory_space<hbm>> -> memref<8192x256xf32, #tpu.memory_space<hbm>>
    tpu.enqueue_indirect_dma source(%dma_start3A_664 : memref<8192x256xf32, #tpu.memory_space<hbm>>) target(%dma_start3A_659 : memref<64x256xf32, #tpu.memory_space<vmem>>) offsets(%dma_start3A_661 : memref<64xi32, #tpu.memory_space<vmem>>) semaphore(%arg14 : memref<!tpu.dma_semaphore, #tpu.memory_space<semaphore_mem>>)
    %dma_wait3A_665 = arith.constant 2 : i32
    %dma_wait3A_666 = arith.constant 0 : i32
    %dma_wait3A_667 = arith.constant 0 : i32
    %dma_wait3A_668 = tpu.memref_slice %arg7[%dma_wait3A_665, %dma_wait3A_666, %dma_wait3A_667] : memref<7x64x256xf32, #tpu.memory_space<vmem>> -> memref<1x64x256xf32, #tpu.memory_space<vmem>>
    %dma_wait3A_669 = tpu.memref_squeeze %dma_wait3A_668 : memref<1x64x256xf32, #tpu.memory_space<vmem>> -> memref<64x256xf32, #tpu.memory_space<vmem>>
    %dma_wait3A_670 = arith.constant 576 : i32
    %dma_wait3A_671 = tpu.memref_slice %arg6[%dma_wait3A_670] : memref<1024xi32, #tpu.memory_space<vmem>> -> memref<64xi32, #tpu.memory_space<vmem>>
    %dma_wait3A_672 = arith.constant 0 : i32
    %dma_wait3A_673 = arith.constant 0 : i32
    %dma_wait3A_674 = tpu.memref_slice %arg2[%dma_wait3A_672, %dma_wait3A_673] : memref<8192x256xf32, #tpu.memory_space<hbm>> -> memref<8192x256xf32, #tpu.memory_space<hbm>>
    tpu.wait_indirect_dma semaphore(%arg10 : memref<!tpu.dma_semaphore, #tpu.memory_space<semaphore_mem>>) src(%dma_wait3A_674 : memref<8192x256xf32, #tpu.memory_space<hbm>>) dst(%dma_wait3A_669 : memref<64x256xf32, #tpu.memory_space<vmem>>)
    %add3A_675 = arith.constant 576 : i32
    %add3A_676 = arith.addi %mul3A_2, %add3A_675 : i32
    %dma_start3A_677 = arith.constant 2 : i32
    %dma_start3A_678 = arith.constant 0 : i32
    %dma_start3A_679 = arith.constant 0 : i32
    %dma_start3A_680 = tpu.memref_slice %arg7[%dma_start3A_677, %dma_start3A_678, %dma_start3A_679] : memref<7x64x256xf32, #tpu.memory_space<vmem>> -> memref<1x64x128xf32, #tpu.memory_space<vmem>>
    %dma_start3A_681 = tpu.memref_squeeze %dma_start3A_680 : memref<1x64x128xf32, #tpu.memory_space<vmem>> -> memref<64x128xf32, #tpu.memory_space<vmem>>
    %dma_start3A_682 = arith.constant 0 : i32
    %dma_start3A_683 = tpu.memref_slice %arg4[%add3A_676, %dma_start3A_682] : memref<32768x128xf32, #tpu.memory_space<hbm>> -> memref<64x128xf32, #tpu.memory_space<hbm>>
    %dma_start3A_684 = arith.constant 0 : i32
    %dma_start3A_685 = tpu.memref_slice %arg4[%add3A_676, %dma_start3A_684] : memref<32768x128xf32, #tpu.memory_space<hbm>> -> memref<64x128xf32, #tpu.memory_space<hbm>>
    %dma_start3A_686 = arith.constant 0 : i32
    %dma_start3A_687 = arith.constant 0 : i32
    %dma_start3A_688 = tpu.memref_slice %arg7[%dma_start3A_677, %dma_start3A_686, %dma_start3A_687] : memref<7x64x256xf32, #tpu.memory_space<vmem>> -> memref<1x64x128xf32, #tpu.memory_space<vmem>>
    %dma_start3A_689 = tpu.memref_squeeze %dma_start3A_688 : memref<1x64x128xf32, #tpu.memory_space<vmem>> -> memref<64x128xf32, #tpu.memory_space<vmem>>
    tpu.enqueue_dma source(%dma_start3A_689 : memref<64x128xf32, #tpu.memory_space<vmem>>) target(%dma_start3A_685 : memref<64x128xf32, #tpu.memory_space<hbm>>) target_semaphore(%arg17 : memref<!tpu.dma_semaphore, #tpu.memory_space<semaphore_mem>>)
    %dma_start3A_690 = arith.constant 2 : i32
    %dma_start3A_691 = arith.constant 0 : i32
    %dma_start3A_692 = arith.constant 128 : i32
    %dma_start3A_693 = tpu.memref_slice %arg7[%dma_start3A_690, %dma_start3A_691, %dma_start3A_692] : memref<7x64x256xf32, #tpu.memory_space<vmem>> -> memref<1x64x128xf32, #tpu.memory_space<vmem>>
    %dma_start3A_694 = tpu.memref_squeeze %dma_start3A_693 : memref<1x64x128xf32, #tpu.memory_space<vmem>> -> memref<64x128xf32, #tpu.memory_space<vmem>>
    %dma_start3A_695 = arith.constant 0 : i32
    %dma_start3A_696 = tpu.memref_slice %arg5[%add3A_676, %dma_start3A_695] : memref<32768x128xf32, #tpu.memory_space<hbm>> -> memref<64x128xf32, #tpu.memory_space<hbm>>
    %dma_start3A_697 = arith.constant 0 : i32
    %dma_start3A_698 = tpu.memref_slice %arg5[%add3A_676, %dma_start3A_697] : memref<32768x128xf32, #tpu.memory_space<hbm>> -> memref<64x128xf32, #tpu.memory_space<hbm>>
    %dma_start3A_699 = arith.constant 0 : i32
    %dma_start3A_700 = arith.constant 128 : i32
    %dma_start3A_701 = tpu.memref_slice %arg7[%dma_start3A_690, %dma_start3A_699, %dma_start3A_700] : memref<7x64x256xf32, #tpu.memory_space<vmem>> -> memref<1x64x128xf32, #tpu.memory_space<vmem>>
    %dma_start3A_702 = tpu.memref_squeeze %dma_start3A_701 : memref<1x64x128xf32, #tpu.memory_space<vmem>> -> memref<64x128xf32, #tpu.memory_space<vmem>>
    tpu.enqueue_dma source(%dma_start3A_702 : memref<64x128xf32, #tpu.memory_space<vmem>>) target(%dma_start3A_698 : memref<64x128xf32, #tpu.memory_space<hbm>>) target_semaphore(%arg17 : memref<!tpu.dma_semaphore, #tpu.memory_space<semaphore_mem>>)
    %dma_wait3A_703 = arith.constant 0 : i32
    %dma_wait3A_704 = arith.constant 0 : i32
    %dma_wait3A_705 = arith.constant 0 : i32
    %dma_wait3A_706 = tpu.memref_slice %arg7[%dma_wait3A_703, %dma_wait3A_704, %dma_wait3A_705] : memref<7x64x256xf32, #tpu.memory_space<vmem>> -> memref<1x64x128xf32, #tpu.memory_space<vmem>>
    %dma_wait3A_707 = tpu.memref_squeeze %dma_wait3A_706 : memref<1x64x128xf32, #tpu.memory_space<vmem>> -> memref<64x128xf32, #tpu.memory_space<vmem>>
    %dma_wait3A_708 = arith.constant 0 : i32
    %dma_wait3A_709 = tpu.memref_slice %arg4[%add3A_528, %dma_wait3A_708] : memref<32768x128xf32, #tpu.memory_space<hbm>> -> memref<64x128xf32, #tpu.memory_space<hbm>>
    %dma_wait3A_710 = arith.constant 0 : i32
    %dma_wait3A_711 = tpu.memref_slice %arg4[%add3A_528, %dma_wait3A_710] : memref<32768x128xf32, #tpu.memory_space<hbm>> -> memref<64x128xf32, #tpu.memory_space<hbm>>
    %dma_wait3A_712 = arith.constant 0 : i32
    %dma_wait3A_713 = arith.constant 0 : i32
    %dma_wait3A_714 = tpu.memref_slice %arg7[%dma_wait3A_703, %dma_wait3A_712, %dma_wait3A_713] : memref<7x64x256xf32, #tpu.memory_space<vmem>> -> memref<1x64x128xf32, #tpu.memory_space<vmem>>
    %dma_wait3A_715 = tpu.memref_squeeze %dma_wait3A_714 : memref<1x64x128xf32, #tpu.memory_space<vmem>> -> memref<64x128xf32, #tpu.memory_space<vmem>>
    tpu.wait_dma2 semaphore(%arg15 : memref<!tpu.dma_semaphore, #tpu.memory_space<semaphore_mem>>) src(%dma_wait3A_715 : memref<64x128xf32, #tpu.memory_space<vmem>>) dst(%dma_wait3A_711 : memref<64x128xf32, #tpu.memory_space<hbm>>)
    %dma_wait3A_716 = arith.constant 0 : i32
    %dma_wait3A_717 = arith.constant 0 : i32
    %dma_wait3A_718 = arith.constant 128 : i32
    %dma_wait3A_719 = tpu.memref_slice %arg7[%dma_wait3A_716, %dma_wait3A_717, %dma_wait3A_718] : memref<7x64x256xf32, #tpu.memory_space<vmem>> -> memref<1x64x128xf32, #tpu.memory_space<vmem>>
    %dma_wait3A_720 = tpu.memref_squeeze %dma_wait3A_719 : memref<1x64x128xf32, #tpu.memory_space<vmem>> -> memref<64x128xf32, #tpu.memory_space<vmem>>
    %dma_wait3A_721 = arith.constant 0 : i32
    %dma_wait3A_722 = tpu.memref_slice %arg5[%add3A_528, %dma_wait3A_721] : memref<32768x128xf32, #tpu.memory_space<hbm>> -> memref<64x128xf32, #tpu.memory_space<hbm>>
    %dma_wait3A_723 = arith.constant 0 : i32
    %dma_wait3A_724 = tpu.memref_slice %arg5[%add3A_528, %dma_wait3A_723] : memref<32768x128xf32, #tpu.memory_space<hbm>> -> memref<64x128xf32, #tpu.memory_space<hbm>>
    %dma_wait3A_725 = arith.constant 0 : i32
    %dma_wait3A_726 = arith.constant 128 : i32
    %dma_wait3A_727 = tpu.memref_slice %arg7[%dma_wait3A_716, %dma_wait3A_725, %dma_wait3A_726] : memref<7x64x256xf32, #tpu.memory_space<vmem>> -> memref<1x64x128xf32, #tpu.memory_space<vmem>>
    %dma_wait3A_728 = tpu.memref_squeeze %dma_wait3A_727 : memref<1x64x128xf32, #tpu.memory_space<vmem>> -> memref<64x128xf32, #tpu.memory_space<vmem>>
    tpu.wait_dma2 semaphore(%arg15 : memref<!tpu.dma_semaphore, #tpu.memory_space<semaphore_mem>>) src(%dma_wait3A_728 : memref<64x128xf32, #tpu.memory_space<vmem>>) dst(%dma_wait3A_724 : memref<64x128xf32, #tpu.memory_space<hbm>>)
    %dma_start3A_729 = arith.constant 0 : i32
    %dma_start3A_730 = arith.constant 0 : i32
    %dma_start3A_731 = arith.constant 0 : i32
    %dma_start3A_732 = tpu.memref_slice %arg7[%dma_start3A_729, %dma_start3A_730, %dma_start3A_731] : memref<7x64x256xf32, #tpu.memory_space<vmem>> -> memref<1x64x256xf32, #tpu.memory_space<vmem>>
    %dma_start3A_733 = tpu.memref_squeeze %dma_start3A_732 : memref<1x64x256xf32, #tpu.memory_space<vmem>> -> memref<64x256xf32, #tpu.memory_space<vmem>>
    %dma_start3A_734 = arith.constant 896 : i32
    %dma_start3A_735 = tpu.memref_slice %arg6[%dma_start3A_734] : memref<1024xi32, #tpu.memory_space<vmem>> -> memref<64xi32, #tpu.memory_space<vmem>>
    %dma_start3A_736 = arith.constant 0 : i32
    %dma_start3A_737 = arith.constant 0 : i32
    %dma_start3A_738 = tpu.memref_slice %arg2[%dma_start3A_736, %dma_start3A_737] : memref<8192x256xf32, #tpu.memory_space<hbm>> -> memref<8192x256xf32, #tpu.memory_space<hbm>>
    tpu.enqueue_indirect_dma source(%dma_start3A_738 : memref<8192x256xf32, #tpu.memory_space<hbm>>) target(%dma_start3A_733 : memref<64x256xf32, #tpu.memory_space<vmem>>) offsets(%dma_start3A_735 : memref<64xi32, #tpu.memory_space<vmem>>) semaphore(%arg8 : memref<!tpu.dma_semaphore, #tpu.memory_space<semaphore_mem>>)
    %dma_wait3A_739 = arith.constant 3 : i32
    %dma_wait3A_740 = arith.constant 0 : i32
    %dma_wait3A_741 = arith.constant 0 : i32
    %dma_wait3A_742 = tpu.memref_slice %arg7[%dma_wait3A_739, %dma_wait3A_740, %dma_wait3A_741] : memref<7x64x256xf32, #tpu.memory_space<vmem>> -> memref<1x64x256xf32, #tpu.memory_space<vmem>>
    %dma_wait3A_743 = tpu.memref_squeeze %dma_wait3A_742 : memref<1x64x256xf32, #tpu.memory_space<vmem>> -> memref<64x256xf32, #tpu.memory_space<vmem>>
    %dma_wait3A_744 = arith.constant 640 : i32
    %dma_wait3A_745 = tpu.memref_slice %arg6[%dma_wait3A_744] : memref<1024xi32, #tpu.memory_space<vmem>> -> memref<64xi32, #tpu.memory_space<vmem>>
    %dma_wait3A_746 = arith.constant 0 : i32
    %dma_wait3A_747 = arith.constant 0 : i32
    %dma_wait3A_748 = tpu.memref_slice %arg2[%dma_wait3A_746, %dma_wait3A_747] : memref<8192x256xf32, #tpu.memory_space<hbm>> -> memref<8192x256xf32, #tpu.memory_space<hbm>>
    tpu.wait_indirect_dma semaphore(%arg11 : memref<!tpu.dma_semaphore, #tpu.memory_space<semaphore_mem>>) src(%dma_wait3A_748 : memref<8192x256xf32, #tpu.memory_space<hbm>>) dst(%dma_wait3A_743 : memref<64x256xf32, #tpu.memory_space<vmem>>)
    %add3A_749 = arith.constant 640 : i32
    %add3A_750 = arith.addi %mul3A_2, %add3A_749 : i32
    %dma_start3A_751 = arith.constant 3 : i32
    %dma_start3A_752 = arith.constant 0 : i32
    %dma_start3A_753 = arith.constant 0 : i32
    %dma_start3A_754 = tpu.memref_slice %arg7[%dma_start3A_751, %dma_start3A_752, %dma_start3A_753] : memref<7x64x256xf32, #tpu.memory_space<vmem>> -> memref<1x64x128xf32, #tpu.memory_space<vmem>>
    %dma_start3A_755 = tpu.memref_squeeze %dma_start3A_754 : memref<1x64x128xf32, #tpu.memory_space<vmem>> -> memref<64x128xf32, #tpu.memory_space<vmem>>
    %dma_start3A_756 = arith.constant 0 : i32
    %dma_start3A_757 = tpu.memref_slice %arg4[%add3A_750, %dma_start3A_756] : memref<32768x128xf32, #tpu.memory_space<hbm>> -> memref<64x128xf32, #tpu.memory_space<hbm>>
    %dma_start3A_758 = arith.constant 0 : i32
    %dma_start3A_759 = tpu.memref_slice %arg4[%add3A_750, %dma_start3A_758] : memref<32768x128xf32, #tpu.memory_space<hbm>> -> memref<64x128xf32, #tpu.memory_space<hbm>>
    %dma_start3A_760 = arith.constant 0 : i32
    %dma_start3A_761 = arith.constant 0 : i32
    %dma_start3A_762 = tpu.memref_slice %arg7[%dma_start3A_751, %dma_start3A_760, %dma_start3A_761] : memref<7x64x256xf32, #tpu.memory_space<vmem>> -> memref<1x64x128xf32, #tpu.memory_space<vmem>>
    %dma_start3A_763 = tpu.memref_squeeze %dma_start3A_762 : memref<1x64x128xf32, #tpu.memory_space<vmem>> -> memref<64x128xf32, #tpu.memory_space<vmem>>
    tpu.enqueue_dma source(%dma_start3A_763 : memref<64x128xf32, #tpu.memory_space<vmem>>) target(%dma_start3A_759 : memref<64x128xf32, #tpu.memory_space<hbm>>) target_semaphore(%arg18 : memref<!tpu.dma_semaphore, #tpu.memory_space<semaphore_mem>>)
    %dma_start3A_764 = arith.constant 3 : i32
    %dma_start3A_765 = arith.constant 0 : i32
    %dma_start3A_766 = arith.constant 128 : i32
    %dma_start3A_767 = tpu.memref_slice %arg7[%dma_start3A_764, %dma_start3A_765, %dma_start3A_766] : memref<7x64x256xf32, #tpu.memory_space<vmem>> -> memref<1x64x128xf32, #tpu.memory_space<vmem>>
    %dma_start3A_768 = tpu.memref_squeeze %dma_start3A_767 : memref<1x64x128xf32, #tpu.memory_space<vmem>> -> memref<64x128xf32, #tpu.memory_space<vmem>>
    %dma_start3A_769 = arith.constant 0 : i32
    %dma_start3A_770 = tpu.memref_slice %arg5[%add3A_750, %dma_start3A_769] : memref<32768x128xf32, #tpu.memory_space<hbm>> -> memref<64x128xf32, #tpu.memory_space<hbm>>
    %dma_start3A_771 = arith.constant 0 : i32
    %dma_start3A_772 = tpu.memref_slice %arg5[%add3A_750, %dma_start3A_771] : memref<32768x128xf32, #tpu.memory_space<hbm>> -> memref<64x128xf32, #tpu.memory_space<hbm>>
    %dma_start3A_773 = arith.constant 0 : i32
    %dma_start3A_774 = arith.constant 128 : i32
    %dma_start3A_775 = tpu.memref_slice %arg7[%dma_start3A_764, %dma_start3A_773, %dma_start3A_774] : memref<7x64x256xf32, #tpu.memory_space<vmem>> -> memref<1x64x128xf32, #tpu.memory_space<vmem>>
    %dma_start3A_776 = tpu.memref_squeeze %dma_start3A_775 : memref<1x64x128xf32, #tpu.memory_space<vmem>> -> memref<64x128xf32, #tpu.memory_space<vmem>>
    tpu.enqueue_dma source(%dma_start3A_776 : memref<64x128xf32, #tpu.memory_space<vmem>>) target(%dma_start3A_772 : memref<64x128xf32, #tpu.memory_space<hbm>>) target_semaphore(%arg18 : memref<!tpu.dma_semaphore, #tpu.memory_space<semaphore_mem>>)
    %dma_wait3A_777 = arith.constant 1 : i32
    %dma_wait3A_778 = arith.constant 0 : i32
    %dma_wait3A_779 = arith.constant 0 : i32
    %dma_wait3A_780 = tpu.memref_slice %arg7[%dma_wait3A_777, %dma_wait3A_778, %dma_wait3A_779] : memref<7x64x256xf32, #tpu.memory_space<vmem>> -> memref<1x64x128xf32, #tpu.memory_space<vmem>>
    %dma_wait3A_781 = tpu.memref_squeeze %dma_wait3A_780 : memref<1x64x128xf32, #tpu.memory_space<vmem>> -> memref<64x128xf32, #tpu.memory_space<vmem>>
    %dma_wait3A_782 = arith.constant 0 : i32
    %dma_wait3A_783 = tpu.memref_slice %arg4[%add3A_602, %dma_wait3A_782] : memref<32768x128xf32, #tpu.memory_space<hbm>> -> memref<64x128xf32, #tpu.memory_space<hbm>>
    %dma_wait3A_784 = arith.constant 0 : i32
    %dma_wait3A_785 = tpu.memref_slice %arg4[%add3A_602, %dma_wait3A_784] : memref<32768x128xf32, #tpu.memory_space<hbm>> -> memref<64x128xf32, #tpu.memory_space<hbm>>
    %dma_wait3A_786 = arith.constant 0 : i32
    %dma_wait3A_787 = arith.constant 0 : i32
    %dma_wait3A_788 = tpu.memref_slice %arg7[%dma_wait3A_777, %dma_wait3A_786, %dma_wait3A_787] : memref<7x64x256xf32, #tpu.memory_space<vmem>> -> memref<1x64x128xf32, #tpu.memory_space<vmem>>
    %dma_wait3A_789 = tpu.memref_squeeze %dma_wait3A_788 : memref<1x64x128xf32, #tpu.memory_space<vmem>> -> memref<64x128xf32, #tpu.memory_space<vmem>>
    tpu.wait_dma2 semaphore(%arg16 : memref<!tpu.dma_semaphore, #tpu.memory_space<semaphore_mem>>) src(%dma_wait3A_789 : memref<64x128xf32, #tpu.memory_space<vmem>>) dst(%dma_wait3A_785 : memref<64x128xf32, #tpu.memory_space<hbm>>)
    %dma_wait3A_790 = arith.constant 1 : i32
    %dma_wait3A_791 = arith.constant 0 : i32
    %dma_wait3A_792 = arith.constant 128 : i32
    %dma_wait3A_793 = tpu.memref_slice %arg7[%dma_wait3A_790, %dma_wait3A_791, %dma_wait3A_792] : memref<7x64x256xf32, #tpu.memory_space<vmem>> -> memref<1x64x128xf32, #tpu.memory_space<vmem>>
    %dma_wait3A_794 = tpu.memref_squeeze %dma_wait3A_793 : memref<1x64x128xf32, #tpu.memory_space<vmem>> -> memref<64x128xf32, #tpu.memory_space<vmem>>
    %dma_wait3A_795 = arith.constant 0 : i32
    %dma_wait3A_796 = tpu.memref_slice %arg5[%add3A_602, %dma_wait3A_795] : memref<32768x128xf32, #tpu.memory_space<hbm>> -> memref<64x128xf32, #tpu.memory_space<hbm>>
    %dma_wait3A_797 = arith.constant 0 : i32
    %dma_wait3A_798 = tpu.memref_slice %arg5[%add3A_602, %dma_wait3A_797] : memref<32768x128xf32, #tpu.memory_space<hbm>> -> memref<64x128xf32, #tpu.memory_space<hbm>>
    %dma_wait3A_799 = arith.constant 0 : i32
    %dma_wait3A_800 = arith.constant 128 : i32
    %dma_wait3A_801 = tpu.memref_slice %arg7[%dma_wait3A_790, %dma_wait3A_799, %dma_wait3A_800] : memref<7x64x256xf32, #tpu.memory_space<vmem>> -> memref<1x64x128xf32, #tpu.memory_space<vmem>>
    %dma_wait3A_802 = tpu.memref_squeeze %dma_wait3A_801 : memref<1x64x128xf32, #tpu.memory_space<vmem>> -> memref<64x128xf32, #tpu.memory_space<vmem>>
    tpu.wait_dma2 semaphore(%arg16 : memref<!tpu.dma_semaphore, #tpu.memory_space<semaphore_mem>>) src(%dma_wait3A_802 : memref<64x128xf32, #tpu.memory_space<vmem>>) dst(%dma_wait3A_798 : memref<64x128xf32, #tpu.memory_space<hbm>>)
    %dma_start3A_803 = arith.constant 1 : i32
    %dma_start3A_804 = arith.constant 0 : i32
    %dma_start3A_805 = arith.constant 0 : i32
    %dma_start3A_806 = tpu.memref_slice %arg7[%dma_start3A_803, %dma_start3A_804, %dma_start3A_805] : memref<7x64x256xf32, #tpu.memory_space<vmem>> -> memref<1x64x256xf32, #tpu.memory_space<vmem>>
    %dma_start3A_807 = tpu.memref_squeeze %dma_start3A_806 : memref<1x64x256xf32, #tpu.memory_space<vmem>> -> memref<64x256xf32, #tpu.memory_space<vmem>>
    %dma_start3A_808 = arith.constant 960 : i32
    %dma_start3A_809 = tpu.memref_slice %arg6[%dma_start3A_808] : memref<1024xi32, #tpu.memory_space<vmem>> -> memref<64xi32, #tpu.memory_space<vmem>>
    %dma_start3A_810 = arith.constant 0 : i32
    %dma_start3A_811 = arith.constant 0 : i32
    %dma_start3A_812 = tpu.memref_slice %arg2[%dma_start3A_810, %dma_start3A_811] : memref<8192x256xf32, #tpu.memory_space<hbm>> -> memref<8192x256xf32, #tpu.memory_space<hbm>>
    tpu.enqueue_indirect_dma source(%dma_start3A_812 : memref<8192x256xf32, #tpu.memory_space<hbm>>) target(%dma_start3A_807 : memref<64x256xf32, #tpu.memory_space<vmem>>) offsets(%dma_start3A_809 : memref<64xi32, #tpu.memory_space<vmem>>) semaphore(%arg9 : memref<!tpu.dma_semaphore, #tpu.memory_space<semaphore_mem>>)
    %dma_wait3A_813 = arith.constant 4 : i32
    %dma_wait3A_814 = arith.constant 0 : i32
    %dma_wait3A_815 = arith.constant 0 : i32
    %dma_wait3A_816 = tpu.memref_slice %arg7[%dma_wait3A_813, %dma_wait3A_814, %dma_wait3A_815] : memref<7x64x256xf32, #tpu.memory_space<vmem>> -> memref<1x64x256xf32, #tpu.memory_space<vmem>>
    %dma_wait3A_817 = tpu.memref_squeeze %dma_wait3A_816 : memref<1x64x256xf32, #tpu.memory_space<vmem>> -> memref<64x256xf32, #tpu.memory_space<vmem>>
    %dma_wait3A_818 = arith.constant 704 : i32
    %dma_wait3A_819 = tpu.memref_slice %arg6[%dma_wait3A_818] : memref<1024xi32, #tpu.memory_space<vmem>> -> memref<64xi32, #tpu.memory_space<vmem>>
    %dma_wait3A_820 = arith.constant 0 : i32
    %dma_wait3A_821 = arith.constant 0 : i32
    %dma_wait3A_822 = tpu.memref_slice %arg2[%dma_wait3A_820, %dma_wait3A_821] : memref<8192x256xf32, #tpu.memory_space<hbm>> -> memref<8192x256xf32, #tpu.memory_space<hbm>>
    tpu.wait_indirect_dma semaphore(%arg12 : memref<!tpu.dma_semaphore, #tpu.memory_space<semaphore_mem>>) src(%dma_wait3A_822 : memref<8192x256xf32, #tpu.memory_space<hbm>>) dst(%dma_wait3A_817 : memref<64x256xf32, #tpu.memory_space<vmem>>)
    %add3A_823 = arith.constant 704 : i32
    %add3A_824 = arith.addi %mul3A_2, %add3A_823 : i32
    %dma_start3A_825 = arith.constant 4 : i32
    %dma_start3A_826 = arith.constant 0 : i32
    %dma_start3A_827 = arith.constant 0 : i32
    %dma_start3A_828 = tpu.memref_slice %arg7[%dma_start3A_825, %dma_start3A_826, %dma_start3A_827] : memref<7x64x256xf32, #tpu.memory_space<vmem>> -> memref<1x64x128xf32, #tpu.memory_space<vmem>>
    %dma_start3A_829 = tpu.memref_squeeze %dma_start3A_828 : memref<1x64x128xf32, #tpu.memory_space<vmem>> -> memref<64x128xf32, #tpu.memory_space<vmem>>
    %dma_start3A_830 = arith.constant 0 : i32
    %dma_start3A_831 = tpu.memref_slice %arg4[%add3A_824, %dma_start3A_830] : memref<32768x128xf32, #tpu.memory_space<hbm>> -> memref<64x128xf32, #tpu.memory_space<hbm>>
    %dma_start3A_832 = arith.constant 0 : i32
    %dma_start3A_833 = tpu.memref_slice %arg4[%add3A_824, %dma_start3A_832] : memref<32768x128xf32, #tpu.memory_space<hbm>> -> memref<64x128xf32, #tpu.memory_space<hbm>>
    %dma_start3A_834 = arith.constant 0 : i32
    %dma_start3A_835 = arith.constant 0 : i32
    %dma_start3A_836 = tpu.memref_slice %arg7[%dma_start3A_825, %dma_start3A_834, %dma_start3A_835] : memref<7x64x256xf32, #tpu.memory_space<vmem>> -> memref<1x64x128xf32, #tpu.memory_space<vmem>>
    %dma_start3A_837 = tpu.memref_squeeze %dma_start3A_836 : memref<1x64x128xf32, #tpu.memory_space<vmem>> -> memref<64x128xf32, #tpu.memory_space<vmem>>
    tpu.enqueue_dma source(%dma_start3A_837 : memref<64x128xf32, #tpu.memory_space<vmem>>) target(%dma_start3A_833 : memref<64x128xf32, #tpu.memory_space<hbm>>) target_semaphore(%arg19 : memref<!tpu.dma_semaphore, #tpu.memory_space<semaphore_mem>>)
    %dma_start3A_838 = arith.constant 4 : i32
    %dma_start3A_839 = arith.constant 0 : i32
    %dma_start3A_840 = arith.constant 128 : i32
    %dma_start3A_841 = tpu.memref_slice %arg7[%dma_start3A_838, %dma_start3A_839, %dma_start3A_840] : memref<7x64x256xf32, #tpu.memory_space<vmem>> -> memref<1x64x128xf32, #tpu.memory_space<vmem>>
    %dma_start3A_842 = tpu.memref_squeeze %dma_start3A_841 : memref<1x64x128xf32, #tpu.memory_space<vmem>> -> memref<64x128xf32, #tpu.memory_space<vmem>>
    %dma_start3A_843 = arith.constant 0 : i32
    %dma_start3A_844 = tpu.memref_slice %arg5[%add3A_824, %dma_start3A_843] : memref<32768x128xf32, #tpu.memory_space<hbm>> -> memref<64x128xf32, #tpu.memory_space<hbm>>
    %dma_start3A_845 = arith.constant 0 : i32
    %dma_start3A_846 = tpu.memref_slice %arg5[%add3A_824, %dma_start3A_845] : memref<32768x128xf32, #tpu.memory_space<hbm>> -> memref<64x128xf32, #tpu.memory_space<hbm>>
    %dma_start3A_847 = arith.constant 0 : i32
    %dma_start3A_848 = arith.constant 128 : i32
    %dma_start3A_849 = tpu.memref_slice %arg7[%dma_start3A_838, %dma_start3A_847, %dma_start3A_848] : memref<7x64x256xf32, #tpu.memory_space<vmem>> -> memref<1x64x128xf32, #tpu.memory_space<vmem>>
    %dma_start3A_850 = tpu.memref_squeeze %dma_start3A_849 : memref<1x64x128xf32, #tpu.memory_space<vmem>> -> memref<64x128xf32, #tpu.memory_space<vmem>>
    tpu.enqueue_dma source(%dma_start3A_850 : memref<64x128xf32, #tpu.memory_space<vmem>>) target(%dma_start3A_846 : memref<64x128xf32, #tpu.memory_space<hbm>>) target_semaphore(%arg19 : memref<!tpu.dma_semaphore, #tpu.memory_space<semaphore_mem>>)
    %dma_wait3A_851 = arith.constant 5 : i32
    %dma_wait3A_852 = arith.constant 0 : i32
    %dma_wait3A_853 = arith.constant 0 : i32
    %dma_wait3A_854 = tpu.memref_slice %arg7[%dma_wait3A_851, %dma_wait3A_852, %dma_wait3A_853] : memref<7x64x256xf32, #tpu.memory_space<vmem>> -> memref<1x64x256xf32, #tpu.memory_space<vmem>>
    %dma_wait3A_855 = tpu.memref_squeeze %dma_wait3A_854 : memref<1x64x256xf32, #tpu.memory_space<vmem>> -> memref<64x256xf32, #tpu.memory_space<vmem>>
    %dma_wait3A_856 = arith.constant 768 : i32
    %dma_wait3A_857 = tpu.memref_slice %arg6[%dma_wait3A_856] : memref<1024xi32, #tpu.memory_space<vmem>> -> memref<64xi32, #tpu.memory_space<vmem>>
    %dma_wait3A_858 = arith.constant 0 : i32
    %dma_wait3A_859 = arith.constant 0 : i32
    %dma_wait3A_860 = tpu.memref_slice %arg2[%dma_wait3A_858, %dma_wait3A_859] : memref<8192x256xf32, #tpu.memory_space<hbm>> -> memref<8192x256xf32, #tpu.memory_space<hbm>>
    tpu.wait_indirect_dma semaphore(%arg13 : memref<!tpu.dma_semaphore, #tpu.memory_space<semaphore_mem>>) src(%dma_wait3A_860 : memref<8192x256xf32, #tpu.memory_space<hbm>>) dst(%dma_wait3A_855 : memref<64x256xf32, #tpu.memory_space<vmem>>)
    %add3A_861 = arith.constant 768 : i32
    %add3A_862 = arith.addi %mul3A_2, %add3A_861 : i32
    %dma_start3A_863 = arith.constant 5 : i32
    %dma_start3A_864 = arith.constant 0 : i32
    %dma_start3A_865 = arith.constant 0 : i32
    %dma_start3A_866 = tpu.memref_slice %arg7[%dma_start3A_863, %dma_start3A_864, %dma_start3A_865] : memref<7x64x256xf32, #tpu.memory_space<vmem>> -> memref<1x64x128xf32, #tpu.memory_space<vmem>>
    %dma_start3A_867 = tpu.memref_squeeze %dma_start3A_866 : memref<1x64x128xf32, #tpu.memory_space<vmem>> -> memref<64x128xf32, #tpu.memory_space<vmem>>
    %dma_start3A_868 = arith.constant 0 : i32
    %dma_start3A_869 = tpu.memref_slice %arg4[%add3A_862, %dma_start3A_868] : memref<32768x128xf32, #tpu.memory_space<hbm>> -> memref<64x128xf32, #tpu.memory_space<hbm>>
    %dma_start3A_870 = arith.constant 0 : i32
    %dma_start3A_871 = tpu.memref_slice %arg4[%add3A_862, %dma_start3A_870] : memref<32768x128xf32, #tpu.memory_space<hbm>> -> memref<64x128xf32, #tpu.memory_space<hbm>>
    %dma_start3A_872 = arith.constant 0 : i32
    %dma_start3A_873 = arith.constant 0 : i32
    %dma_start3A_874 = tpu.memref_slice %arg7[%dma_start3A_863, %dma_start3A_872, %dma_start3A_873] : memref<7x64x256xf32, #tpu.memory_space<vmem>> -> memref<1x64x128xf32, #tpu.memory_space<vmem>>
    %dma_start3A_875 = tpu.memref_squeeze %dma_start3A_874 : memref<1x64x128xf32, #tpu.memory_space<vmem>> -> memref<64x128xf32, #tpu.memory_space<vmem>>
    tpu.enqueue_dma source(%dma_start3A_875 : memref<64x128xf32, #tpu.memory_space<vmem>>) target(%dma_start3A_871 : memref<64x128xf32, #tpu.memory_space<hbm>>) target_semaphore(%arg20 : memref<!tpu.dma_semaphore, #tpu.memory_space<semaphore_mem>>)
    %dma_start3A_876 = arith.constant 5 : i32
    %dma_start3A_877 = arith.constant 0 : i32
    %dma_start3A_878 = arith.constant 128 : i32
    %dma_start3A_879 = tpu.memref_slice %arg7[%dma_start3A_876, %dma_start3A_877, %dma_start3A_878] : memref<7x64x256xf32, #tpu.memory_space<vmem>> -> memref<1x64x128xf32, #tpu.memory_space<vmem>>
    %dma_start3A_880 = tpu.memref_squeeze %dma_start3A_879 : memref<1x64x128xf32, #tpu.memory_space<vmem>> -> memref<64x128xf32, #tpu.memory_space<vmem>>
    %dma_start3A_881 = arith.constant 0 : i32
    %dma_start3A_882 = tpu.memref_slice %arg5[%add3A_862, %dma_start3A_881] : memref<32768x128xf32, #tpu.memory_space<hbm>> -> memref<64x128xf32, #tpu.memory_space<hbm>>
    %dma_start3A_883 = arith.constant 0 : i32
    %dma_start3A_884 = tpu.memref_slice %arg5[%add3A_862, %dma_start3A_883] : memref<32768x128xf32, #tpu.memory_space<hbm>> -> memref<64x128xf32, #tpu.memory_space<hbm>>
    %dma_start3A_885 = arith.constant 0 : i32
    %dma_start3A_886 = arith.constant 128 : i32
    %dma_start3A_887 = tpu.memref_slice %arg7[%dma_start3A_876, %dma_start3A_885, %dma_start3A_886] : memref<7x64x256xf32, #tpu.memory_space<vmem>> -> memref<1x64x128xf32, #tpu.memory_space<vmem>>
    %dma_start3A_888 = tpu.memref_squeeze %dma_start3A_887 : memref<1x64x128xf32, #tpu.memory_space<vmem>> -> memref<64x128xf32, #tpu.memory_space<vmem>>
    tpu.enqueue_dma source(%dma_start3A_888 : memref<64x128xf32, #tpu.memory_space<vmem>>) target(%dma_start3A_884 : memref<64x128xf32, #tpu.memory_space<hbm>>) target_semaphore(%arg20 : memref<!tpu.dma_semaphore, #tpu.memory_space<semaphore_mem>>)
    %dma_wait3A_889 = arith.constant 6 : i32
    %dma_wait3A_890 = arith.constant 0 : i32
    %dma_wait3A_891 = arith.constant 0 : i32
    %dma_wait3A_892 = tpu.memref_slice %arg7[%dma_wait3A_889, %dma_wait3A_890, %dma_wait3A_891] : memref<7x64x256xf32, #tpu.memory_space<vmem>> -> memref<1x64x256xf32, #tpu.memory_space<vmem>>
    %dma_wait3A_893 = tpu.memref_squeeze %dma_wait3A_892 : memref<1x64x256xf32, #tpu.memory_space<vmem>> -> memref<64x256xf32, #tpu.memory_space<vmem>>
    %dma_wait3A_894 = arith.constant 832 : i32
    %dma_wait3A_895 = tpu.memref_slice %arg6[%dma_wait3A_894] : memref<1024xi32, #tpu.memory_space<vmem>> -> memref<64xi32, #tpu.memory_space<vmem>>
    %dma_wait3A_896 = arith.constant 0 : i32
    %dma_wait3A_897 = arith.constant 0 : i32
    %dma_wait3A_898 = tpu.memref_slice %arg2[%dma_wait3A_896, %dma_wait3A_897] : memref<8192x256xf32, #tpu.memory_space<hbm>> -> memref<8192x256xf32, #tpu.memory_space<hbm>>
    tpu.wait_indirect_dma semaphore(%arg14 : memref<!tpu.dma_semaphore, #tpu.memory_space<semaphore_mem>>) src(%dma_wait3A_898 : memref<8192x256xf32, #tpu.memory_space<hbm>>) dst(%dma_wait3A_893 : memref<64x256xf32, #tpu.memory_space<vmem>>)
    %add3A_899 = arith.constant 832 : i32
    %add3A_900 = arith.addi %mul3A_2, %add3A_899 : i32
    %dma_start3A_901 = arith.constant 6 : i32
    %dma_start3A_902 = arith.constant 0 : i32
    %dma_start3A_903 = arith.constant 0 : i32
    %dma_start3A_904 = tpu.memref_slice %arg7[%dma_start3A_901, %dma_start3A_902, %dma_start3A_903] : memref<7x64x256xf32, #tpu.memory_space<vmem>> -> memref<1x64x128xf32, #tpu.memory_space<vmem>>
    %dma_start3A_905 = tpu.memref_squeeze %dma_start3A_904 : memref<1x64x128xf32, #tpu.memory_space<vmem>> -> memref<64x128xf32, #tpu.memory_space<vmem>>
    %dma_start3A_906 = arith.constant 0 : i32
    %dma_start3A_907 = tpu.memref_slice %arg4[%add3A_900, %dma_start3A_906] : memref<32768x128xf32, #tpu.memory_space<hbm>> -> memref<64x128xf32, #tpu.memory_space<hbm>>
    %dma_start3A_908 = arith.constant 0 : i32
    %dma_start3A_909 = tpu.memref_slice %arg4[%add3A_900, %dma_start3A_908] : memref<32768x128xf32, #tpu.memory_space<hbm>> -> memref<64x128xf32, #tpu.memory_space<hbm>>
    %dma_start3A_910 = arith.constant 0 : i32
    %dma_start3A_911 = arith.constant 0 : i32
    %dma_start3A_912 = tpu.memref_slice %arg7[%dma_start3A_901, %dma_start3A_910, %dma_start3A_911] : memref<7x64x256xf32, #tpu.memory_space<vmem>> -> memref<1x64x128xf32, #tpu.memory_space<vmem>>
    %dma_start3A_913 = tpu.memref_squeeze %dma_start3A_912 : memref<1x64x128xf32, #tpu.memory_space<vmem>> -> memref<64x128xf32, #tpu.memory_space<vmem>>
    tpu.enqueue_dma source(%dma_start3A_913 : memref<64x128xf32, #tpu.memory_space<vmem>>) target(%dma_start3A_909 : memref<64x128xf32, #tpu.memory_space<hbm>>) target_semaphore(%arg21 : memref<!tpu.dma_semaphore, #tpu.memory_space<semaphore_mem>>)
    %dma_start3A_914 = arith.constant 6 : i32
    %dma_start3A_915 = arith.constant 0 : i32
    %dma_start3A_916 = arith.constant 128 : i32
    %dma_start3A_917 = tpu.memref_slice %arg7[%dma_start3A_914, %dma_start3A_915, %dma_start3A_916] : memref<7x64x256xf32, #tpu.memory_space<vmem>> -> memref<1x64x128xf32, #tpu.memory_space<vmem>>
    %dma_start3A_918 = tpu.memref_squeeze %dma_start3A_917 : memref<1x64x128xf32, #tpu.memory_space<vmem>> -> memref<64x128xf32, #tpu.memory_space<vmem>>
    %dma_start3A_919 = arith.constant 0 : i32
    %dma_start3A_920 = tpu.memref_slice %arg5[%add3A_900, %dma_start3A_919] : memref<32768x128xf32, #tpu.memory_space<hbm>> -> memref<64x128xf32, #tpu.memory_space<hbm>>
    %dma_start3A_921 = arith.constant 0 : i32
    %dma_start3A_922 = tpu.memref_slice %arg5[%add3A_900, %dma_start3A_921] : memref<32768x128xf32, #tpu.memory_space<hbm>> -> memref<64x128xf32, #tpu.memory_space<hbm>>
    %dma_start3A_923 = arith.constant 0 : i32
    %dma_start3A_924 = arith.constant 128 : i32
    %dma_start3A_925 = tpu.memref_slice %arg7[%dma_start3A_914, %dma_start3A_923, %dma_start3A_924] : memref<7x64x256xf32, #tpu.memory_space<vmem>> -> memref<1x64x128xf32, #tpu.memory_space<vmem>>
    %dma_start3A_926 = tpu.memref_squeeze %dma_start3A_925 : memref<1x64x128xf32, #tpu.memory_space<vmem>> -> memref<64x128xf32, #tpu.memory_space<vmem>>
    tpu.enqueue_dma source(%dma_start3A_926 : memref<64x128xf32, #tpu.memory_space<vmem>>) target(%dma_start3A_922 : memref<64x128xf32, #tpu.memory_space<hbm>>) target_semaphore(%arg21 : memref<!tpu.dma_semaphore, #tpu.memory_space<semaphore_mem>>)
    %dma_wait3A_927 = arith.constant 0 : i32
    %dma_wait3A_928 = arith.constant 0 : i32
    %dma_wait3A_929 = arith.constant 0 : i32
    %dma_wait3A_930 = tpu.memref_slice %arg7[%dma_wait3A_927, %dma_wait3A_928, %dma_wait3A_929] : memref<7x64x256xf32, #tpu.memory_space<vmem>> -> memref<1x64x256xf32, #tpu.memory_space<vmem>>
    %dma_wait3A_931 = tpu.memref_squeeze %dma_wait3A_930 : memref<1x64x256xf32, #tpu.memory_space<vmem>> -> memref<64x256xf32, #tpu.memory_space<vmem>>
    %dma_wait3A_932 = arith.constant 896 : i32
    %dma_wait3A_933 = tpu.memref_slice %arg6[%dma_wait3A_932] : memref<1024xi32, #tpu.memory_space<vmem>> -> memref<64xi32, #tpu.memory_space<vmem>>
    %dma_wait3A_934 = arith.constant 0 : i32
    %dma_wait3A_935 = arith.constant 0 : i32
    %dma_wait3A_936 = tpu.memref_slice %arg2[%dma_wait3A_934, %dma_wait3A_935] : memref<8192x256xf32, #tpu.memory_space<hbm>> -> memref<8192x256xf32, #tpu.memory_space<hbm>>
    tpu.wait_indirect_dma semaphore(%arg8 : memref<!tpu.dma_semaphore, #tpu.memory_space<semaphore_mem>>) src(%dma_wait3A_936 : memref<8192x256xf32, #tpu.memory_space<hbm>>) dst(%dma_wait3A_931 : memref<64x256xf32, #tpu.memory_space<vmem>>)
    %add3A_937 = arith.constant 896 : i32
    %add3A_938 = arith.addi %mul3A_2, %add3A_937 : i32
    %dma_start3A_939 = arith.constant 0 : i32
    %dma_start3A_940 = arith.constant 0 : i32
    %dma_start3A_941 = arith.constant 0 : i32
    %dma_start3A_942 = tpu.memref_slice %arg7[%dma_start3A_939, %dma_start3A_940, %dma_start3A_941] : memref<7x64x256xf32, #tpu.memory_space<vmem>> -> memref<1x64x128xf32, #tpu.memory_space<vmem>>
    %dma_start3A_943 = tpu.memref_squeeze %dma_start3A_942 : memref<1x64x128xf32, #tpu.memory_space<vmem>> -> memref<64x128xf32, #tpu.memory_space<vmem>>
    %dma_start3A_944 = arith.constant 0 : i32
    %dma_start3A_945 = tpu.memref_slice %arg4[%add3A_938, %dma_start3A_944] : memref<32768x128xf32, #tpu.memory_space<hbm>> -> memref<64x128xf32, #tpu.memory_space<hbm>>
    %dma_start3A_946 = arith.constant 0 : i32
    %dma_start3A_947 = tpu.memref_slice %arg4[%add3A_938, %dma_start3A_946] : memref<32768x128xf32, #tpu.memory_space<hbm>> -> memref<64x128xf32, #tpu.memory_space<hbm>>
    %dma_start3A_948 = arith.constant 0 : i32
    %dma_start3A_949 = arith.constant 0 : i32
    %dma_start3A_950 = tpu.memref_slice %arg7[%dma_start3A_939, %dma_start3A_948, %dma_start3A_949] : memref<7x64x256xf32, #tpu.memory_space<vmem>> -> memref<1x64x128xf32, #tpu.memory_space<vmem>>
    %dma_start3A_951 = tpu.memref_squeeze %dma_start3A_950 : memref<1x64x128xf32, #tpu.memory_space<vmem>> -> memref<64x128xf32, #tpu.memory_space<vmem>>
    tpu.enqueue_dma source(%dma_start3A_951 : memref<64x128xf32, #tpu.memory_space<vmem>>) target(%dma_start3A_947 : memref<64x128xf32, #tpu.memory_space<hbm>>) target_semaphore(%arg15 : memref<!tpu.dma_semaphore, #tpu.memory_space<semaphore_mem>>)
    %dma_start3A_952 = arith.constant 0 : i32
    %dma_start3A_953 = arith.constant 0 : i32
    %dma_start3A_954 = arith.constant 128 : i32
    %dma_start3A_955 = tpu.memref_slice %arg7[%dma_start3A_952, %dma_start3A_953, %dma_start3A_954] : memref<7x64x256xf32, #tpu.memory_space<vmem>> -> memref<1x64x128xf32, #tpu.memory_space<vmem>>
    %dma_start3A_956 = tpu.memref_squeeze %dma_start3A_955 : memref<1x64x128xf32, #tpu.memory_space<vmem>> -> memref<64x128xf32, #tpu.memory_space<vmem>>
    %dma_start3A_957 = arith.constant 0 : i32
    %dma_start3A_958 = tpu.memref_slice %arg5[%add3A_938, %dma_start3A_957] : memref<32768x128xf32, #tpu.memory_space<hbm>> -> memref<64x128xf32, #tpu.memory_space<hbm>>
    %dma_start3A_959 = arith.constant 0 : i32
    %dma_start3A_960 = tpu.memref_slice %arg5[%add3A_938, %dma_start3A_959] : memref<32768x128xf32, #tpu.memory_space<hbm>> -> memref<64x128xf32, #tpu.memory_space<hbm>>
    %dma_start3A_961 = arith.constant 0 : i32
    %dma_start3A_962 = arith.constant 128 : i32
    %dma_start3A_963 = tpu.memref_slice %arg7[%dma_start3A_952, %dma_start3A_961, %dma_start3A_962] : memref<7x64x256xf32, #tpu.memory_space<vmem>> -> memref<1x64x128xf32, #tpu.memory_space<vmem>>
    %dma_start3A_964 = tpu.memref_squeeze %dma_start3A_963 : memref<1x64x128xf32, #tpu.memory_space<vmem>> -> memref<64x128xf32, #tpu.memory_space<vmem>>
    tpu.enqueue_dma source(%dma_start3A_964 : memref<64x128xf32, #tpu.memory_space<vmem>>) target(%dma_start3A_960 : memref<64x128xf32, #tpu.memory_space<hbm>>) target_semaphore(%arg15 : memref<!tpu.dma_semaphore, #tpu.memory_space<semaphore_mem>>)
    %dma_wait3A_965 = arith.constant 1 : i32
    %dma_wait3A_966 = arith.constant 0 : i32
    %dma_wait3A_967 = arith.constant 0 : i32
    %dma_wait3A_968 = tpu.memref_slice %arg7[%dma_wait3A_965, %dma_wait3A_966, %dma_wait3A_967] : memref<7x64x256xf32, #tpu.memory_space<vmem>> -> memref<1x64x256xf32, #tpu.memory_space<vmem>>
    %dma_wait3A_969 = tpu.memref_squeeze %dma_wait3A_968 : memref<1x64x256xf32, #tpu.memory_space<vmem>> -> memref<64x256xf32, #tpu.memory_space<vmem>>
    %dma_wait3A_970 = arith.constant 960 : i32
    %dma_wait3A_971 = tpu.memref_slice %arg6[%dma_wait3A_970] : memref<1024xi32, #tpu.memory_space<vmem>> -> memref<64xi32, #tpu.memory_space<vmem>>
    %dma_wait3A_972 = arith.constant 0 : i32
    %dma_wait3A_973 = arith.constant 0 : i32
    %dma_wait3A_974 = tpu.memref_slice %arg2[%dma_wait3A_972, %dma_wait3A_973] : memref<8192x256xf32, #tpu.memory_space<hbm>> -> memref<8192x256xf32, #tpu.memory_space<hbm>>
    tpu.wait_indirect_dma semaphore(%arg9 : memref<!tpu.dma_semaphore, #tpu.memory_space<semaphore_mem>>) src(%dma_wait3A_974 : memref<8192x256xf32, #tpu.memory_space<hbm>>) dst(%dma_wait3A_969 : memref<64x256xf32, #tpu.memory_space<vmem>>)
    %add3A_975 = arith.constant 960 : i32
    %add3A_976 = arith.addi %mul3A_2, %add3A_975 : i32
    %dma_start3A_977 = arith.constant 1 : i32
    %dma_start3A_978 = arith.constant 0 : i32
    %dma_start3A_979 = arith.constant 0 : i32
    %dma_start3A_980 = tpu.memref_slice %arg7[%dma_start3A_977, %dma_start3A_978, %dma_start3A_979] : memref<7x64x256xf32, #tpu.memory_space<vmem>> -> memref<1x64x128xf32, #tpu.memory_space<vmem>>
    %dma_start3A_981 = tpu.memref_squeeze %dma_start3A_980 : memref<1x64x128xf32, #tpu.memory_space<vmem>> -> memref<64x128xf32, #tpu.memory_space<vmem>>
    %dma_start3A_982 = arith.constant 0 : i32
    %dma_start3A_983 = tpu.memref_slice %arg4[%add3A_976, %dma_start3A_982] : memref<32768x128xf32, #tpu.memory_space<hbm>> -> memref<64x128xf32, #tpu.memory_space<hbm>>
    %dma_start3A_984 = arith.constant 0 : i32
    %dma_start3A_985 = tpu.memref_slice %arg4[%add3A_976, %dma_start3A_984] : memref<32768x128xf32, #tpu.memory_space<hbm>> -> memref<64x128xf32, #tpu.memory_space<hbm>>
    %dma_start3A_986 = arith.constant 0 : i32
    %dma_start3A_987 = arith.constant 0 : i32
    %dma_start3A_988 = tpu.memref_slice %arg7[%dma_start3A_977, %dma_start3A_986, %dma_start3A_987] : memref<7x64x256xf32, #tpu.memory_space<vmem>> -> memref<1x64x128xf32, #tpu.memory_space<vmem>>
    %dma_start3A_989 = tpu.memref_squeeze %dma_start3A_988 : memref<1x64x128xf32, #tpu.memory_space<vmem>> -> memref<64x128xf32, #tpu.memory_space<vmem>>
    tpu.enqueue_dma source(%dma_start3A_989 : memref<64x128xf32, #tpu.memory_space<vmem>>) target(%dma_start3A_985 : memref<64x128xf32, #tpu.memory_space<hbm>>) target_semaphore(%arg16 : memref<!tpu.dma_semaphore, #tpu.memory_space<semaphore_mem>>)
    %dma_start3A_990 = arith.constant 1 : i32
    %dma_start3A_991 = arith.constant 0 : i32
    %dma_start3A_992 = arith.constant 128 : i32
    %dma_start3A_993 = tpu.memref_slice %arg7[%dma_start3A_990, %dma_start3A_991, %dma_start3A_992] : memref<7x64x256xf32, #tpu.memory_space<vmem>> -> memref<1x64x128xf32, #tpu.memory_space<vmem>>
    %dma_start3A_994 = tpu.memref_squeeze %dma_start3A_993 : memref<1x64x128xf32, #tpu.memory_space<vmem>> -> memref<64x128xf32, #tpu.memory_space<vmem>>
    %dma_start3A_995 = arith.constant 0 : i32
    %dma_start3A_996 = tpu.memref_slice %arg5[%add3A_976, %dma_start3A_995] : memref<32768x128xf32, #tpu.memory_space<hbm>> -> memref<64x128xf32, #tpu.memory_space<hbm>>
    %dma_start3A_997 = arith.constant 0 : i32
    %dma_start3A_998 = tpu.memref_slice %arg5[%add3A_976, %dma_start3A_997] : memref<32768x128xf32, #tpu.memory_space<hbm>> -> memref<64x128xf32, #tpu.memory_space<hbm>>
    %dma_start3A_999 = arith.constant 0 : i32
    %dma_start3A_1000 = arith.constant 128 : i32
    %dma_start3A_1001 = tpu.memref_slice %arg7[%dma_start3A_990, %dma_start3A_999, %dma_start3A_1000] : memref<7x64x256xf32, #tpu.memory_space<vmem>> -> memref<1x64x128xf32, #tpu.memory_space<vmem>>
    %dma_start3A_1002 = tpu.memref_squeeze %dma_start3A_1001 : memref<1x64x128xf32, #tpu.memory_space<vmem>> -> memref<64x128xf32, #tpu.memory_space<vmem>>
    tpu.enqueue_dma source(%dma_start3A_1002 : memref<64x128xf32, #tpu.memory_space<vmem>>) target(%dma_start3A_998 : memref<64x128xf32, #tpu.memory_space<hbm>>) target_semaphore(%arg16 : memref<!tpu.dma_semaphore, #tpu.memory_space<semaphore_mem>>)
    %dma_wait3A_1003 = arith.constant 2 : i32
    %dma_wait3A_1004 = arith.constant 0 : i32
    %dma_wait3A_1005 = arith.constant 0 : i32
    %dma_wait3A_1006 = tpu.memref_slice %arg7[%dma_wait3A_1003, %dma_wait3A_1004, %dma_wait3A_1005] : memref<7x64x256xf32, #tpu.memory_space<vmem>> -> memref<1x64x128xf32, #tpu.memory_space<vmem>>
    %dma_wait3A_1007 = tpu.memref_squeeze %dma_wait3A_1006 : memref<1x64x128xf32, #tpu.memory_space<vmem>> -> memref<64x128xf32, #tpu.memory_space<vmem>>
    %dma_wait3A_1008 = arith.constant 0 : i32
    %dma_wait3A_1009 = tpu.memref_slice %arg4[%add3A_676, %dma_wait3A_1008] : memref<32768x128xf32, #tpu.memory_space<hbm>> -> memref<64x128xf32, #tpu.memory_space<hbm>>
    %dma_wait3A_1010 = arith.constant 0 : i32
    %dma_wait3A_1011 = tpu.memref_slice %arg4[%add3A_676, %dma_wait3A_1010] : memref<32768x128xf32, #tpu.memory_space<hbm>> -> memref<64x128xf32, #tpu.memory_space<hbm>>
    %dma_wait3A_1012 = arith.constant 0 : i32
    %dma_wait3A_1013 = arith.constant 0 : i32
    %dma_wait3A_1014 = tpu.memref_slice %arg7[%dma_wait3A_1003, %dma_wait3A_1012, %dma_wait3A_1013] : memref<7x64x256xf32, #tpu.memory_space<vmem>> -> memref<1x64x128xf32, #tpu.memory_space<vmem>>
    %dma_wait3A_1015 = tpu.memref_squeeze %dma_wait3A_1014 : memref<1x64x128xf32, #tpu.memory_space<vmem>> -> memref<64x128xf32, #tpu.memory_space<vmem>>
    tpu.wait_dma2 semaphore(%arg17 : memref<!tpu.dma_semaphore, #tpu.memory_space<semaphore_mem>>) src(%dma_wait3A_1015 : memref<64x128xf32, #tpu.memory_space<vmem>>) dst(%dma_wait3A_1011 : memref<64x128xf32, #tpu.memory_space<hbm>>)
    %dma_wait3A_1016 = arith.constant 2 : i32
    %dma_wait3A_1017 = arith.constant 0 : i32
    %dma_wait3A_1018 = arith.constant 128 : i32
    %dma_wait3A_1019 = tpu.memref_slice %arg7[%dma_wait3A_1016, %dma_wait3A_1017, %dma_wait3A_1018] : memref<7x64x256xf32, #tpu.memory_space<vmem>> -> memref<1x64x128xf32, #tpu.memory_space<vmem>>
    %dma_wait3A_1020 = tpu.memref_squeeze %dma_wait3A_1019 : memref<1x64x128xf32, #tpu.memory_space<vmem>> -> memref<64x128xf32, #tpu.memory_space<vmem>>
    %dma_wait3A_1021 = arith.constant 0 : i32
    %dma_wait3A_1022 = tpu.memref_slice %arg5[%add3A_676, %dma_wait3A_1021] : memref<32768x128xf32, #tpu.memory_space<hbm>> -> memref<64x128xf32, #tpu.memory_space<hbm>>
    %dma_wait3A_1023 = arith.constant 0 : i32
    %dma_wait3A_1024 = tpu.memref_slice %arg5[%add3A_676, %dma_wait3A_1023] : memref<32768x128xf32, #tpu.memory_space<hbm>> -> memref<64x128xf32, #tpu.memory_space<hbm>>
    %dma_wait3A_1025 = arith.constant 0 : i32
    %dma_wait3A_1026 = arith.constant 128 : i32
    %dma_wait3A_1027 = tpu.memref_slice %arg7[%dma_wait3A_1016, %dma_wait3A_1025, %dma_wait3A_1026] : memref<7x64x256xf32, #tpu.memory_space<vmem>> -> memref<1x64x128xf32, #tpu.memory_space<vmem>>
    %dma_wait3A_1028 = tpu.memref_squeeze %dma_wait3A_1027 : memref<1x64x128xf32, #tpu.memory_space<vmem>> -> memref<64x128xf32, #tpu.memory_space<vmem>>
    tpu.wait_dma2 semaphore(%arg17 : memref<!tpu.dma_semaphore, #tpu.memory_space<semaphore_mem>>) src(%dma_wait3A_1028 : memref<64x128xf32, #tpu.memory_space<vmem>>) dst(%dma_wait3A_1024 : memref<64x128xf32, #tpu.memory_space<hbm>>)
    %dma_wait3A_1029 = arith.constant 3 : i32
    %dma_wait3A_1030 = arith.constant 0 : i32
    %dma_wait3A_1031 = arith.constant 0 : i32
    %dma_wait3A_1032 = tpu.memref_slice %arg7[%dma_wait3A_1029, %dma_wait3A_1030, %dma_wait3A_1031] : memref<7x64x256xf32, #tpu.memory_space<vmem>> -> memref<1x64x128xf32, #tpu.memory_space<vmem>>
    %dma_wait3A_1033 = tpu.memref_squeeze %dma_wait3A_1032 : memref<1x64x128xf32, #tpu.memory_space<vmem>> -> memref<64x128xf32, #tpu.memory_space<vmem>>
    %dma_wait3A_1034 = arith.constant 0 : i32
    %dma_wait3A_1035 = tpu.memref_slice %arg4[%add3A_750, %dma_wait3A_1034] : memref<32768x128xf32, #tpu.memory_space<hbm>> -> memref<64x128xf32, #tpu.memory_space<hbm>>
    %dma_wait3A_1036 = arith.constant 0 : i32
    %dma_wait3A_1037 = tpu.memref_slice %arg4[%add3A_750, %dma_wait3A_1036] : memref<32768x128xf32, #tpu.memory_space<hbm>> -> memref<64x128xf32, #tpu.memory_space<hbm>>
    %dma_wait3A_1038 = arith.constant 0 : i32
    %dma_wait3A_1039 = arith.constant 0 : i32
    %dma_wait3A_1040 = tpu.memref_slice %arg7[%dma_wait3A_1029, %dma_wait3A_1038, %dma_wait3A_1039] : memref<7x64x256xf32, #tpu.memory_space<vmem>> -> memref<1x64x128xf32, #tpu.memory_space<vmem>>
    %dma_wait3A_1041 = tpu.memref_squeeze %dma_wait3A_1040 : memref<1x64x128xf32, #tpu.memory_space<vmem>> -> memref<64x128xf32, #tpu.memory_space<vmem>>
    tpu.wait_dma2 semaphore(%arg18 : memref<!tpu.dma_semaphore, #tpu.memory_space<semaphore_mem>>) src(%dma_wait3A_1041 : memref<64x128xf32, #tpu.memory_space<vmem>>) dst(%dma_wait3A_1037 : memref<64x128xf32, #tpu.memory_space<hbm>>)
    %dma_wait3A_1042 = arith.constant 3 : i32
    %dma_wait3A_1043 = arith.constant 0 : i32
    %dma_wait3A_1044 = arith.constant 128 : i32
    %dma_wait3A_1045 = tpu.memref_slice %arg7[%dma_wait3A_1042, %dma_wait3A_1043, %dma_wait3A_1044] : memref<7x64x256xf32, #tpu.memory_space<vmem>> -> memref<1x64x128xf32, #tpu.memory_space<vmem>>
    %dma_wait3A_1046 = tpu.memref_squeeze %dma_wait3A_1045 : memref<1x64x128xf32, #tpu.memory_space<vmem>> -> memref<64x128xf32, #tpu.memory_space<vmem>>
    %dma_wait3A_1047 = arith.constant 0 : i32
    %dma_wait3A_1048 = tpu.memref_slice %arg5[%add3A_750, %dma_wait3A_1047] : memref<32768x128xf32, #tpu.memory_space<hbm>> -> memref<64x128xf32, #tpu.memory_space<hbm>>
    %dma_wait3A_1049 = arith.constant 0 : i32
    %dma_wait3A_1050 = tpu.memref_slice %arg5[%add3A_750, %dma_wait3A_1049] : memref<32768x128xf32, #tpu.memory_space<hbm>> -> memref<64x128xf32, #tpu.memory_space<hbm>>
    %dma_wait3A_1051 = arith.constant 0 : i32
    %dma_wait3A_1052 = arith.constant 128 : i32
    %dma_wait3A_1053 = tpu.memref_slice %arg7[%dma_wait3A_1042, %dma_wait3A_1051, %dma_wait3A_1052] : memref<7x64x256xf32, #tpu.memory_space<vmem>> -> memref<1x64x128xf32, #tpu.memory_space<vmem>>
    %dma_wait3A_1054 = tpu.memref_squeeze %dma_wait3A_1053 : memref<1x64x128xf32, #tpu.memory_space<vmem>> -> memref<64x128xf32, #tpu.memory_space<vmem>>
    tpu.wait_dma2 semaphore(%arg18 : memref<!tpu.dma_semaphore, #tpu.memory_space<semaphore_mem>>) src(%dma_wait3A_1054 : memref<64x128xf32, #tpu.memory_space<vmem>>) dst(%dma_wait3A_1050 : memref<64x128xf32, #tpu.memory_space<hbm>>)
    %dma_wait3A_1055 = arith.constant 4 : i32
    %dma_wait3A_1056 = arith.constant 0 : i32
    %dma_wait3A_1057 = arith.constant 0 : i32
    %dma_wait3A_1058 = tpu.memref_slice %arg7[%dma_wait3A_1055, %dma_wait3A_1056, %dma_wait3A_1057] : memref<7x64x256xf32, #tpu.memory_space<vmem>> -> memref<1x64x128xf32, #tpu.memory_space<vmem>>
    %dma_wait3A_1059 = tpu.memref_squeeze %dma_wait3A_1058 : memref<1x64x128xf32, #tpu.memory_space<vmem>> -> memref<64x128xf32, #tpu.memory_space<vmem>>
    %dma_wait3A_1060 = arith.constant 0 : i32
    %dma_wait3A_1061 = tpu.memref_slice %arg4[%add3A_824, %dma_wait3A_1060] : memref<32768x128xf32, #tpu.memory_space<hbm>> -> memref<64x128xf32, #tpu.memory_space<hbm>>
    %dma_wait3A_1062 = arith.constant 0 : i32
    %dma_wait3A_1063 = tpu.memref_slice %arg4[%add3A_824, %dma_wait3A_1062] : memref<32768x128xf32, #tpu.memory_space<hbm>> -> memref<64x128xf32, #tpu.memory_space<hbm>>
    %dma_wait3A_1064 = arith.constant 0 : i32
    %dma_wait3A_1065 = arith.constant 0 : i32
    %dma_wait3A_1066 = tpu.memref_slice %arg7[%dma_wait3A_1055, %dma_wait3A_1064, %dma_wait3A_1065] : memref<7x64x256xf32, #tpu.memory_space<vmem>> -> memref<1x64x128xf32, #tpu.memory_space<vmem>>
    %dma_wait3A_1067 = tpu.memref_squeeze %dma_wait3A_1066 : memref<1x64x128xf32, #tpu.memory_space<vmem>> -> memref<64x128xf32, #tpu.memory_space<vmem>>
    tpu.wait_dma2 semaphore(%arg19 : memref<!tpu.dma_semaphore, #tpu.memory_space<semaphore_mem>>) src(%dma_wait3A_1067 : memref<64x128xf32, #tpu.memory_space<vmem>>) dst(%dma_wait3A_1063 : memref<64x128xf32, #tpu.memory_space<hbm>>)
    %dma_wait3A_1068 = arith.constant 4 : i32
    %dma_wait3A_1069 = arith.constant 0 : i32
    %dma_wait3A_1070 = arith.constant 128 : i32
    %dma_wait3A_1071 = tpu.memref_slice %arg7[%dma_wait3A_1068, %dma_wait3A_1069, %dma_wait3A_1070] : memref<7x64x256xf32, #tpu.memory_space<vmem>> -> memref<1x64x128xf32, #tpu.memory_space<vmem>>
    %dma_wait3A_1072 = tpu.memref_squeeze %dma_wait3A_1071 : memref<1x64x128xf32, #tpu.memory_space<vmem>> -> memref<64x128xf32, #tpu.memory_space<vmem>>
    %dma_wait3A_1073 = arith.constant 0 : i32
    %dma_wait3A_1074 = tpu.memref_slice %arg5[%add3A_824, %dma_wait3A_1073] : memref<32768x128xf32, #tpu.memory_space<hbm>> -> memref<64x128xf32, #tpu.memory_space<hbm>>
    %dma_wait3A_1075 = arith.constant 0 : i32
    %dma_wait3A_1076 = tpu.memref_slice %arg5[%add3A_824, %dma_wait3A_1075] : memref<32768x128xf32, #tpu.memory_space<hbm>> -> memref<64x128xf32, #tpu.memory_space<hbm>>
    %dma_wait3A_1077 = arith.constant 0 : i32
    %dma_wait3A_1078 = arith.constant 128 : i32
    %dma_wait3A_1079 = tpu.memref_slice %arg7[%dma_wait3A_1068, %dma_wait3A_1077, %dma_wait3A_1078] : memref<7x64x256xf32, #tpu.memory_space<vmem>> -> memref<1x64x128xf32, #tpu.memory_space<vmem>>
    %dma_wait3A_1080 = tpu.memref_squeeze %dma_wait3A_1079 : memref<1x64x128xf32, #tpu.memory_space<vmem>> -> memref<64x128xf32, #tpu.memory_space<vmem>>
    tpu.wait_dma2 semaphore(%arg19 : memref<!tpu.dma_semaphore, #tpu.memory_space<semaphore_mem>>) src(%dma_wait3A_1080 : memref<64x128xf32, #tpu.memory_space<vmem>>) dst(%dma_wait3A_1076 : memref<64x128xf32, #tpu.memory_space<hbm>>)
    %dma_wait3A_1081 = arith.constant 5 : i32
    %dma_wait3A_1082 = arith.constant 0 : i32
    %dma_wait3A_1083 = arith.constant 0 : i32
    %dma_wait3A_1084 = tpu.memref_slice %arg7[%dma_wait3A_1081, %dma_wait3A_1082, %dma_wait3A_1083] : memref<7x64x256xf32, #tpu.memory_space<vmem>> -> memref<1x64x128xf32, #tpu.memory_space<vmem>>
    %dma_wait3A_1085 = tpu.memref_squeeze %dma_wait3A_1084 : memref<1x64x128xf32, #tpu.memory_space<vmem>> -> memref<64x128xf32, #tpu.memory_space<vmem>>
    %dma_wait3A_1086 = arith.constant 0 : i32
    %dma_wait3A_1087 = tpu.memref_slice %arg4[%add3A_862, %dma_wait3A_1086] : memref<32768x128xf32, #tpu.memory_space<hbm>> -> memref<64x128xf32, #tpu.memory_space<hbm>>
    %dma_wait3A_1088 = arith.constant 0 : i32
    %dma_wait3A_1089 = tpu.memref_slice %arg4[%add3A_862, %dma_wait3A_1088] : memref<32768x128xf32, #tpu.memory_space<hbm>> -> memref<64x128xf32, #tpu.memory_space<hbm>>
    %dma_wait3A_1090 = arith.constant 0 : i32
    %dma_wait3A_1091 = arith.constant 0 : i32
    %dma_wait3A_1092 = tpu.memref_slice %arg7[%dma_wait3A_1081, %dma_wait3A_1090, %dma_wait3A_1091] : memref<7x64x256xf32, #tpu.memory_space<vmem>> -> memref<1x64x128xf32, #tpu.memory_space<vmem>>
    %dma_wait3A_1093 = tpu.memref_squeeze %dma_wait3A_1092 : memref<1x64x128xf32, #tpu.memory_space<vmem>> -> memref<64x128xf32, #tpu.memory_space<vmem>>
    tpu.wait_dma2 semaphore(%arg20 : memref<!tpu.dma_semaphore, #tpu.memory_space<semaphore_mem>>) src(%dma_wait3A_1093 : memref<64x128xf32, #tpu.memory_space<vmem>>) dst(%dma_wait3A_1089 : memref<64x128xf32, #tpu.memory_space<hbm>>)
    %dma_wait3A_1094 = arith.constant 5 : i32
    %dma_wait3A_1095 = arith.constant 0 : i32
    %dma_wait3A_1096 = arith.constant 128 : i32
    %dma_wait3A_1097 = tpu.memref_slice %arg7[%dma_wait3A_1094, %dma_wait3A_1095, %dma_wait3A_1096] : memref<7x64x256xf32, #tpu.memory_space<vmem>> -> memref<1x64x128xf32, #tpu.memory_space<vmem>>
    %dma_wait3A_1098 = tpu.memref_squeeze %dma_wait3A_1097 : memref<1x64x128xf32, #tpu.memory_space<vmem>> -> memref<64x128xf32, #tpu.memory_space<vmem>>
    %dma_wait3A_1099 = arith.constant 0 : i32
    %dma_wait3A_1100 = tpu.memref_slice %arg5[%add3A_862, %dma_wait3A_1099] : memref<32768x128xf32, #tpu.memory_space<hbm>> -> memref<64x128xf32, #tpu.memory_space<hbm>>
    %dma_wait3A_1101 = arith.constant 0 : i32
    %dma_wait3A_1102 = tpu.memref_slice %arg5[%add3A_862, %dma_wait3A_1101] : memref<32768x128xf32, #tpu.memory_space<hbm>> -> memref<64x128xf32, #tpu.memory_space<hbm>>
    %dma_wait3A_1103 = arith.constant 0 : i32
    %dma_wait3A_1104 = arith.constant 128 : i32
    %dma_wait3A_1105 = tpu.memref_slice %arg7[%dma_wait3A_1094, %dma_wait3A_1103, %dma_wait3A_1104] : memref<7x64x256xf32, #tpu.memory_space<vmem>> -> memref<1x64x128xf32, #tpu.memory_space<vmem>>
    %dma_wait3A_1106 = tpu.memref_squeeze %dma_wait3A_1105 : memref<1x64x128xf32, #tpu.memory_space<vmem>> -> memref<64x128xf32, #tpu.memory_space<vmem>>
    tpu.wait_dma2 semaphore(%arg20 : memref<!tpu.dma_semaphore, #tpu.memory_space<semaphore_mem>>) src(%dma_wait3A_1106 : memref<64x128xf32, #tpu.memory_space<vmem>>) dst(%dma_wait3A_1102 : memref<64x128xf32, #tpu.memory_space<hbm>>)
    %dma_wait3A_1107 = arith.constant 6 : i32
    %dma_wait3A_1108 = arith.constant 0 : i32
    %dma_wait3A_1109 = arith.constant 0 : i32
    %dma_wait3A_1110 = tpu.memref_slice %arg7[%dma_wait3A_1107, %dma_wait3A_1108, %dma_wait3A_1109] : memref<7x64x256xf32, #tpu.memory_space<vmem>> -> memref<1x64x128xf32, #tpu.memory_space<vmem>>
    %dma_wait3A_1111 = tpu.memref_squeeze %dma_wait3A_1110 : memref<1x64x128xf32, #tpu.memory_space<vmem>> -> memref<64x128xf32, #tpu.memory_space<vmem>>
    %dma_wait3A_1112 = arith.constant 0 : i32
    %dma_wait3A_1113 = tpu.memref_slice %arg4[%add3A_900, %dma_wait3A_1112] : memref<32768x128xf32, #tpu.memory_space<hbm>> -> memref<64x128xf32, #tpu.memory_space<hbm>>
    %dma_wait3A_1114 = arith.constant 0 : i32
    %dma_wait3A_1115 = tpu.memref_slice %arg4[%add3A_900, %dma_wait3A_1114] : memref<32768x128xf32, #tpu.memory_space<hbm>> -> memref<64x128xf32, #tpu.memory_space<hbm>>
    %dma_wait3A_1116 = arith.constant 0 : i32
    %dma_wait3A_1117 = arith.constant 0 : i32
    %dma_wait3A_1118 = tpu.memref_slice %arg7[%dma_wait3A_1107, %dma_wait3A_1116, %dma_wait3A_1117] : memref<7x64x256xf32, #tpu.memory_space<vmem>> -> memref<1x64x128xf32, #tpu.memory_space<vmem>>
    %dma_wait3A_1119 = tpu.memref_squeeze %dma_wait3A_1118 : memref<1x64x128xf32, #tpu.memory_space<vmem>> -> memref<64x128xf32, #tpu.memory_space<vmem>>
    tpu.wait_dma2 semaphore(%arg21 : memref<!tpu.dma_semaphore, #tpu.memory_space<semaphore_mem>>) src(%dma_wait3A_1119 : memref<64x128xf32, #tpu.memory_space<vmem>>) dst(%dma_wait3A_1115 : memref<64x128xf32, #tpu.memory_space<hbm>>)
    %dma_wait3A_1120 = arith.constant 6 : i32
    %dma_wait3A_1121 = arith.constant 0 : i32
    %dma_wait3A_1122 = arith.constant 128 : i32
    %dma_wait3A_1123 = tpu.memref_slice %arg7[%dma_wait3A_1120, %dma_wait3A_1121, %dma_wait3A_1122] : memref<7x64x256xf32, #tpu.memory_space<vmem>> -> memref<1x64x128xf32, #tpu.memory_space<vmem>>
    %dma_wait3A_1124 = tpu.memref_squeeze %dma_wait3A_1123 : memref<1x64x128xf32, #tpu.memory_space<vmem>> -> memref<64x128xf32, #tpu.memory_space<vmem>>
    %dma_wait3A_1125 = arith.constant 0 : i32
    %dma_wait3A_1126 = tpu.memref_slice %arg5[%add3A_900, %dma_wait3A_1125] : memref<32768x128xf32, #tpu.memory_space<hbm>> -> memref<64x128xf32, #tpu.memory_space<hbm>>
    %dma_wait3A_1127 = arith.constant 0 : i32
    %dma_wait3A_1128 = tpu.memref_slice %arg5[%add3A_900, %dma_wait3A_1127] : memref<32768x128xf32, #tpu.memory_space<hbm>> -> memref<64x128xf32, #tpu.memory_space<hbm>>
    %dma_wait3A_1129 = arith.constant 0 : i32
    %dma_wait3A_1130 = arith.constant 128 : i32
    %dma_wait3A_1131 = tpu.memref_slice %arg7[%dma_wait3A_1120, %dma_wait3A_1129, %dma_wait3A_1130] : memref<7x64x256xf32, #tpu.memory_space<vmem>> -> memref<1x64x128xf32, #tpu.memory_space<vmem>>
    %dma_wait3A_1132 = tpu.memref_squeeze %dma_wait3A_1131 : memref<1x64x128xf32, #tpu.memory_space<vmem>> -> memref<64x128xf32, #tpu.memory_space<vmem>>
    tpu.wait_dma2 semaphore(%arg21 : memref<!tpu.dma_semaphore, #tpu.memory_space<semaphore_mem>>) src(%dma_wait3A_1132 : memref<64x128xf32, #tpu.memory_space<vmem>>) dst(%dma_wait3A_1128 : memref<64x128xf32, #tpu.memory_space<hbm>>)
    %dma_wait3A_1133 = arith.constant 0 : i32
    %dma_wait3A_1134 = arith.constant 0 : i32
    %dma_wait3A_1135 = arith.constant 0 : i32
    %dma_wait3A_1136 = tpu.memref_slice %arg7[%dma_wait3A_1133, %dma_wait3A_1134, %dma_wait3A_1135] : memref<7x64x256xf32, #tpu.memory_space<vmem>> -> memref<1x64x128xf32, #tpu.memory_space<vmem>>
    %dma_wait3A_1137 = tpu.memref_squeeze %dma_wait3A_1136 : memref<1x64x128xf32, #tpu.memory_space<vmem>> -> memref<64x128xf32, #tpu.memory_space<vmem>>
    %dma_wait3A_1138 = arith.constant 0 : i32
    %dma_wait3A_1139 = tpu.memref_slice %arg4[%add3A_938, %dma_wait3A_1138] : memref<32768x128xf32, #tpu.memory_space<hbm>> -> memref<64x128xf32, #tpu.memory_space<hbm>>
    %dma_wait3A_1140 = arith.constant 0 : i32
    %dma_wait3A_1141 = tpu.memref_slice %arg4[%add3A_938, %dma_wait3A_1140] : memref<32768x128xf32, #tpu.memory_space<hbm>> -> memref<64x128xf32, #tpu.memory_space<hbm>>
    %dma_wait3A_1142 = arith.constant 0 : i32
    %dma_wait3A_1143 = arith.constant 0 : i32
    %dma_wait3A_1144 = tpu.memref_slice %arg7[%dma_wait3A_1133, %dma_wait3A_1142, %dma_wait3A_1143] : memref<7x64x256xf32, #tpu.memory_space<vmem>> -> memref<1x64x128xf32, #tpu.memory_space<vmem>>
    %dma_wait3A_1145 = tpu.memref_squeeze %dma_wait3A_1144 : memref<1x64x128xf32, #tpu.memory_space<vmem>> -> memref<64x128xf32, #tpu.memory_space<vmem>>
    tpu.wait_dma2 semaphore(%arg15 : memref<!tpu.dma_semaphore, #tpu.memory_space<semaphore_mem>>) src(%dma_wait3A_1145 : memref<64x128xf32, #tpu.memory_space<vmem>>) dst(%dma_wait3A_1141 : memref<64x128xf32, #tpu.memory_space<hbm>>)
    %dma_wait3A_1146 = arith.constant 0 : i32
    %dma_wait3A_1147 = arith.constant 0 : i32
    %dma_wait3A_1148 = arith.constant 128 : i32
    %dma_wait3A_1149 = tpu.memref_slice %arg7[%dma_wait3A_1146, %dma_wait3A_1147, %dma_wait3A_1148] : memref<7x64x256xf32, #tpu.memory_space<vmem>> -> memref<1x64x128xf32, #tpu.memory_space<vmem>>
    %dma_wait3A_1150 = tpu.memref_squeeze %dma_wait3A_1149 : memref<1x64x128xf32, #tpu.memory_space<vmem>> -> memref<64x128xf32, #tpu.memory_space<vmem>>
    %dma_wait3A_1151 = arith.constant 0 : i32
    %dma_wait3A_1152 = tpu.memref_slice %arg5[%add3A_938, %dma_wait3A_1151] : memref<32768x128xf32, #tpu.memory_space<hbm>> -> memref<64x128xf32, #tpu.memory_space<hbm>>
    %dma_wait3A_1153 = arith.constant 0 : i32
    %dma_wait3A_1154 = tpu.memref_slice %arg5[%add3A_938, %dma_wait3A_1153] : memref<32768x128xf32, #tpu.memory_space<hbm>> -> memref<64x128xf32, #tpu.memory_space<hbm>>
    %dma_wait3A_1155 = arith.constant 0 : i32
    %dma_wait3A_1156 = arith.constant 128 : i32
    %dma_wait3A_1157 = tpu.memref_slice %arg7[%dma_wait3A_1146, %dma_wait3A_1155, %dma_wait3A_1156] : memref<7x64x256xf32, #tpu.memory_space<vmem>> -> memref<1x64x128xf32, #tpu.memory_space<vmem>>
    %dma_wait3A_1158 = tpu.memref_squeeze %dma_wait3A_1157 : memref<1x64x128xf32, #tpu.memory_space<vmem>> -> memref<64x128xf32, #tpu.memory_space<vmem>>
    tpu.wait_dma2 semaphore(%arg15 : memref<!tpu.dma_semaphore, #tpu.memory_space<semaphore_mem>>) src(%dma_wait3A_1158 : memref<64x128xf32, #tpu.memory_space<vmem>>) dst(%dma_wait3A_1154 : memref<64x128xf32, #tpu.memory_space<hbm>>)
    %dma_wait3A_1159 = arith.constant 1 : i32
    %dma_wait3A_1160 = arith.constant 0 : i32
    %dma_wait3A_1161 = arith.constant 0 : i32
    %dma_wait3A_1162 = tpu.memref_slice %arg7[%dma_wait3A_1159, %dma_wait3A_1160, %dma_wait3A_1161] : memref<7x64x256xf32, #tpu.memory_space<vmem>> -> memref<1x64x128xf32, #tpu.memory_space<vmem>>
    %dma_wait3A_1163 = tpu.memref_squeeze %dma_wait3A_1162 : memref<1x64x128xf32, #tpu.memory_space<vmem>> -> memref<64x128xf32, #tpu.memory_space<vmem>>
    %dma_wait3A_1164 = arith.constant 0 : i32
    %dma_wait3A_1165 = tpu.memref_slice %arg4[%add3A_976, %dma_wait3A_1164] : memref<32768x128xf32, #tpu.memory_space<hbm>> -> memref<64x128xf32, #tpu.memory_space<hbm>>
    %dma_wait3A_1166 = arith.constant 0 : i32
    %dma_wait3A_1167 = tpu.memref_slice %arg4[%add3A_976, %dma_wait3A_1166] : memref<32768x128xf32, #tpu.memory_space<hbm>> -> memref<64x128xf32, #tpu.memory_space<hbm>>
    %dma_wait3A_1168 = arith.constant 0 : i32
    %dma_wait3A_1169 = arith.constant 0 : i32
    %dma_wait3A_1170 = tpu.memref_slice %arg7[%dma_wait3A_1159, %dma_wait3A_1168, %dma_wait3A_1169] : memref<7x64x256xf32, #tpu.memory_space<vmem>> -> memref<1x64x128xf32, #tpu.memory_space<vmem>>
    %dma_wait3A_1171 = tpu.memref_squeeze %dma_wait3A_1170 : memref<1x64x128xf32, #tpu.memory_space<vmem>> -> memref<64x128xf32, #tpu.memory_space<vmem>>
    tpu.wait_dma2 semaphore(%arg16 : memref<!tpu.dma_semaphore, #tpu.memory_space<semaphore_mem>>) src(%dma_wait3A_1171 : memref<64x128xf32, #tpu.memory_space<vmem>>) dst(%dma_wait3A_1167 : memref<64x128xf32, #tpu.memory_space<hbm>>)
    %dma_wait3A_1172 = arith.constant 1 : i32
    %dma_wait3A_1173 = arith.constant 0 : i32
    %dma_wait3A_1174 = arith.constant 128 : i32
    %dma_wait3A_1175 = tpu.memref_slice %arg7[%dma_wait3A_1172, %dma_wait3A_1173, %dma_wait3A_1174] : memref<7x64x256xf32, #tpu.memory_space<vmem>> -> memref<1x64x128xf32, #tpu.memory_space<vmem>>
    %dma_wait3A_1176 = tpu.memref_squeeze %dma_wait3A_1175 : memref<1x64x128xf32, #tpu.memory_space<vmem>> -> memref<64x128xf32, #tpu.memory_space<vmem>>
    %dma_wait3A_1177 = arith.constant 0 : i32
    %dma_wait3A_1178 = tpu.memref_slice %arg5[%add3A_976, %dma_wait3A_1177] : memref<32768x128xf32, #tpu.memory_space<hbm>> -> memref<64x128xf32, #tpu.memory_space<hbm>>
    %dma_wait3A_1179 = arith.constant 0 : i32
    %dma_wait3A_1180 = tpu.memref_slice %arg5[%add3A_976, %dma_wait3A_1179] : memref<32768x128xf32, #tpu.memory_space<hbm>> -> memref<64x128xf32, #tpu.memory_space<hbm>>
    %dma_wait3A_1181 = arith.constant 0 : i32
    %dma_wait3A_1182 = arith.constant 128 : i32
    %dma_wait3A_1183 = tpu.memref_slice %arg7[%dma_wait3A_1172, %dma_wait3A_1181, %dma_wait3A_1182] : memref<7x64x256xf32, #tpu.memory_space<vmem>> -> memref<1x64x128xf32, #tpu.memory_space<vmem>>
    %dma_wait3A_1184 = tpu.memref_squeeze %dma_wait3A_1183 : memref<1x64x128xf32, #tpu.memory_space<vmem>> -> memref<64x128xf32, #tpu.memory_space<vmem>>
    tpu.wait_dma2 semaphore(%arg16 : memref<!tpu.dma_semaphore, #tpu.memory_space<semaphore_mem>>) src(%dma_wait3A_1184 : memref<64x128xf32, #tpu.memory_space<vmem>>) dst(%dma_wait3A_1180 : memref<64x128xf32, #tpu.memory_space<hbm>>)
    return
  }
}

</mosaic_0001>

<sc_bundles>
// kernel: kernel.3.cloned.1.call-start
scs
__scs_entry_jumppad:
0x0: {  	(pc) =	sbr.rel $0x88, $3  }
0x1: {  	(tag) =	ssettag $0x0;
	lr =	simm.s32 $0x1  }
0x2: {  	[smem:$0x3FA0] =	sst lr;
	_ =	strace $0xD0000000  }
0x3: {  	_ = 	snop  }
0x4: {  	_ = 	snop  }
0x5: {  	_ = 	snop  }
0x6: {  	_ = 	snop  }
0x7: {  	_ = 	snop  }
__scs_overlays_trampoline_lowered:
0x8: {  	[smem:$0x3FAF] =	sst s0  }
0x9: {  	[smem:$0x3FB0] =	sst s1  }
0xa: {  	[smem:$0x3FB1] =	sst s2  }
0xb: {  	[smem:$0x3FB2] =	sst s3  }
0xc: {  	[smem:$0x3FB3] =	sst s4  }
0xd: {  	[smem:$0x3FB4] =	sst s5  }
0xe: {  	[smem:$0x3FB5] =	sst s6  }
0xf: {  	[smem:$0x3FB6] =	sst s7  }
0x10: {  	[smem:$0x3FB7] =	sst s8  }
0x11: {  	[smem:$0x3FB8] =	sst s9;
	s0 =	simm.s32 @!p0 $0x0  }
0x12: {  	s1 =	sld [smem:$0x3F9E];
	s0 =	simm.s32 @p0 $0x1  }
0x13: {  	[smem:$0x3FB9] =	sst s0;
	s0 =	simm.s32 @!p1 $0x0  }
0x14: {  	s2 =	sld [smem:$0x3F9D];
	s0 =	simm.s32 @p1 $0x1  }
0x15: {  	[smem:$0x3FBA] =	sst s0;
	s0 =	simm.s32 @!p2 $0x0  }
0x16: {  	s3 =	sld [smem:$0x3FDB];
	s0 =	simm.s32 @p2 $0x1  }
0x17: {  	s4 =	simm.s32 $0x1BF5;
	[smem:$0x3FBC] =	sst s0  }
0x18: {  	s0 =	sld [smem:$0x3F9F];
	_ =	swait.ge [sflag:s4], $0x0  }
0x19: {  	s7 =	sld [smem:$0x3FA0]  }
0x1a: {  	s8 =	sadd.s32 $0xFFFFE003, lr  }
0x1b: {  	s9 =	sadd.s32 $0xFFFFFEF7, lr;
	s5 =	simm.s32 $0xFFFFFFFF;
	p2 =	slt.u32 s8, $0xFFFFF086  }
0x1c: {  	p1 =	slt.u32 s9, $0xF7A;
	s5 =	simm.s32 @!p2 $0x0  }
0x1d: {  	s5 =	simm.s32 @p1 $0x1;
	p0 =	seq.s32 s7, s2  }
0x1e: {  	s7 =	smul.u32 @!p0 $0xF7A, s2;
	p2 =	seq.s32 @!p0 s5, $0x0  }
0x1f: {  	s9 =	smul.u32 $0xF7A, s1;
	s8 =	simm.s32 @!p0 $0x1BF5;
	p2 =	por !p2, p0  }
0x20: {  	[sflag:s8] =	ssyncset.s32 @!p0 $0xFFFFF086;
	s6 =	sadd.s32 @!p0 s3, s7;
	s7 =	simm.s32 @!p0 $0x108  }
0x21: {  	s3 =	sadd.s32 s3, s9;
	s6 =	sadd.s32 @!p0 $0x88, s6;
	s7 =	simm.s32 @p2 $0x1082  }
0x22: {  	[simem:s7], [sflag:s8] =	dma.local @!p0 [hbm:s6], $0xF7A  }
0x23: {  	s9 =	sor.u32 $0xD0000000, s2;
	s6 =	simm.s32 $0x108;
	_ =	swait.ge @!p0 [sflag:s8], $0x0  }
0x24: {  	s3 =	sadd.s32 $0x88, s3;
	s6 =	simm.s32 @!p1 $0x1082;
	[sflag:s4] =	ssyncset.s32 $0xFFFFF086  }
0x25: {  	[simem:s6], [sflag:s4] =	dma.local [hbm:s3], $0xF7A  }
0x26: {  	[smem:$0x3FA0] =	sst s1;
	(tag) =	ssettag s2;
	_ =	strace s9  }
0x27: {  	s1 =	sld [smem:$0x3FB0]  }
0x28: {  	s2 =	sld [smem:$0x3FB1]  }
0x29: {  	s4 =	sld [smem:$0x3FB3]  }
0x2a: {  	p0 =	seq.s32 s5, $0x0;
	s5 =	sld [smem:$0x3FB4]  }
0x2b: {  	s6 =	sld [smem:$0x3FB5]  }
0x2c: {  	s7 =	sld [smem:$0x3FB6]  }
0x2d: {  	s3 =	simm.s32 $0x108;
	s8 =	sld [smem:$0x3FB7]  }
0x2e: {  	s3 =	simm.s32 @!p0 $0x1082;
	s9 =	sld [smem:$0x3FB8]  }
0x2f: {  	lr =	sadd.s32 s0, s3;
	s0 =	sld [smem:$0x3FAF]  }
0x30: {  	s3 =	sld [smem:$0x3FB2]  }
0x31: {  	[smem:$0x3FBB] =	sst s10  }
0x32: {  	s10 =	sld [smem:$0x3FB9];
	_ =	sdelay $0x3  }
0x33: {  	p0 =	seq.s32 s10, $0x1;
	s10 =	sld [smem:$0x3FBB];
	_ =	sdelay $0x3  }
0x34: {  	[smem:$0x3FBB] =	sst s10  }
0x35: {  	s10 =	sld [smem:$0x3FBA];
	_ =	sdelay $0x3  }
0x36: {  	p1 =	seq.s32 s10, $0x1;
	s10 =	sld [smem:$0x3FBB];
	_ =	sdelay $0x3  }
0x37: {  	[smem:$0x3FBB] =	sst s10  }
0x38: {  	s10 =	sld [smem:$0x3FBC]  }
0x39: {  	_ = 	snop;
	(pc) =	sbr.ind lr, $3  }
0x3a: {  	_ = 	snop  }
0x3b: {  	_ = 	snop  }
0x3c: {  	p2 =	seq.s32 s10, $0x1;
	s10 =	sld [smem:$0x3FBB]  }
0x3d: {  	_ =	shalt  }
0x3e: {  	_ =	shalt  }
0x3f: {  	_ =	shalt  }
0x40: {  	_ =	shalt  }
0x41: {  	_ =	shalt  }
0x42: {  	_ =	shalt  }
0x43: {  	_ =	shalt  }
0x44: {  	_ =	shalt  }
0x45: {  	_ =	shalt  }
0x46: {  	_ =	shalt  }
0x47: {  	_ =	shalt  }
0x48: {  	_ =	shalt  }
0x49: {  	_ =	shalt  }
0x4a: {  	_ =	shalt  }
0x4b: {  	_ =	shalt  }
0x4c: {  	_ =	shalt  }
0x4d: {  	_ =	shalt  }
0x4e: {  	_ =	shalt  }
0x4f: {  	_ =	shalt  }
0x50: {  	_ =	shalt  }
0x51: {  	_ =	shalt  }
0x52: {  	_ =	shalt  }
0x53: {  	_ =	shalt  }
0x54: {  	_ =	shalt  }
0x55: {  	_ =	shalt  }
0x56: {  	_ =	shalt  }
0x57: {  	_ =	shalt  }
0x58: {  	_ =	shalt  }
0x59: {  	_ =	shalt  }
0x5a: {  	_ =	shalt  }
0x5b: {  	_ =	shalt  }
0x5c: {  	_ =	shalt  }
0x5d: {  	_ =	shalt  }
0x5e: {  	_ =	shalt  }
0x5f: {  	_ =	shalt  }
0x60: {  	_ =	shalt  }
0x61: {  	_ =	shalt  }
0x62: {  	_ =	shalt  }
0x63: {  	_ =	shalt  }
0x64: {  	_ =	shalt  }
0x65: {  	_ =	shalt  }
0x66: {  	_ =	shalt  }
0x67: {  	_ =	shalt  }
0x68: {  	_ =	shalt  }
0x69: {  	_ =	shalt  }
0x6a: {  	_ =	shalt  }
0x6b: {  	_ =	shalt  }
0x6c: {  	_ =	shalt  }
0x6d: {  	_ =	shalt  }
0x6e: {  	_ =	shalt  }
0x6f: {  	_ =	shalt  }
0x70: {  	_ =	shalt  }
0x71: {  	_ =	shalt  }
0x72: {  	_ =	shalt  }
0x73: {  	_ =	shalt  }
0x74: {  	_ =	shalt  }
0x75: {  	_ =	shalt  }
0x76: {  	_ =	shalt  }
0x77: {  	_ =	shalt  }
0x78: {  	_ =	shalt  }
0x79: {  	_ =	shalt  }
0x7a: {  	_ =	shalt  }
0x7b: {  	_ =	shalt  }
0x7c: {  	_ =	shalt  }
0x7d: {  	_ =	shalt  }
0x7e: {  	_ =	shalt  }
0x7f: {  	_ =	shalt  }
0x80: {  	_ =	shalt  }
0x81: {  	_ =	shalt  }
0x82: {  	_ =	shalt  }
0x83: {  	_ =	shalt  }
0x84: {  	_ =	shalt  }
0x85: {  	_ =	shalt  }
0x86: {  	_ =	shalt  }
0x87: {  	_ =	shalt  }
.Lfunc_end0:
.L_simem_size_0:
called_computation_lowered:
.L_overlay_start_0:
0x88: {  	s2 =	sld [smem:$0x3FD9]  }
0x89: {  	s3 =	sld [smem:$0x3FFE];
	_ =	sdelay $0x1  }
0x8a: {  	s1 =	srdreg.scid  }
0x8b: {  	s0 =	sand.u32 $0x1, s1  }
0x8c: {  	s14 =	sshll.u32 s0, $0xA;
	s2 =	sadd.s32 s3, s2  }
0x8d: {  	s2 =	sadd.s32 s2, s14  }
0x8e: {  	[smem:$0x3FC7] =	sst s2  }
0x8f: {  	_ = 	snop  }
0x90: {  	s2 =	sld [smem:$0x3FD0];
	_ =	sdelay $0x2  }
0x91: {  	s15 =	simm.s32 $0xA;
	s4 =	simm.s32 $0x10  }
0x92: {  	[smem:s4], [sflag:s15] =	dma.local [hbm:s2], $0x1  }
0x93: {  	_ =	swait.eq [sflag:s15], $0x1  }
0x94: {  	[sflag:s15] =	ssyncset.done $0x0  }
0x95: {  	s16 =	sld [smem:$0x10];
	[sflag:s15] =	ssyncadd.s32 $0xFFFFFFFF  }
0x96: {  	s17 =	sld [smem:$0x11];
	(tm) =	ssettm $0x1  }
0x97: {  	s18 =	sld [smem:$0x3FFB];
	_ =	sdelay $0x3  }
0x98: {  	_ =	strace s18  }
0x99: {  	s4 =	sld [smem:$0x3FFC];
	_ =	sdelay $0x3  }
0x9a: {  	_ =	strace s4  }
0x9b: {  	s4 =	sld [smem:$0x3FFD];
	_ =	sdelay $0x3  }
0x9c: {  	_ =	strace s4  }
0x9d: {  	_ =	strace $0x8FFFFFFF  }
0x9e: {  	s19 =	sld [smem:$0x3FDB];
	_ =	sdelay $0x1  }
0x9f: {  	s5 =	simm.s32 $_scs_section_size  }
0xa0: {  	s6 =	simm.s32 $_size__tile_overlayer_lowered;
	s7 =	simm.s32 $_tile_overlayer_lowered  }
0xa1: {  	s22 =	simm.s32 $0x1BFF;
	s21 =	sshll.u32 s7, $0x1;
	s4 =	sadd.s32 s5, s19  }
0xa2: {  	s8 =	simm.s32 $0x0;
	s20 =	sshll.u32 s6, $0x1;
	s6 =	sadd.s32 s21, s4  }
0xa3: {  	[timem:s8], [sflag:s22] =	dma.local [hbm:s6], s20  }
0xa4: {  	_ =	swait.ge [sflag:s22], s20  }
0xa5: {  	s5 =	ssub.s32 $0x0, s20;
	[sflag:s22] =	ssyncset.done $0x0  }
0xa6: {  	[sflag:s22] =	ssyncadd.s32 s5;
	_ =	sdelay $0x1  }
0xa7: {  	s23 =	simm.s32 $0x1B8B  }
0xa8: {  	_ =	swait.ge [sflag:s23], $0x1  }
0xa9: {  	[sflag:s23] =	ssyncset.done $0x0  }
0xaa: {  	s25 =	simm.s32 $0x1B8E;
	s24 =	sld [smem:$0x3FFE];
	[sflag:s23] =	ssyncadd.s32 $0xFFFFFFFF  }
0xab: {  	s26 =	simm.s32 $execute0_lowered;
	[smem:$0x3FD2] =	sst s25  }
0xac: {  	s6 =	sshll.u32 s26, $0x1;
	_ =	strace $0x80000046;
	[dreg:$0x1] =	wrdreg $0xFFFFFFFF  }
0xad: {  	s28 =	simm.s32 $_size_execute0_lowered;
	s4 =	sadd.s32 s4, s6;
	[dreg:$0x0] =	wrdreg $0x0  }
0xae: {  	s6 =	sshll.u32 s28, $0x1;
	[dreg:$0x2] =	wrdreg s4  }
0xaf: {  	[dreg:$0x3] =	wrdreg s6  }
0xb0: {  	[dreg:$0x4] =	wrdreg $0xC0  }
0xb1: {  	_ =	task [dreg:s8], $0x5FFFF  }
0xb2: {  	[dreg:$0x1] =	wrdreg $0xFFFFFFFF  }
0xb3: {  	[dreg:$0x0] =	wrdreg $0x60  }
0xb4: {  	[dreg:$0x2] =	wrdreg s24  }
0xb5: {  	[dreg:$0x3] =	wrdreg s16  }
0xb6: {  	[dreg:$0x4] =	wrdreg s17  }
0xb7: {  	[dreg:$0x5] =	wrdreg $0x9  }
0xb8: {  	_ =	task.clear_ibuf [dreg:s8], $0x6FFFF;
	_ =	strace $0x90000046  }
0xb9: {  	s29 =	simm.s32 $0x9;
	_ =	strace $0x80000048  }
0xba: {  	_ =	swait.ge [sflag:s29], $0x1  }
0xbb: {  	[sflag:s29] =	ssyncadd.s32 $0xFFFFFFFF  }
0xbc: {  	_ =	strace $0x90000048  }
0xbd: {  	_ =	sfence  }
0xbe: {  	s30 =	sld [smem:$0x0];
	_ =	sdelay $0x2  }
0xbf: {  	s31 =	sshll.u32 s1, $0xD;
	s1 =	sshrl.u32 s1, $0x2  }
0xc0: {  	s3 =	sand.u32 $0x4000, s31;
	s1 =	sadd.s32 s1, s30  }
0xc1: {  	s0 =	sor.u32 s3, s0;
	s1 =	sshll.u32 s1, $0x11  }
0xc2: {  	s0 =	sor.u32 s1, s0  }
0xc3: {  	s0 =	sadd.s32 $0x8F2B, s0  }
0xc4: {  	[sflag:s0] =	ssyncadd.remote.s32 $0x1  }
0xc5: {  	_ =	sfence.sel $0xFFFF  }
0xc6: {  	[dreg:$0x0] =	wrdreg $0xFFFFFFFF;
	(pc) =	sbr.abs _section_cstart, $3  }
0xc7: {  	[dreg:$0x1] =	wrdreg $0xFFFFFFFF  }
0xc8: {  	_ =	task.clear_ibuf [dreg:s8], $0x2FFFF;
	_ =	strace $0x9FFFFFFF  }
0xc9: {  	(tm) =	ssettm $0x7FFFFFFF  }
tec
execute0_lowered:
.L_overlay_start_1:
0x0: {  	(tag) =	ssettag $0x1  }
0x1: {  	s0 =	srdreg.scid  }
0x2: {  	s9 =	rddreg [dreg:$0x0];
	s1 =	stileid.u32;
	s0 =	sand.u32 $0x1, s0  }
0x3: {  	s3 =	rddreg [dreg:$0x1];
	s1 =	sshll.u32 s1, $0xB;
	s6 =	sshll.u32 s0, $0xA  }
0x4: {  	s5 =	rddreg [dreg:$0x2];
	s2 =	simm.s32 $0x0;
	s1 =	sor.u32 s6, s1  }
0x5: {  	[smem:$0x7FF] =	sst s2;
	s6 =	sshrl.u32 s1, $0x3  }
0x6: {  	_ =	strace $0x80000047;
	s1 =	sshll.u32 s1, $0x4;
	s6 =	sadd.s32 s6, s9  }
0x7: {  	s0 =	ssub.s32 $0x2, s0;
	s8 =	sor.u32 $0x400, s1;
	s6 =	sadd.s32 $0x800, s6  }
0x8: {  	s7 =	sshrl.u32 s0, $0x1;
	s16 =	sadd.s32 s3, s8;
	[dreg:$0x4] =	wrdreg s6  }
0x9: {  	s18 =	sor.u32 $0x800, s1;
	s17 =	sadd.s32 s5, s8;
	[dreg:$0x5] =	wrdreg s16  }
0xa: {  	s7 =	ssub.s32 s0, s7;
	s4 =	sadd.s32 s3, s18;
	[dreg:$0x6] =	wrdreg s17  }
0xb: {  	s19 =	sor.u32 $0xC00, s1;
	s0 =	sadd.s32 s5, s18;
	[dreg:$0x7] =	wrdreg s4  }
0xc: {  	s20 =	sadd.s32 s3, s19;
	[dreg:$0x8] =	wrdreg s0  }
0xd: {  	s22 =	sor.u32 $0x1000, s1;
	s21 =	sadd.s32 s5, s19;
	[dreg:$0x9] =	wrdreg s20  }
0xe: {  	s23 =	sor.u32 $0x1400, s1;
	s24 =	sadd.s32 s3, s22;
	[dreg:$0xa] =	wrdreg s21  }
0xf: {  	s25 =	sadd.s32 s3, s23;
	[dreg:$0xb] =	wrdreg s24  }
0x10: {  	s28 =	sor.u32 $0x1800, s1;
	s26 =	sadd.s32 s5, s23;
	[dreg:$0xe] =	wrdreg s25  }
0x11: {  	s29 =	sor.u32 $0x1C00, s1;
	s30 =	sadd.s32 s3, s28;
	[dreg:$0xf] =	wrdreg s26  }
0x12: {  	s13 =	sor.u32 $0x2800, s1;
	s31 =	sadd.s32 s3, s29;
	[dreg:$0x10] =	wrdreg s30  }
0x13: {  	s15 =	sadd.s32 s3, s13;
	[dreg:$0x12] =	wrdreg s31  }
0x14: {  	s23 =	sadd.s32 s3, s1;
	[dreg:$0x18] =	wrdreg s15  }
0x15: {  	s0 =	sadd.s32 s5, s22;
	[smem:$0x7F8] =	sst s23  }
0x16: {  	s8 =	sor.u32 $0x2400, s1;
	s4 =	sadd.s32 s5, s29;
	[dreg:$0xd] =	wrdreg s0  }
0x17: {  	s11 =	sadd.s32 s3, s8;
	[dreg:$0x13] =	wrdreg s4  }
0x18: {  	s14 =	sor.u32 $0x2C00, s1;
	s12 =	sadd.s32 s5, s8;
	[dreg:$0x16] =	wrdreg s11  }
0x19: {  	s16 =	sadd.s32 s3, s14;
	[dreg:$0x17] =	wrdreg s12  }
0x1a: {  	s18 =	sor.u32 $0x3000, s1;
	s17 =	sadd.s32 s5, s14;
	[dreg:$0x1a] =	wrdreg s16  }
0x1b: {  	s19 =	sor.u32 $0x3400, s1;
	s20 =	sadd.s32 s3, s18;
	[dreg:$0x1b] =	wrdreg s17  }
0x1c: {  	s21 =	sadd.s32 s3, s19;
	[dreg:$0x1c] =	wrdreg s20  }
0x1d: {  	s22 =	sadd.s32 s5, s19;
	[dreg:$0x1e] =	wrdreg s21  }
0x1e: {  	s25 =	sadd.s32 s5, s1;
	[dreg:$0x1f] =	wrdreg s22  }
0x1f: {  	s6 =	sor.u32 $0x2000, s1;
	s0 =	sadd.s32 s5, s28;
	[smem:$0x7F9] =	sst s25  }
0x20: {  	s24 =	sor.u32 $0x3800, s1;
	s10 =	sadd.s32 s3, s6;
	[dreg:$0x11] =	wrdreg s0  }
0x21: {  	s28 =	sadd.s32 s3, s24;
	[dreg:$0x14] =	wrdreg s10  }
0x22: {  	s26 =	sor.u32 $0x3C00, s1;
	s29 =	sadd.s32 s5, s24;
	[smem:$0x7FA] =	sst s28  }
0x23: {  	s30 =	sadd.s32 s3, s26;
	[smem:$0x7FB] =	sst s29  }
0x24: {  	s31 =	sadd.s32 s5, s26;
	[smem:$0x7FC] =	sst s30  }
0x25: {  	s0 =	sadd.s32 s5, s6;
	[smem:$0x7FD] =	sst s31  }
0x26: {  	v2 =	vlaneseq.u32;
	s8 =	smax.u32 s7, $0x1;
	[dreg:$0x15] =	wrdreg s0;
	s0 =	sadd.s32 s5, s13  }
0x27: {  	vm0 =	vmmov $0xffff;
	v1 =	vshrl.u32 v2, $0x3;
	s7 =	simm.s32 $0x9;
	[dreg:$0x19] =	wrdreg s0;
	s0 =	sadd.s32 s5, s18  }
0x28: {  	v0 =	vand.u32 $0x7, v2;
	v2 =	vor.u32 $0x8, v2;
	v1 =	vmul.u32 $0x8, v1;
	s24 =	simm.s32 $0x8;
	s5 =	sadd.s32 $0x1800, s9;
	[dreg:$0x1d] =	wrdreg s0  }
.LBB2_1:
0x29: {  	[dreg:$0xc] =	wrdreg s8  }
0x2a: {  	s12 =	rddreg [dreg:$0x4];
	s13 =	simm.s32 $0xF  }
0x2b: {  	[tilespmem:s2], [sflag:$0xF] =	stream.linear.gather [hbm4b:s12+s2], $0x400, $0x38;
	[tilespmem:$0x1C400] =	vst v63  }
0x2c: {  	_ =	swait.ge [sflag:s13], $0x400  }
0x2d: {  	[sflag:s13] =	ssyncset.done $0x0  }
0x2e: {  	[sflag:s13] =	ssyncadd.s32 $0xFFFFFC00  }
0x2f: {  	v3 =	vld [tilespmem:$0x0];
	_ =	sdelay $0x4  }
0x30: {  	v4 =	vshll.u32 v3, $0x1  }
0x31: {  	v3 =	vand.u32 $0x7, v3;
	v4 =	vand.u32 $0xFFFFFFF0, v4  }
0x32: {  	v3 =	vor.u32 v3, v4  }
0x33: {  	v4 =	vperm.xlane v3, v0;
	_ =	sdelay $0x1  }
0x34: {  	v3 =	vperm.xlane v3, v2;
	v4 =	vadd.s32 v1, v4;
	_ =	sdelay $0x1  }
0x35: {  	v3 =	vadd.s32 v1, v3;
	_ =	sdelay $0x1  }
0x36: {  	s14 =	simm.s32 $0x400  }
0x37: {  	[tilespmem:s14], [sflag:$0x1] =	stream.indirect_vreg.gather [hbm4b:s5+s2], $0x80, v4, vm0, $0xb8;
	[tilespmem:$0x1C400] =	vst v63  }
0x38: {  	s15 =	simm.s32 $0xC00  }
0x39: {  	[tilespmem:s15], [sflag:$0x1] =	stream.indirect_vreg.gather [hbm4b:s5+s2], $0x80, v3, vm0, $0xb8;
	[tilespmem:$0x1C400] =	vst v63  }
0x3a: {  	v3 =	vld [tilespmem:$0x10];
	_ =	sdelay $0x4  }
0x3b: {  	v57 =	vshll.u32 v3, $0x1  }
0x3c: {  	v3 =	vand.u32 $0x7, v3;
	v4 =	vand.u32 $0xFFFFFFF0, v57  }
0x3d: {  	v3 =	vor.u32 v3, v4  }
0x3e: {  	v4 =	vperm.xlane v3, v0;
	_ =	sdelay $0x1  }
0x3f: {  	v3 =	vperm.xlane v3, v2;
	v4 =	vadd.s32 v1, v4;
	_ =	sdelay $0x1  }
0x40: {  	v3 =	vadd.s32 v1, v3;
	_ =	sdelay $0x1  }
0x41: {  	s16 =	simm.s32 $0x1400  }
0x42: {  	[tilespmem:s16], [sflag:$0x1] =	stream.indirect_vreg.gather [hbm4b:s5+s2], $0x80, v4, vm0, $0xb8;
	[tilespmem:$0x1C400] =	vst v63  }
0x43: {  	s18 =	simm.s32 $0x1C00  }
0x44: {  	[tilespmem:s18], [sflag:$0x1] =	stream.indirect_vreg.gather [hbm4b:s5+s2], $0x80, v3, vm0, $0xb8;
	[tilespmem:$0x1C400] =	vst v63  }
0x45: {  	v3 =	vld [tilespmem:$0x20];
	_ =	sdelay $0x4  }
0x46: {  	v58 =	vshll.u32 v3, $0x1  }
0x47: {  	v3 =	vand.u32 $0x7, v3;
	v4 =	vand.u32 $0xFFFFFFF0, v58  }
0x48: {  	v3 =	vor.u32 v3, v4  }
0x49: {  	v4 =	vperm.xlane v3, v0;
	_ =	sdelay $0x1  }
0x4a: {  	v3 =	vperm.xlane v3, v2;
	v4 =	vadd.s32 v1, v4;
	_ =	sdelay $0x1  }
0x4b: {  	v3 =	vadd.s32 v1, v3;
	_ =	sdelay $0x1  }
0x4c: {  	s19 =	simm.s32 $0x2400  }
0x4d: {  	[tilespmem:s19], [sflag:$0x1] =	stream.indirect_vreg.gather [hbm4b:s5+s2], $0x80, v4, vm0, $0xb8;
	[tilespmem:$0x1C400] =	vst v63  }
0x4e: {  	s20 =	simm.s32 $0x2C00  }
0x4f: {  	[tilespmem:s20], [sflag:$0x1] =	stream.indirect_vreg.gather [hbm4b:s5+s2], $0x80, v3, vm0, $0xb8;
	[tilespmem:$0x1C400] =	vst v63  }
0x50: {  	v3 =	vld [tilespmem:$0x30];
	_ =	sdelay $0x4  }
0x51: {  	v59 =	vshll.u32 v3, $0x1  }
0x52: {  	v3 =	vand.u32 $0x7, v3;
	v4 =	vand.u32 $0xFFFFFFF0, v59  }
0x53: {  	v3 =	vor.u32 v3, v4  }
0x54: {  	v4 =	vperm.xlane v3, v0;
	_ =	sdelay $0x1  }
0x55: {  	v3 =	vperm.xlane v3, v2;
	v4 =	vadd.s32 v1, v4;
	_ =	sdelay $0x1  }
0x56: {  	v3 =	vadd.s32 v1, v3;
	_ =	sdelay $0x1  }
0x57: {  	s21 =	simm.s32 $0x3400  }
0x58: {  	[tilespmem:s21], [sflag:$0x1] =	stream.indirect_vreg.gather [hbm4b:s5+s2], $0x80, v4, vm0, $0xb8;
	[tilespmem:$0x1C400] =	vst v63  }
0x59: {  	s22 =	simm.s32 $0x3C00  }
0x5a: {  	[tilespmem:s22], [sflag:$0x1] =	stream.indirect_vreg.gather [hbm4b:s5+s2], $0x80, v3, vm0, $0xb8;
	[tilespmem:$0x1C400] =	vst v63  }
0x5b: {  	v3 =	vld [tilespmem:$0x40];
	_ =	sdelay $0x4  }
0x5c: {  	v60 =	vshll.u32 v3, $0x1  }
0x5d: {  	v3 =	vand.u32 $0x7, v3;
	v4 =	vand.u32 $0xFFFFFFF0, v60  }
0x5e: {  	v3 =	vor.u32 v3, v4  }
0x5f: {  	v4 =	vperm.xlane v3, v0;
	_ =	sdelay $0x1  }
0x60: {  	v3 =	vperm.xlane v3, v2;
	v4 =	vadd.s32 v1, v4;
	_ =	sdelay $0x1  }
0x61: {  	v3 =	vadd.s32 v1, v3;
	_ =	sdelay $0x1  }
0x62: {  	s23 =	simm.s32 $0x4400  }
0x63: {  	[tilespmem:s23], [sflag:$0x2] =	stream.indirect_vreg.gather [hbm4b:s5+s2], $0x80, v4, vm0, $0xb8;
	[tilespmem:$0x1C400] =	vst v63  }
0x64: {  	s25 =	simm.s32 $0x4C00  }
0x65: {  	[tilespmem:s25], [sflag:$0x2] =	stream.indirect_vreg.gather [hbm4b:s5+s2], $0x80, v3, vm0, $0xb8;
	[tilespmem:$0x1C400] =	vst v63  }
0x66: {  	v3 =	vld [tilespmem:$0x50];
	_ =	sdelay $0x4  }
0x67: {  	v61 =	vshll.u32 v3, $0x1  }
0x68: {  	v3 =	vand.u32 $0x7, v3;
	v4 =	vand.u32 $0xFFFFFFF0, v61  }
0x69: {  	v3 =	vor.u32 v3, v4  }
0x6a: {  	v4 =	vperm.xlane v3, v0;
	_ =	sdelay $0x1  }
0x6b: {  	v3 =	vperm.xlane v3, v2;
	v4 =	vadd.s32 v1, v4;
	_ =	sdelay $0x1  }
0x6c: {  	v3 =	vadd.s32 v1, v3;
	_ =	sdelay $0x1  }
0x6d: {  	s26 =	simm.s32 $0x5400  }
0x6e: {  	[tilespmem:s26], [sflag:$0x2] =	stream.indirect_vreg.gather [hbm4b:s5+s2], $0x80, v4, vm0, $0xb8;
	[tilespmem:$0x1C400] =	vst v63  }
0x6f: {  	s28 =	simm.s32 $0x5C00  }
0x70: {  	[tilespmem:s28], [sflag:$0x2] =	stream.indirect_vreg.gather [hbm4b:s5+s2], $0x80, v3, vm0, $0xb8;
	[tilespmem:$0x1C400] =	vst v63  }
0x71: {  	v3 =	vld [tilespmem:$0x60];
	_ =	sdelay $0x4  }
0x72: {  	v62 =	vshll.u32 v3, $0x1  }
0x73: {  	v3 =	vand.u32 $0x7, v3;
	v4 =	vand.u32 $0xFFFFFFF0, v62  }
0x74: {  	v3 =	vor.u32 v3, v4  }
0x75: {  	v4 =	vperm.xlane v3, v0;
	_ =	sdelay $0x1  }
0x76: {  	v3 =	vperm.xlane v3, v2;
	v4 =	vadd.s32 v1, v4;
	_ =	sdelay $0x1  }
0x77: {  	v3 =	vadd.s32 v1, v3;
	_ =	sdelay $0x1  }
0x78: {  	s29 =	simm.s32 $0x6400  }
0x79: {  	[tilespmem:s29], [sflag:$0x2] =	stream.indirect_vreg.gather [hbm4b:s5+s2], $0x80, v4, vm0, $0xb8;
	[tilespmem:$0x1C400] =	vst v63  }
0x7a: {  	s30 =	simm.s32 $0x6C00  }
0x7b: {  	[tilespmem:s30], [sflag:$0x2] =	stream.indirect_vreg.gather [hbm4b:s5+s2], $0x80, v3, vm0, $0xb8;
	[tilespmem:$0x1C400] =	vst v63  }
0x7c: {  	v3 =	vld [tilespmem:$0x70];
	_ =	sdelay $0x4  }
0x7d: {  	v63 =	vshll.u32 v3, $0x1  }
0x7e: {  	v3 =	vand.u32 $0x7, v3;
	v4 =	vand.u32 $0xFFFFFFF0, v63  }
0x7f: {  	v3 =	vor.u32 v3, v4  }
0x80: {  	v4 =	vperm.xlane v3, v0;
	_ =	sdelay $0x1  }
0x81: {  	v3 =	vperm.xlane v3, v2;
	v4 =	vadd.s32 v1, v4;
	_ =	sdelay $0x1  }
0x82: {  	v3 =	vadd.s32 v1, v3;
	_ =	sdelay $0x1  }
0x83: {  	s31 =	simm.s32 $0x7400  }
0x84: {  	[tilespmem:s31], [sflag:$0x2] =	stream.indirect_vreg.gather [hbm4b:s5+s2], $0x80, v4, vm0, $0xb8;
	[tilespmem:$0x1C400] =	vst v63  }
0x85: {  	s0 =	simm.s32 $0x7C00  }
0x86: {  	[tilespmem:s0], [sflag:$0x2] =	stream.indirect_vreg.gather [hbm4b:s5+s2], $0x80, v3, vm0, $0xb8;
	[tilespmem:$0x1C400] =	vst v63  }
0x87: {  	v3 =	vld [tilespmem:$0x80];
	_ =	sdelay $0x4  }
0x88: {  	v8 =	vshll.u32 v3, $0x1  }
0x89: {  	v3 =	vand.u32 $0x7, v3;
	v4 =	vand.u32 $0xFFFFFFF0, v8  }
0x8a: {  	v3 =	vor.u32 v3, v4  }
0x8b: {  	v4 =	vperm.xlane v3, v0;
	_ =	sdelay $0x1  }
0x8c: {  	v3 =	vperm.xlane v3, v2;
	v4 =	vadd.s32 v1, v4;
	_ =	sdelay $0x1  }
0x8d: {  	v3 =	vadd.s32 v1, v3;
	_ =	sdelay $0x1  }
0x8e: {  	s0 =	simm.s32 $0x8400  }
0x8f: {  	[tilespmem:s0], [sflag:$0x3] =	stream.indirect_vreg.gather [hbm4b:s5+s2], $0x80, v4, vm0, $0xb8;
	[tilespmem:$0x1C400] =	vst v63  }
0x90: {  	s3 =	simm.s32 $0x8C00  }
0x91: {  	[tilespmem:s3], [sflag:$0x3] =	stream.indirect_vreg.gather [hbm4b:s5+s2], $0x80, v3, vm0, $0xb8;
	[tilespmem:$0x1C400] =	vst v63  }
0x92: {  	v3 =	vld [tilespmem:$0x90];
	_ =	sdelay $0x4  }
0x93: {  	v9 =	vshll.u32 v3, $0x1  }
0x94: {  	v3 =	vand.u32 $0x7, v3;
	v4 =	vand.u32 $0xFFFFFFF0, v9  }
0x95: {  	v3 =	vor.u32 v3, v4  }
0x96: {  	v4 =	vperm.xlane v3, v0;
	_ =	sdelay $0x1  }
0x97: {  	v3 =	vperm.xlane v3, v2;
	v4 =	vadd.s32 v1, v4;
	_ =	sdelay $0x1  }
0x98: {  	v3 =	vadd.s32 v1, v3;
	_ =	sdelay $0x1  }
0x99: {  	s4 =	simm.s32 $0x9400  }
0x9a: {  	[tilespmem:s4], [sflag:$0x3] =	stream.indirect_vreg.gather [hbm4b:s5+s2], $0x80, v4, vm0, $0xb8;
	[tilespmem:$0x1C400] =	vst v63  }
0x9b: {  	s8 =	simm.s32 $0x9C00  }
0x9c: {  	[tilespmem:s8], [sflag:$0x3] =	stream.indirect_vreg.gather [hbm4b:s5+s2], $0x80, v3, vm0, $0xb8;
	[tilespmem:$0x1C400] =	vst v63  }
0x9d: {  	v3 =	vld [tilespmem:$0xA0];
	_ =	sdelay $0x4  }
0x9e: {  	v10 =	vshll.u32 v3, $0x1  }
0x9f: {  	v3 =	vand.u32 $0x7, v3;
	v4 =	vand.u32 $0xFFFFFFF0, v10  }
0xa0: {  	v3 =	vor.u32 v3, v4  }
0xa1: {  	v4 =	vperm.xlane v3, v0;
	_ =	sdelay $0x1  }
0xa2: {  	v3 =	vperm.xlane v3, v2;
	v4 =	vadd.s32 v1, v4;
	_ =	sdelay $0x1  }
0xa3: {  	v3 =	vadd.s32 v1, v3;
	_ =	sdelay $0x1  }
0xa4: {  	s11 =	simm.s32 $0xA400  }
0xa5: {  	[tilespmem:s11], [sflag:$0x3] =	stream.indirect_vreg.gather [hbm4b:s5+s2], $0x80, v4, vm0, $0xb8;
	[tilespmem:$0x1C400] =	vst v63  }
0xa6: {  	s18 =	simm.s32 $0xAC00  }
0xa7: {  	[tilespmem:s18], [sflag:$0x3] =	stream.indirect_vreg.gather [hbm4b:s5+s2], $0x80, v3, vm0, $0xb8;
	[tilespmem:$0x1C400] =	vst v63  }
0xa8: {  	v3 =	vld [tilespmem:$0xB0];
	_ =	sdelay $0x4  }
0xa9: {  	v11 =	vshll.u32 v3, $0x1  }
0xaa: {  	v3 =	vand.u32 $0x7, v3;
	v4 =	vand.u32 $0xFFFFFFF0, v11  }
0xab: {  	v3 =	vor.u32 v3, v4  }
0xac: {  	v4 =	vperm.xlane v3, v0;
	_ =	sdelay $0x1  }
0xad: {  	v3 =	vperm.xlane v3, v2;
	v4 =	vadd.s32 v1, v4;
	_ =	sdelay $0x1  }
0xae: {  	v3 =	vadd.s32 v1, v3;
	_ =	sdelay $0x1  }
0xaf: {  	s19 =	simm.s32 $0xB400  }
0xb0: {  	[tilespmem:s19], [sflag:$0x3] =	stream.indirect_vreg.gather [hbm4b:s5+s2], $0x80, v4, vm0, $0xb8;
	[tilespmem:$0x1C400] =	vst v63  }
0xb1: {  	s22 =	simm.s32 $0xBC00  }
0xb2: {  	[tilespmem:s22], [sflag:$0x3] =	stream.indirect_vreg.gather [hbm4b:s5+s2], $0x80, v3, vm0, $0xb8;
	[tilespmem:$0x1C400] =	vst v63  }
0xb3: {  	v3 =	vld [tilespmem:$0xC0];
	_ =	sdelay $0x4  }
0xb4: {  	v12 =	vshll.u32 v3, $0x1  }
0xb5: {  	v3 =	vand.u32 $0x7, v3;
	v4 =	vand.u32 $0xFFFFFFF0, v12  }
0xb6: {  	v3 =	vor.u32 v3, v4  }
0xb7: {  	v4 =	vperm.xlane v3, v0;
	_ =	sdelay $0x1  }
0xb8: {  	v3 =	vperm.xlane v3, v2;
	v4 =	vadd.s32 v1, v4;
	_ =	sdelay $0x1  }
0xb9: {  	v3 =	vadd.s32 v1, v3;
	_ =	sdelay $0x1  }
0xba: {  	s31 =	simm.s32 $0xC400  }
0xbb: {  	[tilespmem:s31], [sflag:$0x4] =	stream.indirect_vreg.gather [hbm4b:s5+s2], $0x80, v4, vm0, $0xb8;
	[tilespmem:$0x1C400] =	vst v63  }
0xbc: {  	s0 =	simm.s32 $0xCC00  }
0xbd: {  	[tilespmem:s0], [sflag:$0x4] =	stream.indirect_vreg.gather [hbm4b:s5+s2], $0x80, v3, vm0, $0xb8;
	[tilespmem:$0x1C400] =	vst v63  }
0xbe: {  	v3 =	vld [tilespmem:$0xD0];
	_ =	sdelay $0x4  }
0xbf: {  	v13 =	vshll.u32 v3, $0x1  }
0xc0: {  	v3 =	vand.u32 $0x7, v3;
	v4 =	vand.u32 $0xFFFFFFF0, v13  }
0xc1: {  	v3 =	vor.u32 v3, v4  }
0xc2: {  	v4 =	vperm.xlane v3, v0;
	_ =	sdelay $0x1  }
0xc3: {  	v3 =	vperm.xlane v3, v2;
	v4 =	vadd.s32 v1, v4;
	_ =	sdelay $0x1  }
0xc4: {  	v3 =	vadd.s32 v1, v3;
	_ =	sdelay $0x1  }
0xc5: {  	s11 =	simm.s32 $0xD400  }
0xc6: {  	[tilespmem:s11], [sflag:$0x4] =	stream.indirect_vreg.gather [hbm4b:s5+s2], $0x80, v4, vm0, $0xb8;
	[tilespmem:$0x1C400] =	vst v63  }
0xc7: {  	s18 =	simm.s32 $0xDC00  }
0xc8: {  	[tilespmem:s18], [sflag:$0x4] =	stream.indirect_vreg.gather [hbm4b:s5+s2], $0x80, v3, vm0, $0xb8;
	[tilespmem:$0x1C400] =	vst v63  }
0xc9: {  	v3 =	vld [tilespmem:$0xE0];
	_ =	sdelay $0x4  }
0xca: {  	v14 =	vshll.u32 v3, $0x1  }
0xcb: {  	v3 =	vand.u32 $0x7, v3;
	v4 =	vand.u32 $0xFFFFFFF0, v14  }
0xcc: {  	v3 =	vor.u32 v3, v4  }
0xcd: {  	v4 =	vperm.xlane v3, v0;
	_ =	sdelay $0x1  }
0xce: {  	v3 =	vperm.xlane v3, v2;
	v4 =	vadd.s32 v1, v4;
	_ =	sdelay $0x1  }
0xcf: {  	v3 =	vadd.s32 v1, v3;
	_ =	sdelay $0x1  }
0xd0: {  	s19 =	simm.s32 $0xE400  }
0xd1: {  	[tilespmem:s19], [sflag:$0x4] =	stream.indirect_vreg.gather [hbm4b:s5+s2], $0x80, v4, vm0, $0xb8;
	[tilespmem:$0x1C400] =	vst v63  }
0xd2: {  	s22 =	simm.s32 $0xEC00  }
0xd3: {  	[tilespmem:s22], [sflag:$0x4] =	stream.indirect_vreg.gather [hbm4b:s5+s2], $0x80, v3, vm0, $0xb8;
	[tilespmem:$0x1C400] =	vst v63  }
0xd4: {  	v3 =	vld [tilespmem:$0xF0];
	_ =	sdelay $0x4  }
0xd5: {  	v15 =	vshll.u32 v3, $0x1  }
0xd6: {  	v3 =	vand.u32 $0x7, v3;
	v4 =	vand.u32 $0xFFFFFFF0, v15  }
0xd7: {  	v3 =	vor.u32 v3, v4  }
0xd8: {  	v4 =	vperm.xlane v3, v0;
	_ =	sdelay $0x1  }
0xd9: {  	v3 =	vperm.xlane v3, v2;
	v4 =	vadd.s32 v1, v4;
	_ =	sdelay $0x1  }
0xda: {  	v3 =	vadd.s32 v1, v3;
	_ =	sdelay $0x1  }
0xdb: {  	s31 =	simm.s32 $0xF400  }
0xdc: {  	[tilespmem:s31], [sflag:$0x4] =	stream.indirect_vreg.gather [hbm4b:s5+s2], $0x80, v4, vm0, $0xb8;
	[tilespmem:$0x1C400] =	vst v63  }
0xdd: {  	s8 =	simm.s32 $0xFC00  }
0xde: {  	[tilespmem:s8], [sflag:$0x4] =	stream.indirect_vreg.gather [hbm4b:s5+s2], $0x80, v3, vm0, $0xb8;
	[tilespmem:$0x1C400] =	vst v63  }
0xdf: {  	v3 =	vld [tilespmem:$0x100];
	_ =	sdelay $0x4  }
0xe0: {  	v16 =	vshll.u32 v3, $0x1  }
0xe1: {  	v3 =	vand.u32 $0x7, v3;
	v4 =	vand.u32 $0xFFFFFFF0, v16  }
0xe2: {  	v3 =	vor.u32 v3, v4  }
0xe3: {  	v4 =	vperm.xlane v3, v0;
	_ =	sdelay $0x1  }
0xe4: {  	v3 =	vperm.xlane v3, v2;
	v4 =	vadd.s32 v1, v4;
	_ =	sdelay $0x1  }
0xe5: {  	v3 =	vadd.s32 v1, v3;
	_ =	sdelay $0x1  }
0xe6: {  	s11 =	simm.s32 $0x10400  }
0xe7: {  	[tilespmem:s11], [sflag:$0x5] =	stream.indirect_vreg.gather [hbm4b:s5+s2], $0x80, v4, vm0, $0xb8;
	[tilespmem:$0x1C400] =	vst v63  }
0xe8: {  	s18 =	simm.s32 $0x10C00  }
0xe9: {  	[tilespmem:s18], [sflag:$0x5] =	stream.indirect_vreg.gather [hbm4b:s5+s2], $0x80, v3, vm0, $0xb8;
	[tilespmem:$0x1C400] =	vst v63  }
0xea: {  	v3 =	vld [tilespmem:$0x110];
	_ =	sdelay $0x4  }
0xeb: {  	v17 =	vshll.u32 v3, $0x1  }
0xec: {  	v3 =	vand.u32 $0x7, v3;
	v4 =	vand.u32 $0xFFFFFFF0, v17  }
0xed: {  	v3 =	vor.u32 v3, v4  }
0xee: {  	v4 =	vperm.xlane v3, v0;
	_ =	sdelay $0x1  }
0xef: {  	v3 =	vperm.xlane v3, v2;
	v4 =	vadd.s32 v1, v4;
	_ =	sdelay $0x1  }
0xf0: {  	v3 =	vadd.s32 v1, v3;
	_ =	sdelay $0x1  }
0xf1: {  	s19 =	simm.s32 $0x11400  }
0xf2: {  	[tilespmem:s19], [sflag:$0x5] =	stream.indirect_vreg.gather [hbm4b:s5+s2], $0x80, v4, vm0, $0xb8;
	[tilespmem:$0x1C400] =	vst v63  }
0xf3: {  	s22 =	simm.s32 $0x11C00  }
0xf4: {  	[tilespmem:s22], [sflag:$0x5] =	stream.indirect_vreg.gather [hbm4b:s5+s2], $0x80, v3, vm0, $0xb8;
	[tilespmem:$0x1C400] =	vst v63  }
0xf5: {  	v3 =	vld [tilespmem:$0x120];
	_ =	sdelay $0x4  }
0xf6: {  	v18 =	vshll.u32 v3, $0x1  }
0xf7: {  	v3 =	vand.u32 $0x7, v3;
	v4 =	vand.u32 $0xFFFFFFF0, v18  }
0xf8: {  	v3 =	vor.u32 v3, v4  }
0xf9: {  	v4 =	vperm.xlane v3, v0;
	_ =	sdelay $0x1  }
0xfa: {  	v3 =	vperm.xlane v3, v2;
	v4 =	vadd.s32 v1, v4;
	_ =	sdelay $0x1  }
0xfb: {  	v3 =	vadd.s32 v1, v3;
	_ =	sdelay $0x1  }
0xfc: {  	s31 =	simm.s32 $0x12400  }
0xfd: {  	[tilespmem:s31], [sflag:$0x5] =	stream.indirect_vreg.gather [hbm4b:s5+s2], $0x80, v4, vm0, $0xb8;
	[tilespmem:$0x1C400] =	vst v63  }
0xfe: {  	s0 =	simm.s32 $0x12C00  }
0xff: {  	[tilespmem:s0], [sflag:$0x5] =	stream.indirect_vreg.gather [hbm4b:s5+s2], $0x80, v3, vm0, $0xb8;
	[tilespmem:$0x1C400] =	vst v63  }
0x100: {  	v3 =	vld [tilespmem:$0x130];
	_ =	sdelay $0x4  }
0x101: {  	v19 =	vshll.u32 v3, $0x1  }
0x102: {  	v3 =	vand.u32 $0x7, v3;
	v4 =	vand.u32 $0xFFFFFFF0, v19  }
0x103: {  	v3 =	vor.u32 v3, v4  }
0x104: {  	v4 =	vperm.xlane v3, v0;
	_ =	sdelay $0x1  }
0x105: {  	v3 =	vperm.xlane v3, v2;
	v4 =	vadd.s32 v1, v4;
	_ =	sdelay $0x1  }
0x106: {  	v3 =	vadd.s32 v1, v3;
	_ =	sdelay $0x1  }
0x107: {  	s11 =	simm.s32 $0x13400  }
0x108: {  	[tilespmem:s11], [sflag:$0x5] =	stream.indirect_vreg.gather [hbm4b:s5+s2], $0x80, v4, vm0, $0xb8;
	[tilespmem:$0x1C400] =	vst v63  }
0x109: {  	s18 =	simm.s32 $0x13C00;
	s19 =	simm.s32 $0x1  }
0x10a: {  	[tilespmem:s18], [sflag:$0x5] =	stream.indirect_vreg.gather [hbm4b:s5+s2], $0x80, v3, vm0, $0xb8;
	[tilespmem:$0x1C400] =	vst v63  }
0x10b: {  	_ =	swait.ge [sflag:s19], $0x4000  }
0x10c: {  	[sflag:s19] =	ssyncset.done $0x0  }
0x10d: {  	[sflag:s19] =	ssyncadd.s32 $0xFFFFC000;
	s19 =	sld [smem:$0x7F8];
	_ =	sdelay $0x1  }
0x10e: {  	s13 =	simm.s32 $0x400  }
0x10f: {  	[hbm4b:s19+s2] =	stream.linear.scatter [tilespmem:s13], [sflag:$0x8], $0x400, $0x38;
	[tilespmem:$0x1C400] =	vst v63  }
0x110: {  	s17 =	simm.s32 $0xC00;
	s22 =	sadd.s32 $0x80, s19  }
0x111: {  	[hbm4b:s22+s2] =	stream.linear.scatter [tilespmem:s17], [sflag:$0x8], $0x400, $0x38;
	[tilespmem:$0x1C400] =	vst v63  }
0x112: {  	s12 =	simm.s32 $0x1400;
	s31 =	sadd.s32 $0x100, s19  }
0x113: {  	[hbm4b:s31+s2] =	stream.linear.scatter [tilespmem:s12], [sflag:$0x8], $0x400, $0x38;
	[tilespmem:$0x1C400] =	vst v63  }
0x114: {  	s14 =	simm.s32 $0x1C00;
	s0 =	sadd.s32 $0x180, s19  }
0x115: {  	[hbm4b:s0+s2] =	stream.linear.scatter [tilespmem:s14], [sflag:$0x8], $0x400, $0x38;
	[tilespmem:$0x1C400] =	vst v63  }
0x116: {  	s16 =	simm.s32 $0x2400;
	s12 =	sadd.s32 $0x200, s19  }
0x117: {  	[hbm4b:s12+s2] =	stream.linear.scatter [tilespmem:s16], [sflag:$0x8], $0x400, $0x38;
	[tilespmem:$0x1C400] =	vst v63  }
0x118: {  	s15 =	simm.s32 $0x2C00;
	s16 =	sadd.s32 $0x280, s19  }
0x119: {  	[hbm4b:s16+s2] =	stream.linear.scatter [tilespmem:s15], [sflag:$0x8], $0x400, $0x38;
	[tilespmem:$0x1C400] =	vst v63  }
0x11a: {  	s9 =	simm.s32 $0x3400;
	s22 =	sadd.s32 $0x300, s19  }
0x11b: {  	[hbm4b:s22+s2] =	stream.linear.scatter [tilespmem:s9], [sflag:$0x8], $0x400, $0x38;
	[tilespmem:$0x1C400] =	vst v63  }
0x11c: {  	s10 =	simm.s32 $0x3C00;
	s31 =	sadd.s32 $0x380, s19  }
0x11d: {  	[hbm4b:s31+s2] =	stream.linear.scatter [tilespmem:s10], [sflag:$0x8], $0x400, $0x38;
	[tilespmem:$0x1C400] =	vst v63  }
0x11e: {  	s10 =	sld [smem:$0x7F9];
	_ =	sdelay $0x1  }
0x11f: {  	s0 =	simm.s32 $0x800  }
0x120: {  	[hbm4b:s10+s2] =	stream.linear.scatter [tilespmem:s0], [sflag:$0x8], $0x400, $0x38;
	[tilespmem:$0x1C400] =	vst v63  }
0x121: {  	s12 =	simm.s32 $0x1000;
	s9 =	sadd.s32 $0x80, s10  }
0x122: {  	[hbm4b:s9+s2] =	stream.linear.scatter [tilespmem:s12], [sflag:$0x8], $0x400, $0x38;
	[tilespmem:$0x1C400] =	vst v63  }
0x123: {  	s22 =	simm.s32 $0x1800;
	s19 =	sadd.s32 $0x100, s10  }
0x124: {  	[hbm4b:s19+s2] =	stream.linear.scatter [tilespmem:s22], [sflag:$0x8], $0x400, $0x38;
	[tilespmem:$0x1C400] =	vst v63  }
0x125: {  	s31 =	sadd.s32 $0x180, s10;
	s0 =	simm.s32 $0x2000  }
0x126: {  	[hbm4b:s31+s2] =	stream.linear.scatter [tilespmem:s0], [sflag:$0x8], $0x400, $0x38;
	[tilespmem:$0x1C400] =	vst v63  }
0x127: {  	s9 =	sadd.s32 $0x200, s10;
	s12 =	simm.s32 $0x2800  }
0x128: {  	[hbm4b:s9+s2] =	stream.linear.scatter [tilespmem:s12], [sflag:$0x8], $0x400, $0x38;
	[tilespmem:$0x1C400] =	vst v63  }
0x129: {  	s19 =	sadd.s32 $0x280, s10;
	s22 =	simm.s32 $0x3000  }
0x12a: {  	[hbm4b:s19+s2] =	stream.linear.scatter [tilespmem:s22], [sflag:$0x8], $0x400, $0x38;
	[tilespmem:$0x1C400] =	vst v63  }
0x12b: {  	s31 =	sadd.s32 $0x300, s10;
	s0 =	simm.s32 $0x3800  }
0x12c: {  	[hbm4b:s31+s2] =	stream.linear.scatter [tilespmem:s0], [sflag:$0x8], $0x400, $0x38;
	[tilespmem:$0x1C400] =	vst v63  }
0x12d: {  	s10 =	sadd.s32 $0x380, s10;
	s12 =	simm.s32 $0x4000  }
0x12e: {  	[hbm4b:s10+s2] =	stream.linear.scatter [tilespmem:s12], [sflag:$0x8], $0x400, $0x38;
	[tilespmem:$0x1C400] =	vst v63  }
0x12f: {  	v3 =	vld [tilespmem:$0x140];
	_ =	sdelay $0x4  }
0x130: {  	v20 =	vshll.u32 v3, $0x1  }
0x131: {  	v3 =	vand.u32 $0x7, v3;
	v4 =	vand.u32 $0xFFFFFFF0, v20  }
0x132: {  	v3 =	vor.u32 v3, v4  }
0x133: {  	v4 =	vperm.xlane v3, v0;
	_ =	sdelay $0x1  }
0x134: {  	v3 =	vperm.xlane v3, v2;
	v4 =	vadd.s32 v1, v4;
	_ =	sdelay $0x1  }
0x135: {  	v3 =	vadd.s32 v1, v3;
	_ =	sdelay $0x1  }
0x136: {  	s19 =	simm.s32 $0x14400  }
0x137: {  	[tilespmem:s19], [sflag:$0x6] =	stream.indirect_vreg.gather [hbm4b:s5+s2], $0x80, v4, vm0, $0xb8;
	[tilespmem:$0x1C400] =	vst v63  }
0x138: {  	s22 =	simm.s32 $0x14C00  }
0x139: {  	[tilespmem:s22], [sflag:$0x6] =	stream.indirect_vreg.gather [hbm4b:s5+s2], $0x80, v3, vm0, $0xb8;
	[tilespmem:$0x1C400] =	vst v63  }
0x13a: {  	v3 =	vld [tilespmem:$0x150];
	_ =	sdelay $0x4  }
0x13b: {  	v21 =	vshll.u32 v3, $0x1  }
0x13c: {  	v3 =	vand.u32 $0x7, v3;
	v4 =	vand.u32 $0xFFFFFFF0, v21  }
0x13d: {  	v3 =	vor.u32 v3, v4  }
0x13e: {  	v4 =	vperm.xlane v3, v0;
	_ =	sdelay $0x1  }
0x13f: {  	v3 =	vperm.xlane v3, v2;
	v4 =	vadd.s32 v1, v4;
	_ =	sdelay $0x1  }
0x140: {  	v3 =	vadd.s32 v1, v3;
	_ =	sdelay $0x1  }
0x141: {  	s31 =	simm.s32 $0x15400  }
0x142: {  	[tilespmem:s31], [sflag:$0x6] =	stream.indirect_vreg.gather [hbm4b:s5+s2], $0x80, v4, vm0, $0xb8;
	[tilespmem:$0x1C400] =	vst v63  }
0x143: {  	s0 =	simm.s32 $0x15C00  }
0x144: {  	[tilespmem:s0], [sflag:$0x6] =	stream.indirect_vreg.gather [hbm4b:s5+s2], $0x80, v3, vm0, $0xb8;
	[tilespmem:$0x1C400] =	vst v63  }
0x145: {  	v3 =	vld [tilespmem:$0x160];
	_ =	sdelay $0x4  }
0x146: {  	v22 =	vshll.u32 v3, $0x1  }
0x147: {  	v3 =	vand.u32 $0x7, v3;
	v4 =	vand.u32 $0xFFFFFFF0, v22  }
0x148: {  	v3 =	vor.u32 v3, v4  }
0x149: {  	v4 =	vperm.xlane v3, v0;
	_ =	sdelay $0x1  }
0x14a: {  	v3 =	vperm.xlane v3, v2;
	v4 =	vadd.s32 v1, v4;
	_ =	sdelay $0x1  }
0x14b: {  	v3 =	vadd.s32 v1, v3;
	_ =	sdelay $0x1  }
0x14c: {  	s8 =	simm.s32 $0x16400  }
0x14d: {  	[tilespmem:s8], [sflag:$0x6] =	stream.indirect_vreg.gather [hbm4b:s5+s2], $0x80, v4, vm0, $0xb8;
	[tilespmem:$0x1C400] =	vst v63  }
0x14e: {  	s9 =	simm.s32 $0x16C00  }
0x14f: {  	[tilespmem:s9], [sflag:$0x6] =	stream.indirect_vreg.gather [hbm4b:s5+s2], $0x80, v3, vm0, $0xb8;
	[tilespmem:$0x1C400] =	vst v63  }
0x150: {  	v3 =	vld [tilespmem:$0x170];
	_ =	sdelay $0x4  }
0x151: {  	v23 =	vshll.u32 v3, $0x1  }
0x152: {  	v3 =	vand.u32 $0x7, v3;
	v4 =	vand.u32 $0xFFFFFFF0, v23  }
0x153: {  	v3 =	vor.u32 v3, v4  }
0x154: {  	v4 =	vperm.xlane v3, v0;
	_ =	sdelay $0x1  }
0x155: {  	v3 =	vperm.xlane v3, v2;
	v4 =	vadd.s32 v1, v4;
	_ =	sdelay $0x1  }
0x156: {  	v3 =	vadd.s32 v1, v3;
	_ =	sdelay $0x1  }
0x157: {  	s10 =	simm.s32 $0x17400  }
0x158: {  	[tilespmem:s10], [sflag:$0x6] =	stream.indirect_vreg.gather [hbm4b:s5+s2], $0x80, v4, vm0, $0xb8;
	[tilespmem:$0x1C400] =	vst v63  }
0x159: {  	s12 =	simm.s32 $0x17C00;
	s19 =	simm.s32 $0x2  }
0x15a: {  	[tilespmem:s12], [sflag:$0x6] =	stream.indirect_vreg.gather [hbm4b:s5+s2], $0x80, v3, vm0, $0xb8;
	[tilespmem:$0x1C400] =	vst v63  }
0x15b: {  	_ =	swait.ge [sflag:s19], $0x4000  }
0x15c: {  	[sflag:s19] =	ssyncset.done $0x0  }
0x15d: {  	s6 =	simm.s32 $0x4400;
	s9 =	rddreg [dreg:$0x5];
	[sflag:s19] =	ssyncadd.s32 $0xFFFFC000  }
0x15e: {  	[hbm4b:s9+s2] =	stream.linear.scatter [tilespmem:s6], [sflag:$0x9], $0x400, $0x38;
	[tilespmem:$0x1C400] =	vst v63  }
0x15f: {  	s1 =	simm.s32 $0x4C00;
	s22 =	sadd.s32 $0x80, s9  }
0x160: {  	[hbm4b:s22+s2] =	stream.linear.scatter [tilespmem:s1], [sflag:$0x9], $0x400, $0x38;
	[tilespmem:$0x1C400] =	vst v63  }
0x161: {  	s21 =	simm.s32 $0x5400;
	s31 =	sadd.s32 $0x100, s9  }
0x162: {  	[hbm4b:s31+s2] =	stream.linear.scatter [tilespmem:s21], [sflag:$0x9], $0x400, $0x38;
	[tilespmem:$0x1C400] =	vst v63  }
0x163: {  	s20 =	simm.s32 $0x5C00;
	s0 =	sadd.s32 $0x180, s9  }
0x164: {  	[hbm4b:s0+s2] =	stream.linear.scatter [tilespmem:s20], [sflag:$0x9], $0x400, $0x38;
	[tilespmem:$0x1C400] =	vst v63  }
0x165: {  	s23 =	simm.s32 $0x6400;
	s1 =	sadd.s32 $0x200, s9  }
0x166: {  	[hbm4b:s1+s2] =	stream.linear.scatter [tilespmem:s23], [sflag:$0x9], $0x400, $0x38;
	[tilespmem:$0x1C400] =	vst v63  }
0x167: {  	s25 =	simm.s32 $0x6C00;
	s10 =	sadd.s32 $0x280, s9  }
0x168: {  	[hbm4b:s10+s2] =	stream.linear.scatter [tilespmem:s25], [sflag:$0x9], $0x400, $0x38;
	[tilespmem:$0x1C400] =	vst v63  }
0x169: {  	s28 =	simm.s32 $0x7400;
	s12 =	sadd.s32 $0x300, s9  }
0x16a: {  	[hbm4b:s12+s2] =	stream.linear.scatter [tilespmem:s28], [sflag:$0x9], $0x400, $0x38;
	[tilespmem:$0x1C400] =	vst v63  }
0x16b: {  	s26 =	simm.s32 $0x7C00;
	s25 =	sadd.s32 $0x380, s9  }
0x16c: {  	[hbm4b:s25+s2] =	stream.linear.scatter [tilespmem:s26], [sflag:$0x9], $0x400, $0x38;
	[tilespmem:$0x1C400] =	vst v63  }
0x16d: {  	s9 =	rddreg [dreg:$0x6];
	s26 =	simm.s32 $0x4800  }
0x16e: {  	[hbm4b:s9+s2] =	stream.linear.scatter [tilespmem:s26], [sflag:$0x9], $0x400, $0x38;
	[tilespmem:$0x1C400] =	vst v63  }
0x16f: {  	s31 =	simm.s32 $0x5000;
	s28 =	sadd.s32 $0x80, s9  }
0x170: {  	[hbm4b:s28+s2] =	stream.linear.scatter [tilespmem:s31], [sflag:$0x9], $0x400, $0x38;
	[tilespmem:$0x1C400] =	vst v63  }
0x171: {  	s1 =	simm.s32 $0x5800;
	s0 =	sadd.s32 $0x100, s9  }
0x172: {  	[hbm4b:s0+s2] =	stream.linear.scatter [tilespmem:s1], [sflag:$0x9], $0x400, $0x38;
	[tilespmem:$0x1C400] =	vst v63  }
0x173: {  	s10 =	sadd.s32 $0x180, s9;
	s12 =	simm.s32 $0x6000  }
0x174: {  	[hbm4b:s10+s2] =	stream.linear.scatter [tilespmem:s12], [sflag:$0x9], $0x400, $0x38;
	[tilespmem:$0x1C400] =	vst v63  }
0x175: {  	s25 =	sadd.s32 $0x200, s9;
	s26 =	simm.s32 $0x6800  }
0x176: {  	[hbm4b:s25+s2] =	stream.linear.scatter [tilespmem:s26], [sflag:$0x9], $0x400, $0x38;
	[tilespmem:$0x1C400] =	vst v63  }
0x177: {  	s28 =	sadd.s32 $0x280, s9;
	s31 =	simm.s32 $0x7000  }
0x178: {  	[hbm4b:s28+s2] =	stream.linear.scatter [tilespmem:s31], [sflag:$0x9], $0x400, $0x38;
	[tilespmem:$0x1C400] =	vst v63  }
0x179: {  	s0 =	sadd.s32 $0x300, s9;
	s1 =	simm.s32 $0x7800  }
0x17a: {  	[hbm4b:s0+s2] =	stream.linear.scatter [tilespmem:s1], [sflag:$0x9], $0x400, $0x38;
	[tilespmem:$0x1C400] =	vst v63  }
0x17b: {  	s10 =	sadd.s32 $0x380, s9;
	s12 =	simm.s32 $0x8000  }
0x17c: {  	[hbm4b:s10+s2] =	stream.linear.scatter [tilespmem:s12], [sflag:$0x9], $0x400, $0x38;
	[tilespmem:$0x1C400] =	vst v63  }
0x17d: {  	v3 =	vld [tilespmem:$0x180];
	_ =	sdelay $0x4  }
0x17e: {  	v24 =	vshll.u32 v3, $0x1  }
0x17f: {  	v3 =	vand.u32 $0x7, v3;
	v4 =	vand.u32 $0xFFFFFFF0, v24  }
0x180: {  	v3 =	vor.u32 v3, v4  }
0x181: {  	v4 =	vperm.xlane v3, v0;
	_ =	sdelay $0x1  }
0x182: {  	v3 =	vperm.xlane v3, v2;
	v4 =	vadd.s32 v1, v4;
	_ =	sdelay $0x1  }
0x183: {  	v3 =	vadd.s32 v1, v3;
	_ =	sdelay $0x1  }
0x184: {  	s25 =	simm.s32 $0x18400  }
0x185: {  	[tilespmem:s25], [sflag:$0x7] =	stream.indirect_vreg.gather [hbm4b:s5+s2], $0x80, v4, vm0, $0xb8;
	[tilespmem:$0x1C400] =	vst v63  }
0x186: {  	s26 =	simm.s32 $0x18C00  }
0x187: {  	[tilespmem:s26], [sflag:$0x7] =	stream.indirect_vreg.gather [hbm4b:s5+s2], $0x80, v3, vm0, $0xb8;
	[tilespmem:$0x1C400] =	vst v63  }
0x188: {  	v3 =	vld [tilespmem:$0x190];
	_ =	sdelay $0x4  }
0x189: {  	v25 =	vshll.u32 v3, $0x1  }
0x18a: {  	v3 =	vand.u32 $0x7, v3;
	v4 =	vand.u32 $0xFFFFFFF0, v25  }
0x18b: {  	v3 =	vor.u32 v3, v4  }
0x18c: {  	v4 =	vperm.xlane v3, v0;
	_ =	sdelay $0x1  }
0x18d: {  	v3 =	vperm.xlane v3, v2;
	v4 =	vadd.s32 v1, v4;
	_ =	sdelay $0x1  }
0x18e: {  	v3 =	vadd.s32 v1, v3;
	_ =	sdelay $0x1  }
0x18f: {  	s28 =	simm.s32 $0x19400  }
0x190: {  	[tilespmem:s28], [sflag:$0x7] =	stream.indirect_vreg.gather [hbm4b:s5+s2], $0x80, v4, vm0, $0xb8;
	[tilespmem:$0x1C400] =	vst v63  }
0x191: {  	s31 =	simm.s32 $0x19C00  }
0x192: {  	[tilespmem:s31], [sflag:$0x7] =	stream.indirect_vreg.gather [hbm4b:s5+s2], $0x80, v3, vm0, $0xb8;
	[tilespmem:$0x1C400] =	vst v63  }
0x193: {  	v3 =	vld [tilespmem:$0x1A0];
	_ =	sdelay $0x4  }
0x194: {  	v26 =	vshll.u32 v3, $0x1  }
0x195: {  	v3 =	vand.u32 $0x7, v3;
	v4 =	vand.u32 $0xFFFFFFF0, v26  }
0x196: {  	v3 =	vor.u32 v3, v4  }
0x197: {  	v4 =	vperm.xlane v3, v0;
	_ =	sdelay $0x1  }
0x198: {  	v3 =	vperm.xlane v3, v2;
	v4 =	vadd.s32 v1, v4;
	_ =	sdelay $0x1  }
0x199: {  	v3 =	vadd.s32 v1, v3;
	_ =	sdelay $0x1  }
0x19a: {  	s1 =	simm.s32 $0x1A400  }
0x19b: {  	[tilespmem:s1], [sflag:$0x7] =	stream.indirect_vreg.gather [hbm4b:s5+s2], $0x80, v4, vm0, $0xb8;
	[tilespmem:$0x1C400] =	vst v63  }
0x19c: {  	s8 =	simm.s32 $0x1AC00  }
0x19d: {  	[tilespmem:s8], [sflag:$0x7] =	stream.indirect_vreg.gather [hbm4b:s5+s2], $0x80, v3, vm0, $0xb8;
	[tilespmem:$0x1C400] =	vst v63  }
0x19e: {  	v3 =	vld [tilespmem:$0x1B0];
	_ =	sdelay $0x4  }
0x19f: {  	v27 =	vshll.u32 v3, $0x1  }
0x1a0: {  	v3 =	vand.u32 $0x7, v3;
	v4 =	vand.u32 $0xFFFFFFF0, v27  }
0x1a1: {  	v3 =	vor.u32 v3, v4  }
0x1a2: {  	v4 =	vperm.xlane v3, v0;
	_ =	sdelay $0x1  }
0x1a3: {  	v3 =	vperm.xlane v3, v2;
	v4 =	vadd.s32 v1, v4;
	_ =	sdelay $0x1  }
0x1a4: {  	v3 =	vadd.s32 v1, v3;
	_ =	sdelay $0x1  }
0x1a5: {  	s9 =	simm.s32 $0x1B400  }
0x1a6: {  	[tilespmem:s9], [sflag:$0x7] =	stream.indirect_vreg.gather [hbm4b:s5+s2], $0x80, v4, vm0, $0xb8;
	[tilespmem:$0x1C400] =	vst v63  }
0x1a7: {  	s10 =	simm.s32 $0x1BC00;
	s12 =	simm.s32 $0x3  }
0x1a8: {  	[tilespmem:s10], [sflag:$0x7] =	stream.indirect_vreg.gather [hbm4b:s5+s2], $0x80, v3, vm0, $0xb8;
	[tilespmem:$0x1C400] =	vst v63  }
0x1a9: {  	_ =	swait.ge [sflag:s12], $0x4000  }
0x1aa: {  	[sflag:s12] =	ssyncset.done $0x0  }
0x1ab: {  	s9 =	rddreg [dreg:$0x7];
	[sflag:s12] =	ssyncadd.s32 $0xFFFFC000;
	s12 =	simm.s32 $0x8400  }
0x1ac: {  	[hbm4b:s9+s2] =	stream.linear.scatter [tilespmem:s12], [sflag:$0xA], $0x400, $0x38;
	[tilespmem:$0x1C400] =	vst v63  }
0x1ad: {  	s10 =	simm.s32 $0x8C00;
	s25 =	sadd.s32 $0x80, s9  }
0x1ae: {  	[hbm4b:s25+s2] =	stream.linear.scatter [tilespmem:s10], [sflag:$0xA], $0x400, $0x38;
	[tilespmem:$0x1C400] =	vst v63  }
0x1af: {  	s28 =	simm.s32 $0x9400;
	s26 =	sadd.s32 $0x100, s9  }
0x1b0: {  	[hbm4b:s26+s2] =	stream.linear.scatter [tilespmem:s28], [sflag:$0xA], $0x400, $0x38;
	[tilespmem:$0x1C400] =	vst v63  }
0x1b1: {  	s31 =	sadd.s32 $0x180, s9;
	s26 =	simm.s32 $0x9C00  }
0x1b2: {  	[hbm4b:s31+s2] =	stream.linear.scatter [tilespmem:s26], [sflag:$0xA], $0x400, $0x38;
	[tilespmem:$0x1C400] =	vst v63  }
0x1b3: {  	s29 =	simm.s32 $0xA400;
	s0 =	sadd.s32 $0x200, s9  }
0x1b4: {  	[hbm4b:s0+s2] =	stream.linear.scatter [tilespmem:s29], [sflag:$0xA], $0x400, $0x38;
	[tilespmem:$0x1C400] =	vst v63  }
0x1b5: {  	s4 =	simm.s32 $0xAC00;
	s1 =	sadd.s32 $0x280, s9  }
0x1b6: {  	[hbm4b:s1+s2] =	stream.linear.scatter [tilespmem:s4], [sflag:$0xA], $0x400, $0x38;
	[tilespmem:$0x1C400] =	vst v63  }
0x1b7: {  	s30 =	simm.s32 $0xB400;
	s29 =	sadd.s32 $0x300, s9  }
0x1b8: {  	[hbm4b:s29+s2] =	stream.linear.scatter [tilespmem:s30], [sflag:$0xA], $0x400, $0x38;
	[tilespmem:$0x1C400] =	vst v63  }
0x1b9: {  	s3 =	simm.s32 $0xBC00;
	s0 =	sadd.s32 $0x380, s9  }
0x1ba: {  	[hbm4b:s0+s2] =	stream.linear.scatter [tilespmem:s3], [sflag:$0xA], $0x400, $0x38;
	[tilespmem:$0x1C400] =	vst v63  }
0x1bb: {  	s9 =	rddreg [dreg:$0x8];
	s1 =	simm.s32 $0x8800  }
0x1bc: {  	[hbm4b:s9+s2] =	stream.linear.scatter [tilespmem:s1], [sflag:$0xA], $0x400, $0x38;
	[tilespmem:$0x1C400] =	vst v63  }
0x1bd: {  	s4 =	simm.s32 $0x9000;
	s3 =	sadd.s32 $0x80, s9  }
0x1be: {  	[hbm4b:s3+s2] =	stream.linear.scatter [tilespmem:s4], [sflag:$0xA], $0x400, $0x38;
	[tilespmem:$0x1C400] =	vst v63  }
0x1bf: {  	s29 =	sadd.s32 $0x100, s9;
	s30 =	simm.s32 $0x9800  }
0x1c0: {  	[hbm4b:s29+s2] =	stream.linear.scatter [tilespmem:s30], [sflag:$0xA], $0x400, $0x38;
	[tilespmem:$0x1C400] =	vst v63  }
0x1c1: {  	s0 =	sadd.s32 $0x180, s9;
	s1 =	simm.s32 $0xA000  }
0x1c2: {  	[hbm4b:s0+s2] =	stream.linear.scatter [tilespmem:s1], [sflag:$0xA], $0x400, $0x38;
	[tilespmem:$0x1C400] =	vst v63  }
0x1c3: {  	s3 =	sadd.s32 $0x200, s9;
	s4 =	simm.s32 $0xA800  }
0x1c4: {  	[hbm4b:s3+s2] =	stream.linear.scatter [tilespmem:s4], [sflag:$0xA], $0x400, $0x38;
	[tilespmem:$0x1C400] =	vst v63  }
0x1c5: {  	s29 =	sadd.s32 $0x280, s9;
	s30 =	simm.s32 $0xB000  }
0x1c6: {  	[hbm4b:s29+s2] =	stream.linear.scatter [tilespmem:s30], [sflag:$0xA], $0x400, $0x38;
	[tilespmem:$0x1C400] =	vst v63  }
0x1c7: {  	s1 =	sadd.s32 $0x300, s9;
	s3 =	simm.s32 $0xB800  }
0x1c8: {  	[hbm4b:s1+s2] =	stream.linear.scatter [tilespmem:s3], [sflag:$0xA], $0x400, $0x38;
	[tilespmem:$0x1C400] =	vst v63  }
0x1c9: {  	s4 =	sadd.s32 $0x380, s9;
	s9 =	simm.s32 $0xC000  }
0x1ca: {  	[hbm4b:s4+s2] =	stream.linear.scatter [tilespmem:s9], [sflag:$0xA], $0x400, $0x38;
	[tilespmem:$0x1C400] =	vst v63  }
0x1cb: {  	_ =	swait.ge [sflag:s24], $0x2000  }
0x1cc: {  	[sflag:s24] =	ssyncset.done $0x0  }
0x1cd: {  	[sflag:s24] =	ssyncadd.s32 $0xFFFFE000  }
0x1ce: {  	_ =	swait.ge [sflag:s24], $0x2000  }
0x1cf: {  	[sflag:s24] =	ssyncset.done $0x0  }
0x1d0: {  	[sflag:s24] =	ssyncadd.s32 $0xFFFFE000  }
0x1d1: {  	v3 =	vld [tilespmem:$0x1C0];
	_ =	sdelay $0x4  }
0x1d2: {  	v28 =	vshll.u32 v3, $0x1  }
0x1d3: {  	v3 =	vand.u32 $0x7, v3;
	v4 =	vand.u32 $0xFFFFFFF0, v28  }
0x1d4: {  	v3 =	vor.u32 v3, v4  }
0x1d5: {  	v4 =	vperm.xlane v3, v0;
	_ =	sdelay $0x1  }
0x1d6: {  	v3 =	vperm.xlane v3, v2;
	v4 =	vadd.s32 v1, v4;
	_ =	sdelay $0x1  }
0x1d7: {  	v3 =	vadd.s32 v1, v3;
	_ =	sdelay $0x1  }
0x1d8: {  	s11 =	simm.s32 $0x400  }
0x1d9: {  	[tilespmem:s11], [sflag:$0x1] =	stream.indirect_vreg.gather [hbm4b:s5+s2], $0x80, v4, vm0, $0xb8;
	[tilespmem:$0x1C400] =	vst v63  }
0x1da: {  	s13 =	simm.s32 $0xC00  }
0x1db: {  	[tilespmem:s13], [sflag:$0x1] =	stream.indirect_vreg.gather [hbm4b:s5+s2], $0x80, v3, vm0, $0xb8;
	[tilespmem:$0x1C400] =	vst v63  }
0x1dc: {  	v3 =	vld [tilespmem:$0x1D0];
	_ =	sdelay $0x4  }
0x1dd: {  	v29 =	vshll.u32 v3, $0x1  }
0x1de: {  	v3 =	vand.u32 $0x7, v3;
	v4 =	vand.u32 $0xFFFFFFF0, v29  }
0x1df: {  	v3 =	vor.u32 v3, v4  }
0x1e0: {  	v4 =	vperm.xlane v3, v0;
	_ =	sdelay $0x1  }
0x1e1: {  	v3 =	vperm.xlane v3, v2;
	v4 =	vadd.s32 v1, v4;
	_ =	sdelay $0x1  }
0x1e2: {  	v3 =	vadd.s32 v1, v3;
	_ =	sdelay $0x1  }
0x1e3: {  	s17 =	simm.s32 $0x1400  }
0x1e4: {  	[tilespmem:s17], [sflag:$0x1] =	stream.indirect_vreg.gather [hbm4b:s5+s2], $0x80, v4, vm0, $0xb8;
	[tilespmem:$0x1C400] =	vst v63  }
0x1e5: {  	s14 =	simm.s32 $0x1C00  }
0x1e6: {  	[tilespmem:s14], [sflag:$0x1] =	stream.indirect_vreg.gather [hbm4b:s5+s2], $0x80, v3, vm0, $0xb8;
	[tilespmem:$0x1C400] =	vst v63  }
0x1e7: {  	v3 =	vld [tilespmem:$0x1E0];
	_ =	sdelay $0x4  }
0x1e8: {  	v30 =	vshll.u32 v3, $0x1  }
0x1e9: {  	v3 =	vand.u32 $0x7, v3;
	v4 =	vand.u32 $0xFFFFFFF0, v30  }
0x1ea: {  	v3 =	vor.u32 v3, v4  }
0x1eb: {  	v4 =	vperm.xlane v3, v0;
	_ =	sdelay $0x1  }
0x1ec: {  	v3 =	vperm.xlane v3, v2;
	v4 =	vadd.s32 v1, v4;
	_ =	sdelay $0x1  }
0x1ed: {  	v3 =	vadd.s32 v1, v3;
	_ =	sdelay $0x1  }
0x1ee: {  	s18 =	simm.s32 $0x2400  }
0x1ef: {  	[tilespmem:s18], [sflag:$0x1] =	stream.indirect_vreg.gather [hbm4b:s5+s2], $0x80, v4, vm0, $0xb8;
	[tilespmem:$0x1C400] =	vst v63  }
0x1f0: {  	s15 =	simm.s32 $0x2C00  }
0x1f1: {  	[tilespmem:s15], [sflag:$0x1] =	stream.indirect_vreg.gather [hbm4b:s5+s2], $0x80, v3, vm0, $0xb8;
	[tilespmem:$0x1C400] =	vst v63  }
0x1f2: {  	v3 =	vld [tilespmem:$0x1F0];
	_ =	sdelay $0x4  }
0x1f3: {  	v31 =	vshll.u32 v3, $0x1  }
0x1f4: {  	v3 =	vand.u32 $0x7, v3;
	v4 =	vand.u32 $0xFFFFFFF0, v31  }
0x1f5: {  	v3 =	vor.u32 v3, v4  }
0x1f6: {  	v4 =	vperm.xlane v3, v0;
	_ =	sdelay $0x1  }
0x1f7: {  	v3 =	vperm.xlane v3, v2;
	v4 =	vadd.s32 v1, v4;
	_ =	sdelay $0x1  }
0x1f8: {  	v3 =	vadd.s32 v1, v3;
	_ =	sdelay $0x1  }
0x1f9: {  	s15 =	simm.s32 $0x3400  }
0x1fa: {  	[tilespmem:s15], [sflag:$0x1] =	stream.indirect_vreg.gather [hbm4b:s5+s2], $0x80, v4, vm0, $0xb8;
	[tilespmem:$0x1C400] =	vst v63  }
0x1fb: {  	s16 =	simm.s32 $0x3C00;
	s17 =	simm.s32 $0x4  }
0x1fc: {  	[tilespmem:s16], [sflag:$0x1] =	stream.indirect_vreg.gather [hbm4b:s5+s2], $0x80, v3, vm0, $0xb8;
	[tilespmem:$0x1C400] =	vst v63  }
0x1fd: {  	_ =	swait.ge [sflag:s17], $0x4000  }
0x1fe: {  	[sflag:s17] =	ssyncset.done $0x0  }
0x1ff: {  	s16 =	simm.s32 $0xC400;
	s18 =	rddreg [dreg:$0x9];
	[sflag:s17] =	ssyncadd.s32 $0xFFFFC000  }
0x200: {  	[hbm4b:s18+s2] =	stream.linear.scatter [tilespmem:s16], [sflag:$0xB], $0x400, $0x38;
	[tilespmem:$0x1C400] =	vst v63  }
0x201: {  	s0 =	sadd.s32 $0x80, s18;
	s17 =	simm.s32 $0xCC00  }
0x202: {  	[hbm4b:s0+s2] =	stream.linear.scatter [tilespmem:s17], [sflag:$0xB], $0x400, $0x38;
	[tilespmem:$0x1C400] =	vst v63  }
0x203: {  	s30 =	simm.s32 $0xD400;
	s1 =	sadd.s32 $0x100, s18  }
0x204: {  	[hbm4b:s1+s2] =	stream.linear.scatter [tilespmem:s30], [sflag:$0xB], $0x400, $0x38;
	[tilespmem:$0x1C400] =	vst v63  }
0x205: {  	s29 =	simm.s32 $0xDC00;
	s3 =	sadd.s32 $0x180, s18  }
0x206: {  	[hbm4b:s3+s2] =	stream.linear.scatter [tilespmem:s29], [sflag:$0xB], $0x400, $0x38;
	[tilespmem:$0x1C400] =	vst v63  }
0x207: {  	s4 =	sadd.s32 $0x200, s18;
	s0 =	simm.s32 $0xE400  }
0x208: {  	[hbm4b:s4+s2] =	stream.linear.scatter [tilespmem:s0], [sflag:$0xB], $0x400, $0x38;
	[tilespmem:$0x1C400] =	vst v63  }
0x209: {  	s11 =	sadd.s32 $0x280, s18;
	s1 =	simm.s32 $0xEC00  }
0x20a: {  	[hbm4b:s11+s2] =	stream.linear.scatter [tilespmem:s1], [sflag:$0xB], $0x400, $0x38;
	[tilespmem:$0x1C400] =	vst v63  }
0x20b: {  	s14 =	simm.s32 $0xF400;
	s13 =	sadd.s32 $0x300, s18  }
0x20c: {  	[hbm4b:s13+s2] =	stream.linear.scatter [tilespmem:s14], [sflag:$0xB], $0x400, $0x38;
	[tilespmem:$0x1C400] =	vst v63  }
0x20d: {  	s15 =	sadd.s32 $0x380, s18;
	s11 =	simm.s32 $0xFC00  }
0x20e: {  	[hbm4b:s15+s2] =	stream.linear.scatter [tilespmem:s11], [sflag:$0xB], $0x400, $0x38;
	[tilespmem:$0x1C400] =	vst v63  }
0x20f: {  	s9 =	rddreg [dreg:$0xa];
	s18 =	simm.s32 $0xC800  }
0x210: {  	[hbm4b:s9+s2] =	stream.linear.scatter [tilespmem:s18], [sflag:$0xB], $0x400, $0x38;
	[tilespmem:$0x1C400] =	vst v63  }
0x211: {  	s3 =	sadd.s32 $0x80, s9;
	s4 =	simm.s32 $0xD000  }
0x212: {  	[hbm4b:s3+s2] =	stream.linear.scatter [tilespmem:s4], [sflag:$0xB], $0x400, $0x38;
	[tilespmem:$0x1C400] =	vst v63  }
0x213: {  	s13 =	sadd.s32 $0x100, s9;
	s14 =	simm.s32 $0xD800  }
0x214: {  	[hbm4b:s13+s2] =	stream.linear.scatter [tilespmem:s14], [sflag:$0xB], $0x400, $0x38;
	[tilespmem:$0x1C400] =	vst v63  }
0x215: {  	s15 =	sadd.s32 $0x180, s9;
	s18 =	simm.s32 $0xE000  }
0x216: {  	[hbm4b:s15+s2] =	stream.linear.scatter [tilespmem:s18], [sflag:$0xB], $0x400, $0x38;
	[tilespmem:$0x1C400] =	vst v63  }
0x217: {  	s3 =	sadd.s32 $0x200, s9;
	s4 =	simm.s32 $0xE800  }
0x218: {  	[hbm4b:s3+s2] =	stream.linear.scatter [tilespmem:s4], [sflag:$0xB], $0x400, $0x38;
	[tilespmem:$0x1C400] =	vst v63  }
0x219: {  	s13 =	sadd.s32 $0x280, s9;
	s14 =	simm.s32 $0xF000  }
0x21a: {  	[hbm4b:s13+s2] =	stream.linear.scatter [tilespmem:s14], [sflag:$0xB], $0x400, $0x38;
	[tilespmem:$0x1C400] =	vst v63  }
0x21b: {  	s15 =	sadd.s32 $0x300, s9;
	s18 =	simm.s32 $0xF800  }
0x21c: {  	[hbm4b:s15+s2] =	stream.linear.scatter [tilespmem:s18], [sflag:$0xB], $0x400, $0x38;
	[tilespmem:$0x1C400] =	vst v63  }
0x21d: {  	s3 =	sadd.s32 $0x380, s9;
	s4 =	simm.s32 $0x10000  }
0x21e: {  	[hbm4b:s3+s2] =	stream.linear.scatter [tilespmem:s4], [sflag:$0xB], $0x400, $0x38;
	[tilespmem:$0x1C400] =	vst v63  }
0x21f: {  	_ =	swait.ge [sflag:s7], $0x2000  }
0x220: {  	[sflag:s7] =	ssyncset.done $0x0  }
0x221: {  	[sflag:s7] =	ssyncadd.s32 $0xFFFFE000  }
0x222: {  	_ =	swait.ge [sflag:s7], $0x2000  }
0x223: {  	[sflag:s7] =	ssyncset.done $0x0  }
0x224: {  	[sflag:s7] =	ssyncadd.s32 $0xFFFFE000  }
0x225: {  	v3 =	vld [tilespmem:$0x200];
	_ =	sdelay $0x4  }
0x226: {  	v32 =	vshll.u32 v3, $0x1  }
0x227: {  	v3 =	vand.u32 $0x7, v3;
	v4 =	vand.u32 $0xFFFFFFF0, v32  }
0x228: {  	v3 =	vor.u32 v3, v4  }
0x229: {  	v4 =	vperm.xlane v3, v0;
	_ =	sdelay $0x1  }
0x22a: {  	v3 =	vperm.xlane v3, v2;
	v4 =	vadd.s32 v1, v4;
	_ =	sdelay $0x1  }
0x22b: {  	v3 =	vadd.s32 v1, v3;
	_ =	sdelay $0x1  }
0x22c: {  	s19 =	simm.s32 $0x4400  }
0x22d: {  	[tilespmem:s19], [sflag:$0x2] =	stream.indirect_vreg.gather [hbm4b:s5+s2], $0x80, v4, vm0, $0xb8;
	[tilespmem:$0x1C400] =	vst v63  }
0x22e: {  	s22 =	simm.s32 $0x4C00  }
0x22f: {  	[tilespmem:s22], [sflag:$0x2] =	stream.indirect_vreg.gather [hbm4b:s5+s2], $0x80, v3, vm0, $0xb8;
	[tilespmem:$0x1C400] =	vst v63  }
0x230: {  	v3 =	vld [tilespmem:$0x210];
	_ =	sdelay $0x4  }
0x231: {  	v33 =	vshll.u32 v3, $0x1  }
0x232: {  	v3 =	vand.u32 $0x7, v3;
	v4 =	vand.u32 $0xFFFFFFF0, v33  }
0x233: {  	v3 =	vor.u32 v3, v4  }
0x234: {  	v4 =	vperm.xlane v3, v0;
	_ =	sdelay $0x1  }
0x235: {  	v3 =	vperm.xlane v3, v2;
	v4 =	vadd.s32 v1, v4;
	_ =	sdelay $0x1  }
0x236: {  	v3 =	vadd.s32 v1, v3;
	_ =	sdelay $0x1  }
0x237: {  	s21 =	simm.s32 $0x5400  }
0x238: {  	[tilespmem:s21], [sflag:$0x2] =	stream.indirect_vreg.gather [hbm4b:s5+s2], $0x80, v4, vm0, $0xb8;
	[tilespmem:$0x1C400] =	vst v63  }
0x239: {  	s6 =	simm.s32 $0x5C00  }
0x23a: {  	[tilespmem:s6], [sflag:$0x2] =	stream.indirect_vreg.gather [hbm4b:s5+s2], $0x80, v3, vm0, $0xb8;
	[tilespmem:$0x1C400] =	vst v63  }
0x23b: {  	v3 =	vld [tilespmem:$0x220];
	_ =	sdelay $0x4  }
0x23c: {  	v34 =	vshll.u32 v3, $0x1  }
0x23d: {  	v3 =	vand.u32 $0x7, v3;
	v4 =	vand.u32 $0xFFFFFFF0, v34  }
0x23e: {  	v3 =	vor.u32 v3, v4  }
0x23f: {  	v4 =	vperm.xlane v3, v0;
	_ =	sdelay $0x1  }
0x240: {  	v3 =	vperm.xlane v3, v2;
	v4 =	vadd.s32 v1, v4;
	_ =	sdelay $0x1  }
0x241: {  	v3 =	vadd.s32 v1, v3;
	_ =	sdelay $0x1  }
0x242: {  	s23 =	simm.s32 $0x6400  }
0x243: {  	[tilespmem:s23], [sflag:$0x2] =	stream.indirect_vreg.gather [hbm4b:s5+s2], $0x80, v4, vm0, $0xb8;
	[tilespmem:$0x1C400] =	vst v63  }
0x244: {  	s20 =	simm.s32 $0x6C00  }
0x245: {  	[tilespmem:s20], [sflag:$0x2] =	stream.indirect_vreg.gather [hbm4b:s5+s2], $0x80, v3, vm0, $0xb8;
	[tilespmem:$0x1C400] =	vst v63  }
0x246: {  	v3 =	vld [tilespmem:$0x230];
	_ =	sdelay $0x4  }
0x247: {  	v35 =	vshll.u32 v3, $0x1  }
0x248: {  	v3 =	vand.u32 $0x7, v3;
	v4 =	vand.u32 $0xFFFFFFF0, v35  }
0x249: {  	v3 =	vor.u32 v3, v4  }
0x24a: {  	v4 =	vperm.xlane v3, v0;
	_ =	sdelay $0x1  }
0x24b: {  	v3 =	vperm.xlane v3, v2;
	v4 =	vadd.s32 v1, v4;
	_ =	sdelay $0x1  }
0x24c: {  	v3 =	vadd.s32 v1, v3;
	_ =	sdelay $0x1  }
0x24d: {  	s8 =	simm.s32 $0x7400  }
0x24e: {  	[tilespmem:s8], [sflag:$0x2] =	stream.indirect_vreg.gather [hbm4b:s5+s2], $0x80, v4, vm0, $0xb8;
	[tilespmem:$0x1C400] =	vst v63  }
0x24f: {  	s9 =	simm.s32 $0x7C00;
	s13 =	simm.s32 $0x5  }
0x250: {  	[tilespmem:s9], [sflag:$0x2] =	stream.indirect_vreg.gather [hbm4b:s5+s2], $0x80, v3, vm0, $0xb8;
	[tilespmem:$0x1C400] =	vst v63  }
0x251: {  	_ =	swait.ge [sflag:s13], $0x4000  }
0x252: {  	[sflag:s13] =	ssyncset.done $0x0  }
0x253: {  	s19 =	simm.s32 $0x10400;
	s14 =	rddreg [dreg:$0xb];
	[sflag:s13] =	ssyncadd.s32 $0xFFFFC000  }
0x254: {  	[hbm4b:s14+s2] =	stream.linear.scatter [tilespmem:s19], [sflag:$0xC], $0x400, $0x38;
	[tilespmem:$0x1C400] =	vst v63  }
0x255: {  	s18 =	simm.s32 $0x10C00;
	s15 =	sadd.s32 $0x80, s14  }
0x256: {  	[hbm4b:s15+s2] =	stream.linear.scatter [tilespmem:s18], [sflag:$0xC], $0x400, $0x38;
	[tilespmem:$0x1C400] =	vst v63  }
0x257: {  	s21 =	simm.s32 $0x11400;
	s20 =	sadd.s32 $0x100, s14  }
0x258: {  	[hbm4b:s20+s2] =	stream.linear.scatter [tilespmem:s21], [sflag:$0xC], $0x400, $0x38;
	[tilespmem:$0x1C400] =	vst v63  }
0x259: {  	s22 =	sadd.s32 $0x180, s14;
	s20 =	simm.s32 $0x11C00  }
0x25a: {  	[hbm4b:s22+s2] =	stream.linear.scatter [tilespmem:s20], [sflag:$0xC], $0x400, $0x38;
	[tilespmem:$0x1C400] =	vst v63  }
0x25b: {  	s3 =	simm.s32 $0x12400;
	s23 =	sadd.s32 $0x200, s14  }
0x25c: {  	[hbm4b:s23+s2] =	stream.linear.scatter [tilespmem:s3], [sflag:$0xC], $0x400, $0x38;
	[tilespmem:$0x1C400] =	vst v63  }
0x25d: {  	s4 =	sadd.s32 $0x280, s14;
	s22 =	simm.s32 $0x12C00  }
0x25e: {  	[hbm4b:s4+s2] =	stream.linear.scatter [tilespmem:s22], [sflag:$0xC], $0x400, $0x38;
	[tilespmem:$0x1C400] =	vst v63  }
0x25f: {  	s6 =	sadd.s32 $0x300, s14;
	s13 =	simm.s32 $0x13400  }
0x260: {  	[hbm4b:s6+s2] =	stream.linear.scatter [tilespmem:s13], [sflag:$0xC], $0x400, $0x38;
	[tilespmem:$0x1C400] =	vst v63  }
0x261: {  	s14 =	sadd.s32 $0x380, s14;
	s15 =	simm.s32 $0x13C00  }
0x262: {  	[hbm4b:s14+s2] =	stream.linear.scatter [tilespmem:s15], [sflag:$0xC], $0x400, $0x38;
	[tilespmem:$0x1C400] =	vst v63  }
0x263: {  	s9 =	rddreg [dreg:$0xd];
	s23 =	simm.s32 $0x10800  }
0x264: {  	[hbm4b:s9+s2] =	stream.linear.scatter [tilespmem:s23], [sflag:$0xC], $0x400, $0x38;
	[tilespmem:$0x1C400] =	vst v63  }
0x265: {  	s4 =	sadd.s32 $0x80, s9;
	s6 =	simm.s32 $0x11000  }
0x266: {  	[hbm4b:s4+s2] =	stream.linear.scatter [tilespmem:s6], [sflag:$0xC], $0x400, $0x38;
	[tilespmem:$0x1C400] =	vst v63  }
0x267: {  	s13 =	sadd.s32 $0x100, s9;
	s14 =	simm.s32 $0x11800  }
0x268: {  	[hbm4b:s13+s2] =	stream.linear.scatter [tilespmem:s14], [sflag:$0xC], $0x400, $0x38;
	[tilespmem:$0x1C400] =	vst v63  }
0x269: {  	s15 =	sadd.s32 $0x180, s9;
	s23 =	simm.s32 $0x12000  }
0x26a: {  	[hbm4b:s15+s2] =	stream.linear.scatter [tilespmem:s23], [sflag:$0xC], $0x400, $0x38;
	[tilespmem:$0x1C400] =	vst v63  }
0x26b: {  	s4 =	sadd.s32 $0x200, s9;
	s6 =	simm.s32 $0x12800  }
0x26c: {  	[hbm4b:s4+s2] =	stream.linear.scatter [tilespmem:s6], [sflag:$0xC], $0x400, $0x38;
	[tilespmem:$0x1C400] =	vst v63  }
0x26d: {  	s13 =	sadd.s32 $0x280, s9;
	s14 =	simm.s32 $0x13000  }
0x26e: {  	[hbm4b:s13+s2] =	stream.linear.scatter [tilespmem:s14], [sflag:$0xC], $0x400, $0x38;
	[tilespmem:$0x1C400] =	vst v63  }
0x26f: {  	s15 =	sadd.s32 $0x300, s9;
	s23 =	simm.s32 $0x13800  }
0x270: {  	[hbm4b:s15+s2] =	stream.linear.scatter [tilespmem:s23], [sflag:$0xC], $0x400, $0x38;
	[tilespmem:$0x1C400] =	vst v63  }
0x271: {  	s4 =	sadd.s32 $0x380, s9;
	s6 =	simm.s32 $0x14000;
	s13 =	simm.s32 $0xA  }
0x272: {  	[hbm4b:s4+s2] =	stream.linear.scatter [tilespmem:s6], [sflag:$0xC], $0x400, $0x38;
	[tilespmem:$0x1C400] =	vst v63  }
0x273: {  	_ =	swait.ge [sflag:s13], $0x2000  }
0x274: {  	[sflag:s13] =	ssyncset.done $0x0  }
0x275: {  	[sflag:s13] =	ssyncadd.s32 $0xFFFFE000  }
0x276: {  	_ =	swait.ge [sflag:s13], $0x2000  }
0x277: {  	[sflag:s13] =	ssyncset.done $0x0  }
0x278: {  	[sflag:s13] =	ssyncadd.s32 $0xFFFFE000  }
0x279: {  	v3 =	vld [tilespmem:$0x240];
	_ =	sdelay $0x4  }
0x27a: {  	v36 =	vshll.u32 v3, $0x1  }
0x27b: {  	v3 =	vand.u32 $0x7, v3;
	v4 =	vand.u32 $0xFFFFFFF0, v36  }
0x27c: {  	v3 =	vor.u32 v3, v4  }
0x27d: {  	v4 =	vperm.xlane v3, v0;
	_ =	sdelay $0x1  }
0x27e: {  	v3 =	vperm.xlane v3, v2;
	v4 =	vadd.s32 v1, v4;
	_ =	sdelay $0x1  }
0x27f: {  	v3 =	vadd.s32 v1, v3;
	_ =	sdelay $0x2  }
0x280: {  	[tilespmem:s12], [sflag:$0x3] =	stream.indirect_vreg.gather [hbm4b:s5+s2], $0x80, v4, vm0, $0xb8;
	[tilespmem:$0x1C400] =	vst v63  }
0x281: {  	_ = 	snop  }
0x282: {  	[tilespmem:s10], [sflag:$0x3] =	stream.indirect_vreg.gather [hbm4b:s5+s2], $0x80, v3, vm0, $0xb8;
	[tilespmem:$0x1C400] =	vst v63  }
0x283: {  	v3 =	vld [tilespmem:$0x250];
	_ =	sdelay $0x4  }
0x284: {  	v37 =	vshll.u32 v3, $0x1  }
0x285: {  	v3 =	vand.u32 $0x7, v3;
	v4 =	vand.u32 $0xFFFFFFF0, v37  }
0x286: {  	v3 =	vor.u32 v3, v4  }
0x287: {  	v4 =	vperm.xlane v3, v0;
	_ =	sdelay $0x1  }
0x288: {  	v3 =	vperm.xlane v3, v2;
	v4 =	vadd.s32 v1, v4;
	_ =	sdelay $0x1  }
0x289: {  	v3 =	vadd.s32 v1, v3;
	_ =	sdelay $0x2  }
0x28a: {  	[tilespmem:s28], [sflag:$0x3] =	stream.indirect_vreg.gather [hbm4b:s5+s2], $0x80, v4, vm0, $0xb8;
	[tilespmem:$0x1C400] =	vst v63  }
0x28b: {  	_ = 	snop  }
0x28c: {  	[tilespmem:s26], [sflag:$0x3] =	stream.indirect_vreg.gather [hbm4b:s5+s2], $0x80, v3, vm0, $0xb8;
	[tilespmem:$0x1C400] =	vst v63  }
0x28d: {  	v3 =	vld [tilespmem:$0x260];
	_ =	sdelay $0x4  }
0x28e: {  	v38 =	vshll.u32 v3, $0x1  }
0x28f: {  	v3 =	vand.u32 $0x7, v3;
	v4 =	vand.u32 $0xFFFFFFF0, v38  }
0x290: {  	v3 =	vor.u32 v3, v4  }
0x291: {  	v4 =	vperm.xlane v3, v0;
	_ =	sdelay $0x1  }
0x292: {  	v3 =	vperm.xlane v3, v2;
	v4 =	vadd.s32 v1, v4;
	_ =	sdelay $0x1  }
0x293: {  	v3 =	vadd.s32 v1, v3;
	_ =	sdelay $0x1  }
0x294: {  	s25 =	simm.s32 $0xA400  }
0x295: {  	[tilespmem:s25], [sflag:$0x3] =	stream.indirect_vreg.gather [hbm4b:s5+s2], $0x80, v4, vm0, $0xb8;
	[tilespmem:$0x1C400] =	vst v63  }
0x296: {  	s31 =	simm.s32 $0xAC00  }
0x297: {  	[tilespmem:s31], [sflag:$0x3] =	stream.indirect_vreg.gather [hbm4b:s5+s2], $0x80, v3, vm0, $0xb8;
	[tilespmem:$0x1C400] =	vst v63  }
0x298: {  	v3 =	vld [tilespmem:$0x270];
	_ =	sdelay $0x4  }
0x299: {  	v39 =	vshll.u32 v3, $0x1  }
0x29a: {  	v3 =	vand.u32 $0x7, v3;
	v4 =	vand.u32 $0xFFFFFFF0, v39  }
0x29b: {  	v3 =	vor.u32 v3, v4  }
0x29c: {  	v4 =	vperm.xlane v3, v0;
	_ =	sdelay $0x1  }
0x29d: {  	v3 =	vperm.xlane v3, v2;
	v4 =	vadd.s32 v1, v4;
	_ =	sdelay $0x1  }
0x29e: {  	v3 =	vadd.s32 v1, v3;
	_ =	sdelay $0x1  }
0x29f: {  	s9 =	simm.s32 $0xB400  }
0x2a0: {  	[tilespmem:s9], [sflag:$0x3] =	stream.indirect_vreg.gather [hbm4b:s5+s2], $0x80, v4, vm0, $0xb8;
	[tilespmem:$0x1C400] =	vst v63  }
0x2a1: {  	s14 =	simm.s32 $0x6;
	s10 =	simm.s32 $0xBC00  }
0x2a2: {  	[tilespmem:s10], [sflag:$0x3] =	stream.indirect_vreg.gather [hbm4b:s5+s2], $0x80, v3, vm0, $0xb8;
	[tilespmem:$0x1C400] =	vst v63  }
0x2a3: {  	_ =	swait.ge [sflag:s14], $0x4000  }
0x2a4: {  	[sflag:s14] =	ssyncset.done $0x0  }
0x2a5: {  	s28 =	simm.s32 $0x14400;
	s9 =	rddreg [dreg:$0xe];
	[sflag:s14] =	ssyncadd.s32 $0xFFFFC000  }
0x2a6: {  	[hbm4b:s9+s2] =	stream.linear.scatter [tilespmem:s28], [sflag:$0xD], $0x400, $0x38;
	[tilespmem:$0x1C400] =	vst v63  }
0x2a7: {  	s26 =	simm.s32 $0x14C00;
	s12 =	sadd.s32 $0x80, s9  }
0x2a8: {  	[hbm4b:s12+s2] =	stream.linear.scatter [tilespmem:s26], [sflag:$0xD], $0x400, $0x38;
	[tilespmem:$0x1C400] =	vst v63  }
0x2a9: {  	s4 =	simm.s32 $0x15400;
	s15 =	sadd.s32 $0x100, s9  }
0x2aa: {  	[hbm4b:s15+s2] =	stream.linear.scatter [tilespmem:s4], [sflag:$0xD], $0x400, $0x38;
	[tilespmem:$0x1C400] =	vst v63  }
0x2ab: {  	s31 =	simm.s32 $0x15C00;
	s23 =	sadd.s32 $0x180, s9  }
0x2ac: {  	[hbm4b:s23+s2] =	stream.linear.scatter [tilespmem:s31], [sflag:$0xD], $0x400, $0x38;
	[tilespmem:$0x1C400] =	vst v63  }
0x2ad: {  	s6 =	simm.s32 $0x16400;
	s25 =	sadd.s32 $0x200, s9  }
0x2ae: {  	[hbm4b:s25+s2] =	stream.linear.scatter [tilespmem:s6], [sflag:$0xD], $0x400, $0x38;
	[tilespmem:$0x1C400] =	vst v63  }
0x2af: {  	s10 =	sadd.s32 $0x280, s9;
	s6 =	simm.s32 $0x16C00  }
0x2b0: {  	[hbm4b:s10+s2] =	stream.linear.scatter [tilespmem:s6], [sflag:$0xD], $0x400, $0x38;
	[tilespmem:$0x1C400] =	vst v63  }
0x2b1: {  	s12 =	sadd.s32 $0x300, s9;
	s15 =	simm.s32 $0x17400  }
0x2b2: {  	[hbm4b:s12+s2] =	stream.linear.scatter [tilespmem:s15], [sflag:$0xD], $0x400, $0x38;
	[tilespmem:$0x1C400] =	vst v63  }
0x2b3: {  	s23 =	sadd.s32 $0x380, s9;
	s25 =	simm.s32 $0x17C00  }
0x2b4: {  	[hbm4b:s23+s2] =	stream.linear.scatter [tilespmem:s25], [sflag:$0xD], $0x400, $0x38;
	[tilespmem:$0x1C400] =	vst v63  }
0x2b5: {  	s9 =	rddreg [dreg:$0xf];
	s10 =	simm.s32 $0x14800  }
0x2b6: {  	[hbm4b:s9+s2] =	stream.linear.scatter [tilespmem:s10], [sflag:$0xD], $0x400, $0x38;
	[tilespmem:$0x1C400] =	vst v63  }
0x2b7: {  	s12 =	sadd.s32 $0x80, s9;
	s15 =	simm.s32 $0x15000  }
0x2b8: {  	[hbm4b:s12+s2] =	stream.linear.scatter [tilespmem:s15], [sflag:$0xD], $0x400, $0x38;
	[tilespmem:$0x1C400] =	vst v63  }
0x2b9: {  	s23 =	sadd.s32 $0x100, s9;
	s25 =	simm.s32 $0x15800  }
0x2ba: {  	[hbm4b:s23+s2] =	stream.linear.scatter [tilespmem:s25], [sflag:$0xD], $0x400, $0x38;
	[tilespmem:$0x1C400] =	vst v63  }
0x2bb: {  	s12 =	sadd.s32 $0x180, s9;
	s15 =	simm.s32 $0x16000  }
0x2bc: {  	[hbm4b:s12+s2] =	stream.linear.scatter [tilespmem:s15], [sflag:$0xD], $0x400, $0x38;
	[tilespmem:$0x1C400] =	vst v63  }
0x2bd: {  	s23 =	sadd.s32 $0x200, s9;
	s25 =	simm.s32 $0x16800  }
0x2be: {  	[hbm4b:s23+s2] =	stream.linear.scatter [tilespmem:s25], [sflag:$0xD], $0x400, $0x38;
	[tilespmem:$0x1C400] =	vst v63  }
0x2bf: {  	s12 =	sadd.s32 $0x280, s9;
	s15 =	simm.s32 $0x17000  }
0x2c0: {  	[hbm4b:s12+s2] =	stream.linear.scatter [tilespmem:s15], [sflag:$0xD], $0x400, $0x38;
	[tilespmem:$0x1C400] =	vst v63  }
0x2c1: {  	s23 =	sadd.s32 $0x300, s9;
	s25 =	simm.s32 $0x17800  }
0x2c2: {  	[hbm4b:s23+s2] =	stream.linear.scatter [tilespmem:s25], [sflag:$0xD], $0x400, $0x38;
	[tilespmem:$0x1C400] =	vst v63  }
0x2c3: {  	s12 =	sadd.s32 $0x380, s9;
	s15 =	simm.s32 $0x18000  }
0x2c4: {  	[hbm4b:s12+s2] =	stream.linear.scatter [tilespmem:s15], [sflag:$0xD], $0x400, $0x38;
	[tilespmem:$0x1C400] =	vst v63  }
0x2c5: {  	s15 =	simm.s32 $0xB  }
0x2c6: {  	_ =	swait.ge [sflag:s15], $0x2000  }
0x2c7: {  	[sflag:s15] =	ssyncset.done $0x0  }
0x2c8: {  	[sflag:s15] =	ssyncadd.s32 $0xFFFFE000  }
0x2c9: {  	_ =	swait.ge [sflag:s15], $0x2000  }
0x2ca: {  	[sflag:s15] =	ssyncset.done $0x0  }
0x2cb: {  	[sflag:s15] =	ssyncadd.s32 $0xFFFFE000  }
0x2cc: {  	v3 =	vld [tilespmem:$0x280];
	_ =	sdelay $0x4  }
0x2cd: {  	v40 =	vshll.u32 v3, $0x1  }
0x2ce: {  	v3 =	vand.u32 $0x7, v3;
	v4 =	vand.u32 $0xFFFFFFF0, v40  }
0x2cf: {  	v3 =	vor.u32 v3, v4  }
0x2d0: {  	v4 =	vperm.xlane v3, v0;
	_ =	sdelay $0x1  }
0x2d1: {  	v3 =	vperm.xlane v3, v2;
	v4 =	vadd.s32 v1, v4;
	_ =	sdelay $0x1  }
0x2d2: {  	v3 =	vadd.s32 v1, v3;
	_ =	sdelay $0x2  }
0x2d3: {  	[tilespmem:s16], [sflag:$0x4] =	stream.indirect_vreg.gather [hbm4b:s5+s2], $0x80, v4, vm0, $0xb8;
	[tilespmem:$0x1C400] =	vst v63  }
0x2d4: {  	_ = 	snop  }
0x2d5: {  	[tilespmem:s17], [sflag:$0x4] =	stream.indirect_vreg.gather [hbm4b:s5+s2], $0x80, v3, vm0, $0xb8;
	[tilespmem:$0x1C400] =	vst v63  }
0x2d6: {  	v3 =	vld [tilespmem:$0x290];
	_ =	sdelay $0x4  }
0x2d7: {  	v41 =	vshll.u32 v3, $0x1  }
0x2d8: {  	v3 =	vand.u32 $0x7, v3;
	v4 =	vand.u32 $0xFFFFFFF0, v41  }
0x2d9: {  	v3 =	vor.u32 v3, v4  }
0x2da: {  	v4 =	vperm.xlane v3, v0;
	_ =	sdelay $0x1  }
0x2db: {  	v3 =	vperm.xlane v3, v2;
	v4 =	vadd.s32 v1, v4;
	_ =	sdelay $0x1  }
0x2dc: {  	v3 =	vadd.s32 v1, v3;
	_ =	sdelay $0x2  }
0x2dd: {  	[tilespmem:s30], [sflag:$0x4] =	stream.indirect_vreg.gather [hbm4b:s5+s2], $0x80, v4, vm0, $0xb8;
	[tilespmem:$0x1C400] =	vst v63  }
0x2de: {  	_ = 	snop  }
0x2df: {  	[tilespmem:s29], [sflag:$0x4] =	stream.indirect_vreg.gather [hbm4b:s5+s2], $0x80, v3, vm0, $0xb8;
	[tilespmem:$0x1C400] =	vst v63  }
0x2e0: {  	v3 =	vld [tilespmem:$0x2A0];
	_ =	sdelay $0x4  }
0x2e1: {  	v42 =	vshll.u32 v3, $0x1  }
0x2e2: {  	v3 =	vand.u32 $0x7, v3;
	v4 =	vand.u32 $0xFFFFFFF0, v42  }
0x2e3: {  	v3 =	vor.u32 v3, v4  }
0x2e4: {  	v4 =	vperm.xlane v3, v0;
	_ =	sdelay $0x1  }
0x2e5: {  	v3 =	vperm.xlane v3, v2;
	v4 =	vadd.s32 v1, v4;
	_ =	sdelay $0x1  }
0x2e6: {  	v3 =	vadd.s32 v1, v3;
	_ =	sdelay $0x2  }
0x2e7: {  	[tilespmem:s0], [sflag:$0x4] =	stream.indirect_vreg.gather [hbm4b:s5+s2], $0x80, v4, vm0, $0xb8;
	[tilespmem:$0x1C400] =	vst v63  }
0x2e8: {  	_ = 	snop  }
0x2e9: {  	[tilespmem:s1], [sflag:$0x4] =	stream.indirect_vreg.gather [hbm4b:s5+s2], $0x80, v3, vm0, $0xb8;
	[tilespmem:$0x1C400] =	vst v63  }
0x2ea: {  	v3 =	vld [tilespmem:$0x2B0];
	_ =	sdelay $0x4  }
0x2eb: {  	v43 =	vshll.u32 v3, $0x1  }
0x2ec: {  	v3 =	vand.u32 $0x7, v3;
	v4 =	vand.u32 $0xFFFFFFF0, v43  }
0x2ed: {  	v3 =	vor.u32 v3, v4  }
0x2ee: {  	v4 =	vperm.xlane v3, v0;
	_ =	sdelay $0x1  }
0x2ef: {  	v3 =	vperm.xlane v3, v2;
	v4 =	vadd.s32 v1, v4;
	_ =	sdelay $0x1  }
0x2f0: {  	v3 =	vadd.s32 v1, v3;
	_ =	sdelay $0x1  }
0x2f1: {  	s23 =	simm.s32 $0xF400  }
0x2f2: {  	[tilespmem:s23], [sflag:$0x4] =	stream.indirect_vreg.gather [hbm4b:s5+s2], $0x80, v4, vm0, $0xb8;
	[tilespmem:$0x1C400] =	vst v63  }
0x2f3: {  	s16 =	simm.s32 $0x7  }
0x2f4: {  	[tilespmem:s11], [sflag:$0x4] =	stream.indirect_vreg.gather [hbm4b:s5+s2], $0x80, v3, vm0, $0xb8;
	[tilespmem:$0x1C400] =	vst v63  }
0x2f5: {  	_ =	swait.ge [sflag:s16], $0x4000  }
0x2f6: {  	[sflag:s16] =	ssyncset.done $0x0  }
0x2f7: {  	s1 =	simm.s32 $0x18400;
	s9 =	rddreg [dreg:$0x10];
	[sflag:s16] =	ssyncadd.s32 $0xFFFFC000  }
0x2f8: {  	[hbm4b:s9+s2] =	stream.linear.scatter [tilespmem:s1], [sflag:$0xE], $0x400, $0x38;
	[tilespmem:$0x1C400] =	vst v63  }
0x2f9: {  	s0 =	simm.s32 $0x18C00;
	s25 =	sadd.s32 $0x80, s9  }
0x2fa: {  	[hbm4b:s25+s2] =	stream.linear.scatter [tilespmem:s0], [sflag:$0xE], $0x400, $0x38;
	[tilespmem:$0x1C400] =	vst v63  }
0x2fb: {  	s12 =	simm.s32 $0x19400;
	s29 =	sadd.s32 $0x100, s9  }
0x2fc: {  	[hbm4b:s29+s2] =	stream.linear.scatter [tilespmem:s12], [sflag:$0xE], $0x400, $0x38;
	[tilespmem:$0x1C400] =	vst v63  }
0x2fd: {  	s10 =	simm.s32 $0x19C00;
	s30 =	sadd.s32 $0x180, s9  }
0x2fe: {  	[hbm4b:s30+s2] =	stream.linear.scatter [tilespmem:s10], [sflag:$0xE], $0x400, $0x38;
	[tilespmem:$0x1C400] =	vst v63  }
0x2ff: {  	s11 =	sadd.s32 $0x200, s9;
	s30 =	simm.s32 $0x1A400  }
0x300: {  	[hbm4b:s11+s2] =	stream.linear.scatter [tilespmem:s30], [sflag:$0xE], $0x400, $0x38;
	[tilespmem:$0x1C400] =	vst v63  }
0x301: {  	s23 =	simm.s32 $0x1AC00;
	s17 =	sadd.s32 $0x280, s9  }
0x302: {  	[hbm4b:s17+s2] =	stream.linear.scatter [tilespmem:s23], [sflag:$0xE], $0x400, $0x38;
	[tilespmem:$0x1C400] =	vst v63  }
0x303: {  	s25 =	sadd.s32 $0x300, s9;
	s29 =	simm.s32 $0x1B400  }
0x304: {  	[hbm4b:s25+s2] =	stream.linear.scatter [tilespmem:s29], [sflag:$0xE], $0x400, $0x38;
	[tilespmem:$0x1C400] =	vst v63  }
0x305: {  	s9 =	sadd.s32 $0x380, s9;
	s11 =	simm.s32 $0x1BC00  }
0x306: {  	[hbm4b:s9+s2] =	stream.linear.scatter [tilespmem:s11], [sflag:$0xE], $0x400, $0x38;
	[tilespmem:$0x1C400] =	vst v63  }
0x307: {  	s17 =	simm.s32 $0x18800;
	s9 =	rddreg [dreg:$0x11]  }
0x308: {  	[hbm4b:s9+s2] =	stream.linear.scatter [tilespmem:s17], [sflag:$0xE], $0x400, $0x38;
	[tilespmem:$0x1C400] =	vst v63  }
0x309: {  	s29 =	simm.s32 $0x19000;
	s25 =	sadd.s32 $0x80, s9  }
0x30a: {  	[hbm4b:s25+s2] =	stream.linear.scatter [tilespmem:s29], [sflag:$0xE], $0x400, $0x38;
	[tilespmem:$0x1C400] =	vst v63  }
0x30b: {  	s11 =	sadd.s32 $0x100, s9;
	s17 =	simm.s32 $0x19800  }
0x30c: {  	[hbm4b:s11+s2] =	stream.linear.scatter [tilespmem:s17], [sflag:$0xE], $0x400, $0x38;
	[tilespmem:$0x1C400] =	vst v63  }
0x30d: {  	s25 =	sadd.s32 $0x180, s9;
	s29 =	simm.s32 $0x1A000  }
0x30e: {  	[hbm4b:s25+s2] =	stream.linear.scatter [tilespmem:s29], [sflag:$0xE], $0x400, $0x38;
	[tilespmem:$0x1C400] =	vst v63  }
0x30f: {  	s11 =	sadd.s32 $0x200, s9;
	s17 =	simm.s32 $0x1A800  }
0x310: {  	[hbm4b:s11+s2] =	stream.linear.scatter [tilespmem:s17], [sflag:$0xE], $0x400, $0x38;
	[tilespmem:$0x1C400] =	vst v63  }
0x311: {  	s25 =	sadd.s32 $0x280, s9;
	s29 =	simm.s32 $0x1B000  }
0x312: {  	[hbm4b:s25+s2] =	stream.linear.scatter [tilespmem:s29], [sflag:$0xE], $0x400, $0x38;
	[tilespmem:$0x1C400] =	vst v63  }
0x313: {  	s11 =	sadd.s32 $0x300, s9;
	s17 =	simm.s32 $0x1B800  }
0x314: {  	[hbm4b:s11+s2] =	stream.linear.scatter [tilespmem:s17], [sflag:$0xE], $0x400, $0x38;
	[tilespmem:$0x1C400] =	vst v63  }
0x315: {  	s25 =	sadd.s32 $0x380, s9;
	s29 =	simm.s32 $0x1C000;
	s17 =	simm.s32 $0xC  }
0x316: {  	[hbm4b:s25+s2] =	stream.linear.scatter [tilespmem:s29], [sflag:$0xE], $0x400, $0x38;
	[tilespmem:$0x1C400] =	vst v63  }
0x317: {  	_ =	swait.ge [sflag:s17], $0x2000  }
0x318: {  	[sflag:s17] =	ssyncset.done $0x0  }
0x319: {  	[sflag:s17] =	ssyncadd.s32 $0xFFFFE000  }
0x31a: {  	_ =	swait.ge [sflag:s17], $0x2000  }
0x31b: {  	[sflag:s17] =	ssyncset.done $0x0  }
0x31c: {  	[sflag:s17] =	ssyncadd.s32 $0xFFFFE000  }
0x31d: {  	v3 =	vld [tilespmem:$0x2C0];
	_ =	sdelay $0x4  }
0x31e: {  	v44 =	vshll.u32 v3, $0x1  }
0x31f: {  	v3 =	vand.u32 $0x7, v3;
	v4 =	vand.u32 $0xFFFFFFF0, v44  }
0x320: {  	v3 =	vor.u32 v3, v4  }
0x321: {  	v4 =	vperm.xlane v3, v0;
	_ =	sdelay $0x1  }
0x322: {  	v3 =	vperm.xlane v3, v2;
	v4 =	vadd.s32 v1, v4;
	_ =	sdelay $0x1  }
0x323: {  	v3 =	vadd.s32 v1, v3;
	_ =	sdelay $0x2  }
0x324: {  	[tilespmem:s19], [sflag:$0x5] =	stream.indirect_vreg.gather [hbm4b:s5+s2], $0x80, v4, vm0, $0xb8;
	[tilespmem:$0x1C400] =	vst v63  }
0x325: {  	_ = 	snop  }
0x326: {  	[tilespmem:s18], [sflag:$0x5] =	stream.indirect_vreg.gather [hbm4b:s5+s2], $0x80, v3, vm0, $0xb8;
	[tilespmem:$0x1C400] =	vst v63  }
0x327: {  	v3 =	vld [tilespmem:$0x2D0];
	_ =	sdelay $0x4  }
0x328: {  	v45 =	vshll.u32 v3, $0x1  }
0x329: {  	v3 =	vand.u32 $0x7, v3;
	v4 =	vand.u32 $0xFFFFFFF0, v45  }
0x32a: {  	v3 =	vor.u32 v3, v4  }
0x32b: {  	v4 =	vperm.xlane v3, v0;
	_ =	sdelay $0x1  }
0x32c: {  	v3 =	vperm.xlane v3, v2;
	v4 =	vadd.s32 v1, v4;
	_ =	sdelay $0x1  }
0x32d: {  	v3 =	vadd.s32 v1, v3;
	_ =	sdelay $0x2  }
0x32e: {  	[tilespmem:s21], [sflag:$0x5] =	stream.indirect_vreg.gather [hbm4b:s5+s2], $0x80, v4, vm0, $0xb8;
	[tilespmem:$0x1C400] =	vst v63  }
0x32f: {  	_ = 	snop  }
0x330: {  	[tilespmem:s20], [sflag:$0x5] =	stream.indirect_vreg.gather [hbm4b:s5+s2], $0x80, v3, vm0, $0xb8;
	[tilespmem:$0x1C400] =	vst v63  }
0x331: {  	v3 =	vld [tilespmem:$0x2E0];
	_ =	sdelay $0x4  }
0x332: {  	v46 =	vshll.u32 v3, $0x1  }
0x333: {  	v3 =	vand.u32 $0x7, v3;
	v4 =	vand.u32 $0xFFFFFFF0, v46  }
0x334: {  	v3 =	vor.u32 v3, v4  }
0x335: {  	v4 =	vperm.xlane v3, v0;
	_ =	sdelay $0x1  }
0x336: {  	v3 =	vperm.xlane v3, v2;
	v4 =	vadd.s32 v1, v4;
	_ =	sdelay $0x1  }
0x337: {  	v3 =	vadd.s32 v1, v3;
	_ =	sdelay $0x2  }
0x338: {  	[tilespmem:s3], [sflag:$0x5] =	stream.indirect_vreg.gather [hbm4b:s5+s2], $0x80, v4, vm0, $0xb8;
	[tilespmem:$0x1C400] =	vst v63  }
0x339: {  	_ = 	snop  }
0x33a: {  	[tilespmem:s22], [sflag:$0x5] =	stream.indirect_vreg.gather [hbm4b:s5+s2], $0x80, v3, vm0, $0xb8;
	[tilespmem:$0x1C400] =	vst v63  }
0x33b: {  	v3 =	vld [tilespmem:$0x2F0];
	_ =	sdelay $0x4  }
0x33c: {  	v47 =	vshll.u32 v3, $0x1  }
0x33d: {  	v3 =	vand.u32 $0x7, v3;
	v4 =	vand.u32 $0xFFFFFFF0, v47  }
0x33e: {  	v3 =	vor.u32 v3, v4  }
0x33f: {  	v4 =	vperm.xlane v3, v0;
	_ =	sdelay $0x1  }
0x340: {  	v3 =	vperm.xlane v3, v2;
	v4 =	vadd.s32 v1, v4;
	_ =	sdelay $0x1  }
0x341: {  	v3 =	vadd.s32 v1, v3;
	_ =	sdelay $0x1  }
0x342: {  	s3 =	simm.s32 $0x13400  }
0x343: {  	[tilespmem:s3], [sflag:$0x5] =	stream.indirect_vreg.gather [hbm4b:s5+s2], $0x80, v4, vm0, $0xb8;
	[tilespmem:$0x1C400] =	vst v63  }
0x344: {  	s9 =	simm.s32 $0x13C00;
	s11 =	simm.s32 $0x1  }
0x345: {  	[tilespmem:s9], [sflag:$0x5] =	stream.indirect_vreg.gather [hbm4b:s5+s2], $0x80, v3, vm0, $0xb8;
	[tilespmem:$0x1C400] =	vst v63  }
0x346: {  	_ =	swait.ge [sflag:s11], $0x4000  }
0x347: {  	[sflag:s11] =	ssyncset.done $0x0  }
0x348: {  	s3 =	simm.s32 $0x400;
	s9 =	rddreg [dreg:$0x12];
	[sflag:s11] =	ssyncadd.s32 $0xFFFFC000  }
0x349: {  	[hbm4b:s9+s2] =	stream.linear.scatter [tilespmem:s3], [sflag:$0x8], $0x400, $0x38;
	[tilespmem:$0x1C400] =	vst v63  }
0x34a: {  	s20 =	simm.s32 $0xC00;
	s18 =	sadd.s32 $0x80, s9  }
0x34b: {  	[hbm4b:s18+s2] =	stream.linear.scatter [tilespmem:s20], [sflag:$0x8], $0x400, $0x38;
	[tilespmem:$0x1C400] =	vst v63  }
0x34c: {  	s21 =	simm.s32 $0x1400;
	s19 =	sadd.s32 $0x100, s9  }
0x34d: {  	[hbm4b:s19+s2] =	stream.linear.scatter [tilespmem:s21], [sflag:$0x8], $0x400, $0x38;
	[tilespmem:$0x1C400] =	vst v63  }
0x34e: {  	s22 =	sadd.s32 $0x180, s9;
	s11 =	simm.s32 $0x1C00  }
0x34f: {  	[hbm4b:s22+s2] =	stream.linear.scatter [tilespmem:s11], [sflag:$0x8], $0x400, $0x38;
	[tilespmem:$0x1C400] =	vst v63  }
0x350: {  	s29 =	simm.s32 $0x2400;
	s25 =	sadd.s32 $0x200, s9  }
0x351: {  	[hbm4b:s25+s2] =	stream.linear.scatter [tilespmem:s29], [sflag:$0x8], $0x400, $0x38;
	[tilespmem:$0x1C400] =	vst v63  }
0x352: {  	s18 =	sadd.s32 $0x280, s9;
	s25 =	simm.s32 $0x2C00  }
0x353: {  	[hbm4b:s18+s2] =	stream.linear.scatter [tilespmem:s25], [sflag:$0x8], $0x400, $0x38;
	[tilespmem:$0x1C400] =	vst v63  }
0x354: {  	s19 =	sadd.s32 $0x300, s9;
	s22 =	simm.s32 $0x3400  }
0x355: {  	[hbm4b:s19+s2] =	stream.linear.scatter [tilespmem:s22], [sflag:$0x8], $0x400, $0x38;
	[tilespmem:$0x1C400] =	vst v63  }
0x356: {  	s19 =	sadd.s32 $0x380, s9;
	s22 =	simm.s32 $0x3C00  }
0x357: {  	[hbm4b:s19+s2] =	stream.linear.scatter [tilespmem:s22], [sflag:$0x8], $0x400, $0x38;
	[tilespmem:$0x1C400] =	vst v63  }
0x358: {  	s18 =	simm.s32 $0x800;
	s9 =	rddreg [dreg:$0x13]  }
0x359: {  	[hbm4b:s9+s2] =	stream.linear.scatter [tilespmem:s18], [sflag:$0x8], $0x400, $0x38;
	[tilespmem:$0x1C400] =	vst v63  }
0x35a: {  	s19 =	sadd.s32 $0x80, s9;
	s22 =	simm.s32 $0x1000  }
0x35b: {  	[hbm4b:s19+s2] =	stream.linear.scatter [tilespmem:s22], [sflag:$0x8], $0x400, $0x38;
	[tilespmem:$0x1C400] =	vst v63  }
0x35c: {  	s19 =	sadd.s32 $0x100, s9;
	s22 =	simm.s32 $0x1800  }
0x35d: {  	[hbm4b:s19+s2] =	stream.linear.scatter [tilespmem:s22], [sflag:$0x8], $0x400, $0x38;
	[tilespmem:$0x1C400] =	vst v63  }
0x35e: {  	s19 =	sadd.s32 $0x180, s9;
	s22 =	simm.s32 $0x2000  }
0x35f: {  	[hbm4b:s19+s2] =	stream.linear.scatter [tilespmem:s22], [sflag:$0x8], $0x400, $0x38;
	[tilespmem:$0x1C400] =	vst v63  }
0x360: {  	s19 =	sadd.s32 $0x200, s9;
	s22 =	simm.s32 $0x2800  }
0x361: {  	[hbm4b:s19+s2] =	stream.linear.scatter [tilespmem:s22], [sflag:$0x8], $0x400, $0x38;
	[tilespmem:$0x1C400] =	vst v63  }
0x362: {  	s19 =	sadd.s32 $0x280, s9;
	s22 =	simm.s32 $0x3000  }
0x363: {  	[hbm4b:s19+s2] =	stream.linear.scatter [tilespmem:s22], [sflag:$0x8], $0x400, $0x38;
	[tilespmem:$0x1C400] =	vst v63  }
0x364: {  	s19 =	sadd.s32 $0x300, s9;
	s22 =	simm.s32 $0x3800  }
0x365: {  	[hbm4b:s19+s2] =	stream.linear.scatter [tilespmem:s22], [sflag:$0x8], $0x400, $0x38;
	[tilespmem:$0x1C400] =	vst v63  }
0x366: {  	s18 =	simm.s32 $0xD;
	s19 =	sadd.s32 $0x380, s9;
	s22 =	simm.s32 $0x4000  }
0x367: {  	[hbm4b:s19+s2] =	stream.linear.scatter [tilespmem:s22], [sflag:$0x8], $0x400, $0x38;
	[tilespmem:$0x1C400] =	vst v63  }
0x368: {  	_ =	swait.ge [sflag:s18], $0x2000  }
0x369: {  	[sflag:s18] =	ssyncset.done $0x0  }
0x36a: {  	[sflag:s18] =	ssyncadd.s32 $0xFFFFE000  }
0x36b: {  	_ =	swait.ge [sflag:s18], $0x2000  }
0x36c: {  	[sflag:s18] =	ssyncset.done $0x0  }
0x36d: {  	[sflag:s18] =	ssyncadd.s32 $0xFFFFE000  }
0x36e: {  	v3 =	vld [tilespmem:$0x300];
	_ =	sdelay $0x4  }
0x36f: {  	v48 =	vshll.u32 v3, $0x1  }
0x370: {  	v3 =	vand.u32 $0x7, v3;
	v4 =	vand.u32 $0xFFFFFFF0, v48  }
0x371: {  	v3 =	vor.u32 v3, v4  }
0x372: {  	v4 =	vperm.xlane v3, v0;
	_ =	sdelay $0x1  }
0x373: {  	v3 =	vperm.xlane v3, v2;
	v4 =	vadd.s32 v1, v4;
	_ =	sdelay $0x1  }
0x374: {  	v3 =	vadd.s32 v1, v3;
	_ =	sdelay $0x2  }
0x375: {  	[tilespmem:s28], [sflag:$0x6] =	stream.indirect_vreg.gather [hbm4b:s5+s2], $0x80, v4, vm0, $0xb8;
	[tilespmem:$0x1C400] =	vst v63  }
0x376: {  	_ = 	snop  }
0x377: {  	[tilespmem:s26], [sflag:$0x6] =	stream.indirect_vreg.gather [hbm4b:s5+s2], $0x80, v3, vm0, $0xb8;
	[tilespmem:$0x1C400] =	vst v63  }
0x378: {  	v3 =	vld [tilespmem:$0x310];
	_ =	sdelay $0x4  }
0x379: {  	v49 =	vshll.u32 v3, $0x1  }
0x37a: {  	v3 =	vand.u32 $0x7, v3;
	v4 =	vand.u32 $0xFFFFFFF0, v49  }
0x37b: {  	v3 =	vor.u32 v3, v4  }
0x37c: {  	v4 =	vperm.xlane v3, v0;
	_ =	sdelay $0x1  }
0x37d: {  	v3 =	vperm.xlane v3, v2;
	v4 =	vadd.s32 v1, v4;
	_ =	sdelay $0x1  }
0x37e: {  	v3 =	vadd.s32 v1, v3;
	_ =	sdelay $0x2  }
0x37f: {  	[tilespmem:s4], [sflag:$0x6] =	stream.indirect_vreg.gather [hbm4b:s5+s2], $0x80, v4, vm0, $0xb8;
	[tilespmem:$0x1C400] =	vst v63  }
0x380: {  	_ = 	snop  }
0x381: {  	[tilespmem:s31], [sflag:$0x6] =	stream.indirect_vreg.gather [hbm4b:s5+s2], $0x80, v3, vm0, $0xb8;
	[tilespmem:$0x1C400] =	vst v63  }
0x382: {  	v3 =	vld [tilespmem:$0x320];
	_ =	sdelay $0x4  }
0x383: {  	v50 =	vshll.u32 v3, $0x1  }
0x384: {  	v3 =	vand.u32 $0x7, v3;
	v4 =	vand.u32 $0xFFFFFFF0, v50  }
0x385: {  	v3 =	vor.u32 v3, v4  }
0x386: {  	v4 =	vperm.xlane v3, v0;
	_ =	sdelay $0x1  }
0x387: {  	v3 =	vperm.xlane v3, v2;
	v4 =	vadd.s32 v1, v4;
	_ =	sdelay $0x1  }
0x388: {  	v3 =	vadd.s32 v1, v3;
	_ =	sdelay $0x1  }
0x389: {  	s26 =	simm.s32 $0x16400  }
0x38a: {  	[tilespmem:s26], [sflag:$0x6] =	stream.indirect_vreg.gather [hbm4b:s5+s2], $0x80, v4, vm0, $0xb8;
	[tilespmem:$0x1C400] =	vst v63  }
0x38b: {  	_ = 	snop  }
0x38c: {  	[tilespmem:s6], [sflag:$0x6] =	stream.indirect_vreg.gather [hbm4b:s5+s2], $0x80, v3, vm0, $0xb8;
	[tilespmem:$0x1C400] =	vst v63  }
0x38d: {  	v3 =	vld [tilespmem:$0x330];
	_ =	sdelay $0x4  }
0x38e: {  	v51 =	vshll.u32 v3, $0x1  }
0x38f: {  	v3 =	vand.u32 $0x7, v3;
	v4 =	vand.u32 $0xFFFFFFF0, v51  }
0x390: {  	v3 =	vor.u32 v3, v4  }
0x391: {  	v4 =	vperm.xlane v3, v0;
	_ =	sdelay $0x1  }
0x392: {  	v3 =	vperm.xlane v3, v2;
	v4 =	vadd.s32 v1, v4;
	_ =	sdelay $0x1  }
0x393: {  	v3 =	vadd.s32 v1, v3;
	_ =	sdelay $0x1  }
0x394: {  	s28 =	simm.s32 $0x17400  }
0x395: {  	[tilespmem:s28], [sflag:$0x6] =	stream.indirect_vreg.gather [hbm4b:s5+s2], $0x80, v4, vm0, $0xb8;
	[tilespmem:$0x1C400] =	vst v63  }
0x396: {  	s31 =	simm.s32 $0x17C00;
	s6 =	simm.s32 $0x2  }
0x397: {  	[tilespmem:s31], [sflag:$0x6] =	stream.indirect_vreg.gather [hbm4b:s5+s2], $0x80, v3, vm0, $0xb8;
	[tilespmem:$0x1C400] =	vst v63  }
0x398: {  	_ =	swait.ge [sflag:s6], $0x4000  }
0x399: {  	[sflag:s6] =	ssyncset.done $0x0  }
0x39a: {  	s8 =	simm.s32 $0x4400;
	s9 =	rddreg [dreg:$0x14];
	[sflag:s6] =	ssyncadd.s32 $0xFFFFC000  }
0x39b: {  	[hbm4b:s9+s2] =	stream.linear.scatter [tilespmem:s8], [sflag:$0x9], $0x400, $0x38;
	[tilespmem:$0x1C400] =	vst v63  }
0x39c: {  	s22 =	simm.s32 $0x4C00;
	s19 =	sadd.s32 $0x80, s9  }
0x39d: {  	[hbm4b:s19+s2] =	stream.linear.scatter [tilespmem:s22], [sflag:$0x9], $0x400, $0x38;
	[tilespmem:$0x1C400] =	vst v63  }
0x39e: {  	s26 =	sadd.s32 $0x100, s9;
	s22 =	simm.s32 $0x5400  }
0x39f: {  	[hbm4b:s26+s2] =	stream.linear.scatter [tilespmem:s22], [sflag:$0x9], $0x400, $0x38;
	[tilespmem:$0x1C400] =	vst v63  }
0x3a0: {  	s4 =	simm.s32 $0x5C00;
	s28 =	sadd.s32 $0x180, s9  }
0x3a1: {  	[hbm4b:s28+s2] =	stream.linear.scatter [tilespmem:s4], [sflag:$0x9], $0x400, $0x38;
	[tilespmem:$0x1C400] =	vst v63  }
0x3a2: {  	s31 =	sadd.s32 $0x200, s9;
	s6 =	simm.s32 $0x6400  }
0x3a3: {  	[hbm4b:s31+s2] =	stream.linear.scatter [tilespmem:s6], [sflag:$0x9], $0x400, $0x38;
	[tilespmem:$0x1C400] =	vst v63  }
0x3a4: {  	s19 =	sadd.s32 $0x280, s9;
	s26 =	simm.s32 $0x6C00  }
0x3a5: {  	[hbm4b:s19+s2] =	stream.linear.scatter [tilespmem:s26], [sflag:$0x9], $0x400, $0x38;
	[tilespmem:$0x1C400] =	vst v63  }
0x3a6: {  	s28 =	sadd.s32 $0x300, s9;
	s31 =	simm.s32 $0x7400  }
0x3a7: {  	[hbm4b:s28+s2] =	stream.linear.scatter [tilespmem:s31], [sflag:$0x9], $0x400, $0x38;
	[tilespmem:$0x1C400] =	vst v63  }
0x3a8: {  	s9 =	sadd.s32 $0x380, s9;
	s19 =	simm.s32 $0x7C00  }
0x3a9: {  	[hbm4b:s9+s2] =	stream.linear.scatter [tilespmem:s19], [sflag:$0x9], $0x400, $0x38;
	[tilespmem:$0x1C400] =	vst v63  }
0x3aa: {  	s26 =	simm.s32 $0x4800;
	s9 =	rddreg [dreg:$0x15]  }
0x3ab: {  	[hbm4b:s9+s2] =	stream.linear.scatter [tilespmem:s26], [sflag:$0x9], $0x400, $0x38;
	[tilespmem:$0x1C400] =	vst v63  }
0x3ac: {  	s31 =	simm.s32 $0x5000;
	s28 =	sadd.s32 $0x80, s9  }
0x3ad: {  	[hbm4b:s28+s2] =	stream.linear.scatter [tilespmem:s31], [sflag:$0x9], $0x400, $0x38;
	[tilespmem:$0x1C400] =	vst v63  }
0x3ae: {  	s19 =	sadd.s32 $0x100, s9;
	s26 =	simm.s32 $0x5800  }
0x3af: {  	[hbm4b:s19+s2] =	stream.linear.scatter [tilespmem:s26], [sflag:$0x9], $0x400, $0x38;
	[tilespmem:$0x1C400] =	vst v63  }
0x3b0: {  	s28 =	sadd.s32 $0x180, s9;
	s31 =	simm.s32 $0x6000  }
0x3b1: {  	[hbm4b:s28+s2] =	stream.linear.scatter [tilespmem:s31], [sflag:$0x9], $0x400, $0x38;
	[tilespmem:$0x1C400] =	vst v63  }
0x3b2: {  	s19 =	sadd.s32 $0x200, s9;
	s26 =	simm.s32 $0x6800  }
0x3b3: {  	[hbm4b:s19+s2] =	stream.linear.scatter [tilespmem:s26], [sflag:$0x9], $0x400, $0x38;
	[tilespmem:$0x1C400] =	vst v63  }
0x3b4: {  	s28 =	sadd.s32 $0x280, s9;
	s31 =	simm.s32 $0x7000  }
0x3b5: {  	[hbm4b:s28+s2] =	stream.linear.scatter [tilespmem:s31], [sflag:$0x9], $0x400, $0x38;
	[tilespmem:$0x1C400] =	vst v63  }
0x3b6: {  	s19 =	sadd.s32 $0x300, s9;
	s26 =	simm.s32 $0x7800  }
0x3b7: {  	[hbm4b:s19+s2] =	stream.linear.scatter [tilespmem:s26], [sflag:$0x9], $0x400, $0x38;
	[tilespmem:$0x1C400] =	vst v63  }
0x3b8: {  	s28 =	sadd.s32 $0x380, s9;
	s31 =	simm.s32 $0x8000;
	s9 =	simm.s32 $0xE  }
0x3b9: {  	[hbm4b:s28+s2] =	stream.linear.scatter [tilespmem:s31], [sflag:$0x9], $0x400, $0x38;
	[tilespmem:$0x1C400] =	vst v63  }
0x3ba: {  	_ =	swait.ge [sflag:s9], $0x2000  }
0x3bb: {  	[sflag:s9] =	ssyncset.done $0x0  }
0x3bc: {  	[sflag:s9] =	ssyncadd.s32 $0xFFFFE000  }
0x3bd: {  	_ =	swait.ge [sflag:s9], $0x2000  }
0x3be: {  	[sflag:s9] =	ssyncset.done $0x0  }
0x3bf: {  	[sflag:s9] =	ssyncadd.s32 $0xFFFFE000  }
0x3c0: {  	v3 =	vld [tilespmem:$0x340];
	_ =	sdelay $0x4  }
0x3c1: {  	v52 =	vshll.u32 v3, $0x1  }
0x3c2: {  	v3 =	vand.u32 $0x7, v3;
	v4 =	vand.u32 $0xFFFFFFF0, v52  }
0x3c3: {  	v3 =	vor.u32 v3, v4  }
0x3c4: {  	v4 =	vperm.xlane v3, v0;
	_ =	sdelay $0x1  }
0x3c5: {  	v3 =	vperm.xlane v3, v2;
	v4 =	vadd.s32 v1, v4;
	_ =	sdelay $0x1  }
0x3c6: {  	v3 =	vadd.s32 v1, v3;
	_ =	sdelay $0x2  }
0x3c7: {  	[tilespmem:s1], [sflag:$0x7] =	stream.indirect_vreg.gather [hbm4b:s5+s2], $0x80, v4, vm0, $0xb8;
	[tilespmem:$0x1C400] =	vst v63  }
0x3c8: {  	_ = 	snop  }
0x3c9: {  	[tilespmem:s0], [sflag:$0x7] =	stream.indirect_vreg.gather [hbm4b:s5+s2], $0x80, v3, vm0, $0xb8;
	[tilespmem:$0x1C400] =	vst v63  }
0x3ca: {  	v3 =	vld [tilespmem:$0x350];
	_ =	sdelay $0x4  }
0x3cb: {  	v53 =	vshll.u32 v3, $0x1  }
0x3cc: {  	v3 =	vand.u32 $0x7, v3;
	v4 =	vand.u32 $0xFFFFFFF0, v53  }
0x3cd: {  	v3 =	vor.u32 v3, v4  }
0x3ce: {  	v4 =	vperm.xlane v3, v0;
	_ =	sdelay $0x1  }
0x3cf: {  	v3 =	vperm.xlane v3, v2;
	v4 =	vadd.s32 v1, v4;
	_ =	sdelay $0x1  }
0x3d0: {  	v3 =	vadd.s32 v1, v3;
	_ =	sdelay $0x2  }
0x3d1: {  	[tilespmem:s12], [sflag:$0x7] =	stream.indirect_vreg.gather [hbm4b:s5+s2], $0x80, v4, vm0, $0xb8;
	[tilespmem:$0x1C400] =	vst v63  }
0x3d2: {  	_ = 	snop  }
0x3d3: {  	[tilespmem:s10], [sflag:$0x7] =	stream.indirect_vreg.gather [hbm4b:s5+s2], $0x80, v3, vm0, $0xb8;
	[tilespmem:$0x1C400] =	vst v63  }
0x3d4: {  	v3 =	vld [tilespmem:$0x360];
	_ =	sdelay $0x4  }
0x3d5: {  	v54 =	vshll.u32 v3, $0x1  }
0x3d6: {  	v3 =	vand.u32 $0x7, v3;
	v4 =	vand.u32 $0xFFFFFFF0, v54  }
0x3d7: {  	v3 =	vor.u32 v3, v4  }
0x3d8: {  	v4 =	vperm.xlane v3, v0;
	_ =	sdelay $0x1  }
0x3d9: {  	v3 =	vperm.xlane v3, v2;
	v4 =	vadd.s32 v1, v4;
	_ =	sdelay $0x1  }
0x3da: {  	v3 =	vadd.s32 v1, v3;
	_ =	sdelay $0x2  }
0x3db: {  	[tilespmem:s30], [sflag:$0x7] =	stream.indirect_vreg.gather [hbm4b:s5+s2], $0x80, v4, vm0, $0xb8;
	[tilespmem:$0x1C400] =	vst v63  }
0x3dc: {  	_ = 	snop  }
0x3dd: {  	[tilespmem:s23], [sflag:$0x7] =	stream.indirect_vreg.gather [hbm4b:s5+s2], $0x80, v3, vm0, $0xb8;
	[tilespmem:$0x1C400] =	vst v63  }
0x3de: {  	v3 =	vld [tilespmem:$0x370];
	_ =	sdelay $0x4  }
0x3df: {  	v55 =	vshll.u32 v3, $0x1  }
0x3e0: {  	v3 =	vand.u32 $0x7, v3;
	v4 =	vand.u32 $0xFFFFFFF0, v55  }
0x3e1: {  	v3 =	vor.u32 v3, v4  }
0x3e2: {  	v4 =	vperm.xlane v3, v0;
	_ =	sdelay $0x1  }
0x3e3: {  	v3 =	vperm.xlane v3, v2;
	v4 =	vadd.s32 v1, v4;
	_ =	sdelay $0x1  }
0x3e4: {  	v3 =	vadd.s32 v1, v3;
	_ =	sdelay $0x1  }
0x3e5: {  	s10 =	simm.s32 $0x1B400  }
0x3e6: {  	[tilespmem:s10], [sflag:$0x7] =	stream.indirect_vreg.gather [hbm4b:s5+s2], $0x80, v4, vm0, $0xb8;
	[tilespmem:$0x1C400] =	vst v63  }
0x3e7: {  	s19 =	simm.s32 $0x3;
	s12 =	simm.s32 $0x1BC00  }
0x3e8: {  	[tilespmem:s12], [sflag:$0x7] =	stream.indirect_vreg.gather [hbm4b:s5+s2], $0x80, v3, vm0, $0xb8;
	[tilespmem:$0x1C400] =	vst v63  }
0x3e9: {  	_ =	swait.ge [sflag:s19], $0x4000  }
0x3ea: {  	[sflag:s19] =	ssyncset.done $0x0  }
0x3eb: {  	s23 =	simm.s32 $0x8400;
	s10 =	rddreg [dreg:$0x16];
	[sflag:s19] =	ssyncadd.s32 $0xFFFFC000  }
0x3ec: {  	[hbm4b:s10+s2] =	stream.linear.scatter [tilespmem:s23], [sflag:$0xA], $0x400, $0x38;
	[tilespmem:$0x1C400] =	vst v63  }
0x3ed: {  	s28 =	simm.s32 $0x8C00;
	s26 =	sadd.s32 $0x80, s10  }
0x3ee: {  	[hbm4b:s26+s2] =	stream.linear.scatter [tilespmem:s28], [sflag:$0xA], $0x400, $0x38;
	[tilespmem:$0x1C400] =	vst v63  }
0x3ef: {  	s31 =	simm.s32 $0x9400;
	s30 =	sadd.s32 $0x100, s10  }
0x3f0: {  	[hbm4b:s30+s2] =	stream.linear.scatter [tilespmem:s31], [sflag:$0xA], $0x400, $0x38;
	[tilespmem:$0x1C400] =	vst v63  }
0x3f1: {  	s12 =	simm.s32 $0x9C00;
	s1 =	sadd.s32 $0x180, s10  }
0x3f2: {  	[hbm4b:s1+s2] =	stream.linear.scatter [tilespmem:s12], [sflag:$0xA], $0x400, $0x38;
	[tilespmem:$0x1C400] =	vst v63  }
0x3f3: {  	s19 =	sadd.s32 $0x200, s10;
	s23 =	simm.s32 $0xA400  }
0x3f4: {  	[hbm4b:s19+s2] =	stream.linear.scatter [tilespmem:s23], [sflag:$0xA], $0x400, $0x38;
	[tilespmem:$0x1C400] =	vst v63  }
0x3f5: {  	s26 =	sadd.s32 $0x280, s10;
	s28 =	simm.s32 $0xAC00  }
0x3f6: {  	[hbm4b:s26+s2] =	stream.linear.scatter [tilespmem:s28], [sflag:$0xA], $0x400, $0x38;
	[tilespmem:$0x1C400] =	vst v63  }
0x3f7: {  	s30 =	sadd.s32 $0x300, s10;
	s31 =	simm.s32 $0xB400  }
0x3f8: {  	[hbm4b:s30+s2] =	stream.linear.scatter [tilespmem:s31], [sflag:$0xA], $0x400, $0x38;
	[tilespmem:$0x1C400] =	vst v63  }
0x3f9: {  	s12 =	sadd.s32 $0x380, s10;
	s19 =	simm.s32 $0xBC00  }
0x3fa: {  	[hbm4b:s12+s2] =	stream.linear.scatter [tilespmem:s19], [sflag:$0xA], $0x400, $0x38;
	[tilespmem:$0x1C400] =	vst v63  }
0x3fb: {  	s10 =	rddreg [dreg:$0x17];
	s23 =	simm.s32 $0x8800  }
0x3fc: {  	[hbm4b:s10+s2] =	stream.linear.scatter [tilespmem:s23], [sflag:$0xA], $0x400, $0x38;
	[tilespmem:$0x1C400] =	vst v63  }
0x3fd: {  	s26 =	sadd.s32 $0x80, s10;
	s28 =	simm.s32 $0x9000  }
0x3fe: {  	[hbm4b:s26+s2] =	stream.linear.scatter [tilespmem:s28], [sflag:$0xA], $0x400, $0x38;
	[tilespmem:$0x1C400] =	vst v63  }
0x3ff: {  	s30 =	sadd.s32 $0x100, s10;
	s31 =	simm.s32 $0x9800  }
0x400: {  	[hbm4b:s30+s2] =	stream.linear.scatter [tilespmem:s31], [sflag:$0xA], $0x400, $0x38;
	[tilespmem:$0x1C400] =	vst v63  }
0x401: {  	s1 =	sadd.s32 $0x180, s10;
	s12 =	simm.s32 $0xA000  }
0x402: {  	[hbm4b:s1+s2] =	stream.linear.scatter [tilespmem:s12], [sflag:$0xA], $0x400, $0x38;
	[tilespmem:$0x1C400] =	vst v63  }
0x403: {  	s19 =	sadd.s32 $0x200, s10;
	s23 =	simm.s32 $0xA800  }
0x404: {  	[hbm4b:s19+s2] =	stream.linear.scatter [tilespmem:s23], [sflag:$0xA], $0x400, $0x38;
	[tilespmem:$0x1C400] =	vst v63  }
0x405: {  	s26 =	sadd.s32 $0x280, s10;
	s28 =	simm.s32 $0xB000  }
0x406: {  	[hbm4b:s26+s2] =	stream.linear.scatter [tilespmem:s28], [sflag:$0xA], $0x400, $0x38;
	[tilespmem:$0x1C400] =	vst v63  }
0x407: {  	s30 =	sadd.s32 $0x300, s10;
	s31 =	simm.s32 $0xB800  }
0x408: {  	[hbm4b:s30+s2] =	stream.linear.scatter [tilespmem:s31], [sflag:$0xA], $0x400, $0x38;
	[tilespmem:$0x1C400] =	vst v63  }
0x409: {  	s12 =	sadd.s32 $0x380, s10;
	s19 =	simm.s32 $0xC000  }
0x40a: {  	[hbm4b:s12+s2] =	stream.linear.scatter [tilespmem:s19], [sflag:$0xA], $0x400, $0x38;
	[tilespmem:$0x1C400] =	vst v63  }
0x40b: {  	_ =	swait.ge [sflag:s24], $0x2000  }
0x40c: {  	[sflag:s24] =	ssyncset.done $0x0  }
0x40d: {  	[sflag:s24] =	ssyncadd.s32 $0xFFFFE000  }
0x40e: {  	_ =	swait.ge [sflag:s24], $0x2000  }
0x40f: {  	[sflag:s24] =	ssyncset.done $0x0  }
0x410: {  	[sflag:s24] =	ssyncadd.s32 $0xFFFFE000  }
0x411: {  	v3 =	vld [tilespmem:$0x380];
	_ =	sdelay $0x4  }
0x412: {  	v56 =	vshll.u32 v3, $0x1  }
0x413: {  	v3 =	vand.u32 $0x7, v3;
	v4 =	vand.u32 $0xFFFFFFF0, v56  }
0x414: {  	v3 =	vor.u32 v3, v4  }
0x415: {  	v4 =	vperm.xlane v3, v0;
	_ =	sdelay $0x1  }
0x416: {  	v3 =	vperm.xlane v3, v2;
	v4 =	vadd.s32 v1, v4;
	_ =	sdelay $0x1  }
0x417: {  	v3 =	vadd.s32 v1, v3;
	_ =	sdelay $0x2  }
0x418: {  	[tilespmem:s3], [sflag:$0x1] =	stream.indirect_vreg.gather [hbm4b:s5+s2], $0x80, v4, vm0, $0xb8;
	[tilespmem:$0x1C400] =	vst v63  }
0x419: {  	_ = 	snop  }
0x41a: {  	[tilespmem:s20], [sflag:$0x1] =	stream.indirect_vreg.gather [hbm4b:s5+s2], $0x80, v3, vm0, $0xb8;
	[tilespmem:$0x1C400] =	vst v63  }
0x41b: {  	v3 =	vld [tilespmem:$0x390];
	_ =	sdelay $0x4  }
0x41c: {  	v57 =	vshll.u32 v3, $0x1  }
0x41d: {  	v3 =	vand.u32 $0x7, v3;
	v4 =	vand.u32 $0xFFFFFFF0, v57  }
0x41e: {  	v3 =	vor.u32 v3, v4  }
0x41f: {  	v4 =	vperm.xlane v3, v0;
	_ =	sdelay $0x1  }
0x420: {  	v3 =	vperm.xlane v3, v2;
	v4 =	vadd.s32 v1, v4;
	_ =	sdelay $0x1  }
0x421: {  	v3 =	vadd.s32 v1, v3;
	_ =	sdelay $0x2  }
0x422: {  	[tilespmem:s21], [sflag:$0x1] =	stream.indirect_vreg.gather [hbm4b:s5+s2], $0x80, v4, vm0, $0xb8;
	[tilespmem:$0x1C400] =	vst v63  }
0x423: {  	_ = 	snop  }
0x424: {  	[tilespmem:s11], [sflag:$0x1] =	stream.indirect_vreg.gather [hbm4b:s5+s2], $0x80, v3, vm0, $0xb8;
	[tilespmem:$0x1C400] =	vst v63  }
0x425: {  	v3 =	vld [tilespmem:$0x3A0];
	_ =	sdelay $0x4  }
0x426: {  	v58 =	vshll.u32 v3, $0x1  }
0x427: {  	v3 =	vand.u32 $0x7, v3;
	v4 =	vand.u32 $0xFFFFFFF0, v58  }
0x428: {  	v3 =	vor.u32 v3, v4  }
0x429: {  	v4 =	vperm.xlane v3, v0;
	_ =	sdelay $0x1  }
0x42a: {  	v3 =	vperm.xlane v3, v2;
	v4 =	vadd.s32 v1, v4;
	_ =	sdelay $0x1  }
0x42b: {  	v3 =	vadd.s32 v1, v3;
	_ =	sdelay $0x2  }
0x42c: {  	[tilespmem:s29], [sflag:$0x1] =	stream.indirect_vreg.gather [hbm4b:s5+s2], $0x80, v4, vm0, $0xb8;
	[tilespmem:$0x1C400] =	vst v63  }
0x42d: {  	_ = 	snop  }
0x42e: {  	[tilespmem:s25], [sflag:$0x1] =	stream.indirect_vreg.gather [hbm4b:s5+s2], $0x80, v3, vm0, $0xb8;
	[tilespmem:$0x1C400] =	vst v63  }
0x42f: {  	v3 =	vld [tilespmem:$0x3B0];
	_ =	sdelay $0x4  }
0x430: {  	v59 =	vshll.u32 v3, $0x1  }
0x431: {  	v3 =	vand.u32 $0x7, v3;
	v4 =	vand.u32 $0xFFFFFFF0, v59  }
0x432: {  	v3 =	vor.u32 v3, v4  }
0x433: {  	v4 =	vperm.xlane v3, v0;
	_ =	sdelay $0x1  }
0x434: {  	v3 =	vperm.xlane v3, v2;
	v4 =	vadd.s32 v1, v4;
	_ =	sdelay $0x1  }
0x435: {  	v3 =	vadd.s32 v1, v3;
	_ =	sdelay $0x1  }
0x436: {  	s20 =	simm.s32 $0x3400  }
0x437: {  	[tilespmem:s20], [sflag:$0x1] =	stream.indirect_vreg.gather [hbm4b:s5+s2], $0x80, v4, vm0, $0xb8;
	[tilespmem:$0x1C400] =	vst v63  }
0x438: {  	s1 =	simm.s32 $0x3C00;
	s23 =	simm.s32 $0x4  }
0x439: {  	[tilespmem:s1], [sflag:$0x1] =	stream.indirect_vreg.gather [hbm4b:s5+s2], $0x80, v3, vm0, $0xb8;
	[tilespmem:$0x1C400] =	vst v63  }
0x43a: {  	_ =	swait.ge [sflag:s23], $0x4000  }
0x43b: {  	[sflag:s23] =	ssyncset.done $0x0  }
0x43c: {  	s31 =	simm.s32 $0xC400;
	s10 =	rddreg [dreg:$0x18];
	[sflag:s23] =	ssyncadd.s32 $0xFFFFC000  }
0x43d: {  	[hbm4b:s10+s2] =	stream.linear.scatter [tilespmem:s31], [sflag:$0xB], $0x400, $0x38;
	[tilespmem:$0x1C400] =	vst v63  }
0x43e: {  	s11 =	simm.s32 $0xCC00;
	s3 =	sadd.s32 $0x80, s10  }
0x43f: {  	[hbm4b:s3+s2] =	stream.linear.scatter [tilespmem:s11], [sflag:$0xB], $0x400, $0x38;
	[tilespmem:$0x1C400] =	vst v63  }
0x440: {  	s20 =	simm.s32 $0xD400;
	s19 =	sadd.s32 $0x100, s10  }
0x441: {  	[hbm4b:s19+s2] =	stream.linear.scatter [tilespmem:s20], [sflag:$0xB], $0x400, $0x38;
	[tilespmem:$0x1C400] =	vst v63  }
0x442: {  	s23 =	sadd.s32 $0x180, s10;
	s31 =	simm.s32 $0xDC00  }
0x443: {  	[hbm4b:s23+s2] =	stream.linear.scatter [tilespmem:s31], [sflag:$0xB], $0x400, $0x38;
	[tilespmem:$0x1C400] =	vst v63  }
0x444: {  	s3 =	sadd.s32 $0x200, s10;
	s11 =	simm.s32 $0xE400  }
0x445: {  	[hbm4b:s3+s2] =	stream.linear.scatter [tilespmem:s11], [sflag:$0xB], $0x400, $0x38;
	[tilespmem:$0x1C400] =	vst v63  }
0x446: {  	s19 =	sadd.s32 $0x280, s10;
	s20 =	simm.s32 $0xEC00  }
0x447: {  	[hbm4b:s19+s2] =	stream.linear.scatter [tilespmem:s20], [sflag:$0xB], $0x400, $0x38;
	[tilespmem:$0x1C400] =	vst v63  }
0x448: {  	s23 =	sadd.s32 $0x300, s10;
	s31 =	simm.s32 $0xF400  }
0x449: {  	[hbm4b:s23+s2] =	stream.linear.scatter [tilespmem:s31], [sflag:$0xB], $0x400, $0x38;
	[tilespmem:$0x1C400] =	vst v63  }
0x44a: {  	s11 =	sadd.s32 $0x380, s10;
	s19 =	simm.s32 $0xFC00  }
0x44b: {  	[hbm4b:s11+s2] =	stream.linear.scatter [tilespmem:s19], [sflag:$0xB], $0x400, $0x38;
	[tilespmem:$0x1C400] =	vst v63  }
0x44c: {  	s10 =	rddreg [dreg:$0x19];
	s20 =	simm.s32 $0xC800  }
0x44d: {  	[hbm4b:s10+s2] =	stream.linear.scatter [tilespmem:s20], [sflag:$0xB], $0x400, $0x38;
	[tilespmem:$0x1C400] =	vst v63  }
0x44e: {  	s23 =	sadd.s32 $0x80, s10;
	s31 =	simm.s32 $0xD000  }
0x44f: {  	[hbm4b:s23+s2] =	stream.linear.scatter [tilespmem:s31], [sflag:$0xB], $0x400, $0x38;
	[tilespmem:$0x1C400] =	vst v63  }
0x450: {  	s3 =	sadd.s32 $0x100, s10;
	s11 =	simm.s32 $0xD800  }
0x451: {  	[hbm4b:s3+s2] =	stream.linear.scatter [tilespmem:s11], [sflag:$0xB], $0x400, $0x38;
	[tilespmem:$0x1C400] =	vst v63  }
0x452: {  	s19 =	sadd.s32 $0x180, s10;
	s20 =	simm.s32 $0xE000  }
0x453: {  	[hbm4b:s19+s2] =	stream.linear.scatter [tilespmem:s20], [sflag:$0xB], $0x400, $0x38;
	[tilespmem:$0x1C400] =	vst v63  }
0x454: {  	s23 =	sadd.s32 $0x200, s10;
	s31 =	simm.s32 $0xE800  }
0x455: {  	[hbm4b:s23+s2] =	stream.linear.scatter [tilespmem:s31], [sflag:$0xB], $0x400, $0x38;
	[tilespmem:$0x1C400] =	vst v63  }
0x456: {  	s3 =	sadd.s32 $0x280, s10;
	s11 =	simm.s32 $0xF000  }
0x457: {  	[hbm4b:s3+s2] =	stream.linear.scatter [tilespmem:s11], [sflag:$0xB], $0x400, $0x38;
	[tilespmem:$0x1C400] =	vst v63  }
0x458: {  	s19 =	sadd.s32 $0x300, s10;
	s20 =	simm.s32 $0xF800  }
0x459: {  	[hbm4b:s19+s2] =	stream.linear.scatter [tilespmem:s20], [sflag:$0xB], $0x400, $0x38;
	[tilespmem:$0x1C400] =	vst v63  }
0x45a: {  	s23 =	sadd.s32 $0x380, s10;
	s31 =	simm.s32 $0x10000  }
0x45b: {  	[hbm4b:s23+s2] =	stream.linear.scatter [tilespmem:s31], [sflag:$0xB], $0x400, $0x38;
	[tilespmem:$0x1C400] =	vst v63  }
0x45c: {  	_ =	swait.ge [sflag:s7], $0x2000  }
0x45d: {  	[sflag:s7] =	ssyncset.done $0x0  }
0x45e: {  	[sflag:s7] =	ssyncadd.s32 $0xFFFFE000  }
0x45f: {  	_ =	swait.ge [sflag:s7], $0x2000  }
0x460: {  	[sflag:s7] =	ssyncset.done $0x0  }
0x461: {  	[sflag:s7] =	ssyncadd.s32 $0xFFFFE000  }
0x462: {  	v3 =	vld [tilespmem:$0x3C0];
	_ =	sdelay $0x4  }
0x463: {  	v60 =	vshll.u32 v3, $0x1  }
0x464: {  	v3 =	vand.u32 $0x7, v3;
	v4 =	vand.u32 $0xFFFFFFF0, v60  }
0x465: {  	v3 =	vor.u32 v3, v4  }
0x466: {  	v4 =	vperm.xlane v3, v0;
	_ =	sdelay $0x1  }
0x467: {  	v3 =	vperm.xlane v3, v2;
	v4 =	vadd.s32 v1, v4;
	_ =	sdelay $0x1  }
0x468: {  	v3 =	vadd.s32 v1, v3;
	_ =	sdelay $0x1  }
0x469: {  	s19 =	simm.s32 $0x4400  }
0x46a: {  	[tilespmem:s19], [sflag:$0x2] =	stream.indirect_vreg.gather [hbm4b:s5+s2], $0x80, v4, vm0, $0xb8;
	[tilespmem:$0x1C400] =	vst v63  }
0x46b: {  	s11 =	simm.s32 $0x4C00  }
0x46c: {  	[tilespmem:s11], [sflag:$0x2] =	stream.indirect_vreg.gather [hbm4b:s5+s2], $0x80, v3, vm0, $0xb8;
	[tilespmem:$0x1C400] =	vst v63  }
0x46d: {  	v3 =	vld [tilespmem:$0x3D0];
	_ =	sdelay $0x4  }
0x46e: {  	v61 =	vshll.u32 v3, $0x1  }
0x46f: {  	v3 =	vand.u32 $0x7, v3;
	v4 =	vand.u32 $0xFFFFFFF0, v61  }
0x470: {  	v3 =	vor.u32 v3, v4  }
0x471: {  	v4 =	vperm.xlane v3, v0;
	_ =	sdelay $0x1  }
0x472: {  	v3 =	vperm.xlane v3, v2;
	v4 =	vadd.s32 v1, v4;
	_ =	sdelay $0x1  }
0x473: {  	v3 =	vadd.s32 v1, v3;
	_ =	sdelay $0x2  }
0x474: {  	[tilespmem:s22], [sflag:$0x2] =	stream.indirect_vreg.gather [hbm4b:s5+s2], $0x80, v4, vm0, $0xb8;
	[tilespmem:$0x1C400] =	vst v63  }
0x475: {  	_ = 	snop  }
0x476: {  	[tilespmem:s4], [sflag:$0x2] =	stream.indirect_vreg.gather [hbm4b:s5+s2], $0x80, v3, vm0, $0xb8;
	[tilespmem:$0x1C400] =	vst v63  }
0x477: {  	v3 =	vld [tilespmem:$0x3E0];
	_ =	sdelay $0x4  }
0x478: {  	v62 =	vshll.u32 v3, $0x1  }
0x479: {  	v3 =	vand.u32 $0x7, v3;
	v4 =	vand.u32 $0xFFFFFFF0, v62  }
0x47a: {  	v3 =	vor.u32 v3, v4  }
0x47b: {  	v4 =	vperm.xlane v3, v0;
	_ =	sdelay $0x1  }
0x47c: {  	v3 =	vperm.xlane v3, v2;
	v4 =	vadd.s32 v1, v4;
	_ =	sdelay $0x1  }
0x47d: {  	v3 =	vadd.s32 v1, v3;
	_ =	sdelay $0x2  }
0x47e: {  	[tilespmem:s6], [sflag:$0x2] =	stream.indirect_vreg.gather [hbm4b:s5+s2], $0x80, v4, vm0, $0xb8;
	[tilespmem:$0x1C400] =	vst v63  }
0x47f: {  	s20 =	simm.s32 $0x6C00  }
0x480: {  	[tilespmem:s20], [sflag:$0x2] =	stream.indirect_vreg.gather [hbm4b:s5+s2], $0x80, v3, vm0, $0xb8;
	[tilespmem:$0x1C400] =	vst v63  }
0x481: {  	v3 =	vld [tilespmem:$0x3F0];
	_ =	sdelay $0x4  }
0x482: {  	v63 =	vshll.u32 v3, $0x1  }
0x483: {  	v3 =	vand.u32 $0x7, v3;
	v4 =	vand.u32 $0xFFFFFFF0, v63  }
0x484: {  	v3 =	vor.u32 v3, v4  }
0x485: {  	v4 =	vperm.xlane v3, v0;
	_ =	sdelay $0x1  }
0x486: {  	v3 =	vperm.xlane v3, v2;
	v4 =	vadd.s32 v1, v4;
	_ =	sdelay $0x1  }
0x487: {  	v3 =	vadd.s32 v1, v3;
	_ =	sdelay $0x1  }
0x488: {  	s23 =	simm.s32 $0x7400  }
0x489: {  	[tilespmem:s23], [sflag:$0x2] =	stream.indirect_vreg.gather [hbm4b:s5+s2], $0x80, v4, vm0, $0xb8;
	[tilespmem:$0x1C400] =	vst v63  }
0x48a: {  	s10 =	simm.s32 $0x5;
	s6 =	simm.s32 $0x7C00  }
0x48b: {  	[tilespmem:s6], [sflag:$0x2] =	stream.indirect_vreg.gather [hbm4b:s5+s2], $0x80, v3, vm0, $0xb8;
	[tilespmem:$0x1C400] =	vst v63  }
0x48c: {  	_ =	swait.ge [sflag:s10], $0x4000  }
0x48d: {  	[sflag:s10] =	ssyncset.done $0x0  }
0x48e: {  	s31 =	simm.s32 $0x10400;
	[sflag:s10] =	ssyncadd.s32 $0xFFFFC000;
	s10 =	rddreg [dreg:$0x1a]  }
0x48f: {  	[hbm4b:s10+s2] =	stream.linear.scatter [tilespmem:s31], [sflag:$0xC], $0x400, $0x38;
	[tilespmem:$0x1C400] =	vst v63  }
0x490: {  	s8 =	sadd.s32 $0x80, s10;
	s31 =	simm.s32 $0x10C00  }
0x491: {  	[hbm4b:s8+s2] =	stream.linear.scatter [tilespmem:s31], [sflag:$0xC], $0x400, $0x38;
	[tilespmem:$0x1C400] =	vst v63  }
0x492: {  	s8 =	sadd.s32 $0x100, s10;
	s31 =	simm.s32 $0x11400  }
0x493: {  	[hbm4b:s8+s2] =	stream.linear.scatter [tilespmem:s31], [sflag:$0xC], $0x400, $0x38;
	[tilespmem:$0x1C400] =	vst v63  }
0x494: {  	s8 =	sadd.s32 $0x180, s10;
	s31 =	simm.s32 $0x11C00  }
0x495: {  	[hbm4b:s8+s2] =	stream.linear.scatter [tilespmem:s31], [sflag:$0xC], $0x400, $0x38;
	[tilespmem:$0x1C400] =	vst v63  }
0x496: {  	s8 =	sadd.s32 $0x200, s10;
	s31 =	simm.s32 $0x12400  }
0x497: {  	[hbm4b:s8+s2] =	stream.linear.scatter [tilespmem:s31], [sflag:$0xC], $0x400, $0x38;
	[tilespmem:$0x1C400] =	vst v63  }
0x498: {  	s8 =	sadd.s32 $0x280, s10;
	s31 =	simm.s32 $0x12C00  }
0x499: {  	[hbm4b:s8+s2] =	stream.linear.scatter [tilespmem:s31], [sflag:$0xC], $0x400, $0x38;
	[tilespmem:$0x1C400] =	vst v63  }
0x49a: {  	s8 =	sadd.s32 $0x300, s10;
	s31 =	simm.s32 $0x13400  }
0x49b: {  	[hbm4b:s8+s2] =	stream.linear.scatter [tilespmem:s31], [sflag:$0xC], $0x400, $0x38;
	[tilespmem:$0x1C400] =	vst v63  }
0x49c: {  	s10 =	sadd.s32 $0x380, s10;
	s31 =	simm.s32 $0x13C00  }
0x49d: {  	[hbm4b:s10+s2] =	stream.linear.scatter [tilespmem:s31], [sflag:$0xC], $0x400, $0x38;
	[tilespmem:$0x1C400] =	vst v63  }
0x49e: {  	s10 =	rddreg [dreg:$0x1b];
	s31 =	simm.s32 $0x10800  }
0x49f: {  	[hbm4b:s10+s2] =	stream.linear.scatter [tilespmem:s31], [sflag:$0xC], $0x400, $0x38;
	[tilespmem:$0x1C400] =	vst v63  }
0x4a0: {  	s8 =	sadd.s32 $0x80, s10;
	s31 =	simm.s32 $0x11000  }
0x4a1: {  	[hbm4b:s8+s2] =	stream.linear.scatter [tilespmem:s31], [sflag:$0xC], $0x400, $0x38;
	[tilespmem:$0x1C400] =	vst v63  }
0x4a2: {  	s8 =	sadd.s32 $0x100, s10;
	s31 =	simm.s32 $0x11800  }
0x4a3: {  	[hbm4b:s8+s2] =	stream.linear.scatter [tilespmem:s31], [sflag:$0xC], $0x400, $0x38;
	[tilespmem:$0x1C400] =	vst v63  }
0x4a4: {  	s8 =	sadd.s32 $0x180, s10;
	s31 =	simm.s32 $0x12000  }
0x4a5: {  	[hbm4b:s8+s2] =	stream.linear.scatter [tilespmem:s31], [sflag:$0xC], $0x400, $0x38;
	[tilespmem:$0x1C400] =	vst v63  }
0x4a6: {  	s8 =	sadd.s32 $0x200, s10;
	s31 =	simm.s32 $0x12800  }
0x4a7: {  	[hbm4b:s8+s2] =	stream.linear.scatter [tilespmem:s31], [sflag:$0xC], $0x400, $0x38;
	[tilespmem:$0x1C400] =	vst v63  }
0x4a8: {  	s8 =	sadd.s32 $0x280, s10;
	s31 =	simm.s32 $0x13000  }
0x4a9: {  	[hbm4b:s8+s2] =	stream.linear.scatter [tilespmem:s31], [sflag:$0xC], $0x400, $0x38;
	[tilespmem:$0x1C400] =	vst v63  }
0x4aa: {  	s8 =	sadd.s32 $0x300, s10;
	s31 =	simm.s32 $0x13800  }
0x4ab: {  	[hbm4b:s8+s2] =	stream.linear.scatter [tilespmem:s31], [sflag:$0xC], $0x400, $0x38;
	[tilespmem:$0x1C400] =	vst v63  }
0x4ac: {  	s10 =	sadd.s32 $0x380, s10;
	s31 =	simm.s32 $0x14000  }
0x4ad: {  	[hbm4b:s10+s2] =	stream.linear.scatter [tilespmem:s31], [sflag:$0xC], $0x400, $0x38;
	[tilespmem:$0x1C400] =	vst v63  }
0x4ae: {  	_ =	swait.ge [sflag:s14], $0x4000  }
0x4af: {  	[sflag:s14] =	ssyncset.done $0x0  }
0x4b0: {  	s31 =	simm.s32 $0x14400;
	s10 =	rddreg [dreg:$0x1c];
	[sflag:s14] =	ssyncadd.s32 $0xFFFFC000  }
0x4b1: {  	[hbm4b:s10+s2] =	stream.linear.scatter [tilespmem:s31], [sflag:$0xD], $0x400, $0x38;
	[tilespmem:$0x1C400] =	vst v63  }
0x4b2: {  	s14 =	sadd.s32 $0x80, s10;
	s31 =	simm.s32 $0x14C00  }
0x4b3: {  	[hbm4b:s14+s2] =	stream.linear.scatter [tilespmem:s31], [sflag:$0xD], $0x400, $0x38;
	[tilespmem:$0x1C400] =	vst v63  }
0x4b4: {  	s14 =	sadd.s32 $0x100, s10;
	s31 =	simm.s32 $0x15400  }
0x4b5: {  	[hbm4b:s14+s2] =	stream.linear.scatter [tilespmem:s31], [sflag:$0xD], $0x400, $0x38;
	[tilespmem:$0x1C400] =	vst v63  }
0x4b6: {  	s14 =	sadd.s32 $0x180, s10;
	s31 =	simm.s32 $0x15C00  }
0x4b7: {  	[hbm4b:s14+s2] =	stream.linear.scatter [tilespmem:s31], [sflag:$0xD], $0x400, $0x38;
	[tilespmem:$0x1C400] =	vst v63  }
0x4b8: {  	s14 =	sadd.s32 $0x200, s10;
	s31 =	simm.s32 $0x16400  }
0x4b9: {  	[hbm4b:s14+s2] =	stream.linear.scatter [tilespmem:s31], [sflag:$0xD], $0x400, $0x38;
	[tilespmem:$0x1C400] =	vst v63  }
0x4ba: {  	s14 =	sadd.s32 $0x280, s10;
	s31 =	simm.s32 $0x16C00  }
0x4bb: {  	[hbm4b:s14+s2] =	stream.linear.scatter [tilespmem:s31], [sflag:$0xD], $0x400, $0x38;
	[tilespmem:$0x1C400] =	vst v63  }
0x4bc: {  	s14 =	sadd.s32 $0x300, s10;
	s31 =	simm.s32 $0x17400  }
0x4bd: {  	[hbm4b:s14+s2] =	stream.linear.scatter [tilespmem:s31], [sflag:$0xD], $0x400, $0x38;
	[tilespmem:$0x1C400] =	vst v63  }
0x4be: {  	s10 =	sadd.s32 $0x380, s10;
	s14 =	simm.s32 $0x17C00  }
0x4bf: {  	[hbm4b:s10+s2] =	stream.linear.scatter [tilespmem:s14], [sflag:$0xD], $0x400, $0x38;
	[tilespmem:$0x1C400] =	vst v63  }
0x4c0: {  	s31 =	simm.s32 $0x14800;
	s10 =	rddreg [dreg:$0x1d]  }
0x4c1: {  	[hbm4b:s10+s2] =	stream.linear.scatter [tilespmem:s31], [sflag:$0xD], $0x400, $0x38;
	[tilespmem:$0x1C400] =	vst v63  }
0x4c2: {  	s14 =	sadd.s32 $0x80, s10;
	s31 =	simm.s32 $0x15000  }
0x4c3: {  	[hbm4b:s14+s2] =	stream.linear.scatter [tilespmem:s31], [sflag:$0xD], $0x400, $0x38;
	[tilespmem:$0x1C400] =	vst v63  }
0x4c4: {  	s14 =	sadd.s32 $0x100, s10;
	s31 =	simm.s32 $0x15800  }
0x4c5: {  	[hbm4b:s14+s2] =	stream.linear.scatter [tilespmem:s31], [sflag:$0xD], $0x400, $0x38;
	[tilespmem:$0x1C400] =	vst v63  }
0x4c6: {  	s14 =	sadd.s32 $0x180, s10;
	s31 =	simm.s32 $0x16000  }
0x4c7: {  	[hbm4b:s14+s2] =	stream.linear.scatter [tilespmem:s31], [sflag:$0xD], $0x400, $0x38;
	[tilespmem:$0x1C400] =	vst v63  }
0x4c8: {  	s14 =	sadd.s32 $0x200, s10;
	s31 =	simm.s32 $0x16800  }
0x4c9: {  	[hbm4b:s14+s2] =	stream.linear.scatter [tilespmem:s31], [sflag:$0xD], $0x400, $0x38;
	[tilespmem:$0x1C400] =	vst v63  }
0x4ca: {  	s14 =	sadd.s32 $0x280, s10;
	s31 =	simm.s32 $0x17000  }
0x4cb: {  	[hbm4b:s14+s2] =	stream.linear.scatter [tilespmem:s31], [sflag:$0xD], $0x400, $0x38;
	[tilespmem:$0x1C400] =	vst v63  }
0x4cc: {  	s14 =	sadd.s32 $0x300, s10;
	s31 =	simm.s32 $0x17800  }
0x4cd: {  	[hbm4b:s14+s2] =	stream.linear.scatter [tilespmem:s31], [sflag:$0xD], $0x400, $0x38;
	[tilespmem:$0x1C400] =	vst v63  }
0x4ce: {  	s14 =	sadd.s32 $0x380, s10;
	s31 =	simm.s32 $0x18000  }
0x4cf: {  	[hbm4b:s14+s2] =	stream.linear.scatter [tilespmem:s31], [sflag:$0xD], $0x400, $0x38;
	[tilespmem:$0x1C400] =	vst v63  }
0x4d0: {  	_ =	swait.ge [sflag:s16], $0x4000  }
0x4d1: {  	[sflag:s16] =	ssyncset.done $0x0  }
0x4d2: {  	s14 =	simm.s32 $0x18400;
	s10 =	rddreg [dreg:$0x1e];
	[sflag:s16] =	ssyncadd.s32 $0xFFFFC000  }
0x4d3: {  	[hbm4b:s10+s2] =	stream.linear.scatter [tilespmem:s14], [sflag:$0xE], $0x400, $0x38;
	[tilespmem:$0x1C400] =	vst v63  }
0x4d4: {  	s31 =	simm.s32 $0x18C00;
	s16 =	sadd.s32 $0x80, s10  }
0x4d5: {  	[hbm4b:s16+s2] =	stream.linear.scatter [tilespmem:s31], [sflag:$0xE], $0x400, $0x38;
	[tilespmem:$0x1C400] =	vst v63  }
0x4d6: {  	s16 =	sadd.s32 $0x100, s10;
	s31 =	simm.s32 $0x19400  }
0x4d7: {  	[hbm4b:s16+s2] =	stream.linear.scatter [tilespmem:s31], [sflag:$0xE], $0x400, $0x38;
	[tilespmem:$0x1C400] =	vst v63  }
0x4d8: {  	s16 =	sadd.s32 $0x180, s10;
	s31 =	simm.s32 $0x19C00  }
0x4d9: {  	[hbm4b:s16+s2] =	stream.linear.scatter [tilespmem:s31], [sflag:$0xE], $0x400, $0x38;
	[tilespmem:$0x1C400] =	vst v63  }
0x4da: {  	s16 =	sadd.s32 $0x200, s10;
	s31 =	simm.s32 $0x1A400  }
0x4db: {  	[hbm4b:s16+s2] =	stream.linear.scatter [tilespmem:s31], [sflag:$0xE], $0x400, $0x38;
	[tilespmem:$0x1C400] =	vst v63  }
0x4dc: {  	s14 =	sadd.s32 $0x280, s10;
	s16 =	simm.s32 $0x1AC00  }
0x4dd: {  	[hbm4b:s14+s2] =	stream.linear.scatter [tilespmem:s16], [sflag:$0xE], $0x400, $0x38;
	[tilespmem:$0x1C400] =	vst v63  }
0x4de: {  	s0 =	simm.s32 $0x1B400;
	s31 =	sadd.s32 $0x300, s10  }
0x4df: {  	[hbm4b:s31+s2] =	stream.linear.scatter [tilespmem:s0], [sflag:$0xE], $0x400, $0x38;
	[tilespmem:$0x1C400] =	vst v63  }
0x4e0: {  	s0 =	sadd.s32 $0x380, s10;
	s10 =	simm.s32 $0x1BC00  }
0x4e1: {  	[hbm4b:s0+s2] =	stream.linear.scatter [tilespmem:s10], [sflag:$0xE], $0x400, $0x38;
	[tilespmem:$0x1C400] =	vst v63  }
0x4e2: {  	s14 =	simm.s32 $0x18800;
	s10 =	rddreg [dreg:$0x1f]  }
0x4e3: {  	[hbm4b:s10+s2] =	stream.linear.scatter [tilespmem:s14], [sflag:$0xE], $0x400, $0x38;
	[tilespmem:$0x1C400] =	vst v63  }
0x4e4: {  	s31 =	simm.s32 $0x19000;
	s16 =	sadd.s32 $0x80, s10  }
0x4e5: {  	[hbm4b:s16+s2] =	stream.linear.scatter [tilespmem:s31], [sflag:$0xE], $0x400, $0x38;
	[tilespmem:$0x1C400] =	vst v63  }
0x4e6: {  	s0 =	sadd.s32 $0x100, s10;
	s14 =	simm.s32 $0x19800  }
0x4e7: {  	[hbm4b:s0+s2] =	stream.linear.scatter [tilespmem:s14], [sflag:$0xE], $0x400, $0x38;
	[tilespmem:$0x1C400] =	vst v63  }
0x4e8: {  	s16 =	sadd.s32 $0x180, s10;
	s31 =	simm.s32 $0x1A000  }
0x4e9: {  	[hbm4b:s16+s2] =	stream.linear.scatter [tilespmem:s31], [sflag:$0xE], $0x400, $0x38;
	[tilespmem:$0x1C400] =	vst v63  }
0x4ea: {  	s0 =	sadd.s32 $0x200, s10;
	s14 =	simm.s32 $0x1A800  }
0x4eb: {  	[hbm4b:s0+s2] =	stream.linear.scatter [tilespmem:s14], [sflag:$0xE], $0x400, $0x38;
	[tilespmem:$0x1C400] =	vst v63  }
0x4ec: {  	s16 =	sadd.s32 $0x280, s10;
	s31 =	simm.s32 $0x1B000  }
0x4ed: {  	[hbm4b:s16+s2] =	stream.linear.scatter [tilespmem:s31], [sflag:$0xE], $0x400, $0x38;
	[tilespmem:$0x1C400] =	vst v63  }
0x4ee: {  	s0 =	sadd.s32 $0x300, s10;
	s14 =	simm.s32 $0x1B800  }
0x4ef: {  	[hbm4b:s0+s2] =	stream.linear.scatter [tilespmem:s14], [sflag:$0xE], $0x400, $0x38;
	[tilespmem:$0x1C400] =	vst v63  }
0x4f0: {  	s8 =	simm.s32 $0x1;
	s16 =	sadd.s32 $0x380, s10;
	s31 =	simm.s32 $0x1C000  }
0x4f1: {  	[hbm4b:s16+s2] =	stream.linear.scatter [tilespmem:s31], [sflag:$0xE], $0x400, $0x38;
	[tilespmem:$0x1C400] =	vst v63  }
0x4f2: {  	_ =	swait.ge [sflag:s8], $0x4000  }
0x4f3: {  	s10 =	sld [smem:$0x7FA]  }
0x4f4: {  	[sflag:s8] =	ssyncset.done $0x0  }
0x4f5: {  	s30 =	simm.s32 $0x400;
	[sflag:s8] =	ssyncadd.s32 $0xFFFFC000  }
0x4f6: {  	[hbm4b:s10+s2] =	stream.linear.scatter [tilespmem:s30], [sflag:$0x8], $0x400, $0x38;
	[tilespmem:$0x1C400] =	vst v63  }
0x4f7: {  	s28 =	simm.s32 $0xC00;
	s14 =	sadd.s32 $0x80, s10  }
0x4f8: {  	[hbm4b:s14+s2] =	stream.linear.scatter [tilespmem:s28], [sflag:$0x8], $0x400, $0x38;
	[tilespmem:$0x1C400] =	vst v63  }
0x4f9: {  	s21 =	simm.s32 $0x1400;
	s16 =	sadd.s32 $0x100, s10  }
0x4fa: {  	[hbm4b:s16+s2] =	stream.linear.scatter [tilespmem:s21], [sflag:$0x8], $0x400, $0x38;
	[tilespmem:$0x1C400] =	vst v63  }
0x4fb: {  	s26 =	simm.s32 $0x1C00;
	s21 =	sadd.s32 $0x180, s10  }
0x4fc: {  	[hbm4b:s21+s2] =	stream.linear.scatter [tilespmem:s26], [sflag:$0x8], $0x400, $0x38;
	[tilespmem:$0x1C400] =	vst v63  }
0x4fd: {  	s29 =	simm.s32 $0x2400;
	s28 =	sadd.s32 $0x200, s10  }
0x4fe: {  	[hbm4b:s28+s2] =	stream.linear.scatter [tilespmem:s29], [sflag:$0x8], $0x400, $0x38;
	[tilespmem:$0x1C400] =	vst v63  }
0x4ff: {  	s25 =	simm.s32 $0x2C00;
	s30 =	sadd.s32 $0x280, s10  }
0x500: {  	[hbm4b:s30+s2] =	stream.linear.scatter [tilespmem:s25], [sflag:$0x8], $0x400, $0x38;
	[tilespmem:$0x1C400] =	vst v63  }
0x501: {  	s12 =	simm.s32 $0x3400;
	s31 =	sadd.s32 $0x300, s10  }
0x502: {  	[hbm4b:s31+s2] =	stream.linear.scatter [tilespmem:s12], [sflag:$0x8], $0x400, $0x38;
	[tilespmem:$0x1C400] =	vst v63  }
0x503: {  	s0 =	sld [smem:$0x7FB];
	s10 =	sadd.s32 $0x380, s10  }
0x504: {  	[hbm4b:s10+s2] =	stream.linear.scatter [tilespmem:s1], [sflag:$0x8], $0x400, $0x38;
	[tilespmem:$0x1C400] =	vst v63  }
0x505: {  	s12 =	simm.s32 $0x800  }
0x506: {  	[hbm4b:s0+s2] =	stream.linear.scatter [tilespmem:s12], [sflag:$0x8], $0x400, $0x38;
	[tilespmem:$0x1C400] =	vst v63  }
0x507: {  	s14 =	sadd.s32 $0x80, s0;
	s16 =	simm.s32 $0x1000  }
0x508: {  	[hbm4b:s14+s2] =	stream.linear.scatter [tilespmem:s16], [sflag:$0x8], $0x400, $0x38;
	[tilespmem:$0x1C400] =	vst v63  }
0x509: {  	s21 =	sadd.s32 $0x100, s0;
	s25 =	simm.s32 $0x1800  }
0x50a: {  	[hbm4b:s21+s2] =	stream.linear.scatter [tilespmem:s25], [sflag:$0x8], $0x400, $0x38;
	[tilespmem:$0x1C400] =	vst v63  }
0x50b: {  	s26 =	sadd.s32 $0x180, s0;
	s28 =	simm.s32 $0x2000  }
0x50c: {  	[hbm4b:s26+s2] =	stream.linear.scatter [tilespmem:s28], [sflag:$0x8], $0x400, $0x38;
	[tilespmem:$0x1C400] =	vst v63  }
0x50d: {  	s29 =	sadd.s32 $0x200, s0;
	s30 =	simm.s32 $0x2800  }
0x50e: {  	[hbm4b:s29+s2] =	stream.linear.scatter [tilespmem:s30], [sflag:$0x8], $0x400, $0x38;
	[tilespmem:$0x1C400] =	vst v63  }
0x50f: {  	s31 =	sadd.s32 $0x280, s0;
	s1 =	simm.s32 $0x3000  }
0x510: {  	[hbm4b:s31+s2] =	stream.linear.scatter [tilespmem:s1], [sflag:$0x8], $0x400, $0x38;
	[tilespmem:$0x1C400] =	vst v63  }
0x511: {  	s10 =	sadd.s32 $0x300, s0;
	s12 =	simm.s32 $0x3800  }
0x512: {  	[hbm4b:s10+s2] =	stream.linear.scatter [tilespmem:s12], [sflag:$0x8], $0x400, $0x38;
	[tilespmem:$0x1C400] =	vst v63  }
0x513: {  	s14 =	sadd.s32 $0x380, s0;
	s16 =	simm.s32 $0x4000;
	s21 =	simm.s32 $0x2  }
0x514: {  	[hbm4b:s14+s2] =	stream.linear.scatter [tilespmem:s16], [sflag:$0x8], $0x400, $0x38;
	[tilespmem:$0x1C400] =	vst v63  }
0x515: {  	_ =	swait.ge [sflag:s21], $0x4000  }
0x516: {  	s25 =	sld [smem:$0x7FC]  }
0x517: {  	[sflag:s21] =	ssyncset.done $0x0  }
0x518: {  	[sflag:s21] =	ssyncadd.s32 $0xFFFFC000  }
0x519: {  	[hbm4b:s25+s2] =	stream.linear.scatter [tilespmem:s19], [sflag:$0x9], $0x400, $0x38;
	[tilespmem:$0x1C400] =	vst v63  }
0x51a: {  	s26 =	sadd.s32 $0x80, s25  }
0x51b: {  	[hbm4b:s26+s2] =	stream.linear.scatter [tilespmem:s11], [sflag:$0x9], $0x400, $0x38;
	[tilespmem:$0x1C400] =	vst v63  }
0x51c: {  	s22 =	simm.s32 $0x5400;
	s28 =	sadd.s32 $0x100, s25  }
0x51d: {  	[hbm4b:s28+s2] =	stream.linear.scatter [tilespmem:s22], [sflag:$0x9], $0x400, $0x38;
	[tilespmem:$0x1C400] =	vst v63  }
0x51e: {  	s4 =	simm.s32 $0x5C00;
	s29 =	sadd.s32 $0x180, s25  }
0x51f: {  	[hbm4b:s29+s2] =	stream.linear.scatter [tilespmem:s4], [sflag:$0x9], $0x400, $0x38;
	[tilespmem:$0x1C400] =	vst v63  }
0x520: {  	s3 =	simm.s32 $0x6400;
	s30 =	sadd.s32 $0x200, s25  }
0x521: {  	[hbm4b:s30+s2] =	stream.linear.scatter [tilespmem:s3], [sflag:$0x9], $0x400, $0x38;
	[tilespmem:$0x1C400] =	vst v63  }
0x522: {  	s31 =	sadd.s32 $0x280, s25  }
0x523: {  	[hbm4b:s31+s2] =	stream.linear.scatter [tilespmem:s20], [sflag:$0x9], $0x400, $0x38;
	[tilespmem:$0x1C400] =	vst v63  }
0x524: {  	s1 =	sadd.s32 $0x300, s25  }
0x525: {  	[hbm4b:s1+s2] =	stream.linear.scatter [tilespmem:s23], [sflag:$0x9], $0x400, $0x38;
	[tilespmem:$0x1C400] =	vst v63  }
0x526: {  	s3 =	sadd.s32 $0x380, s25  }
0x527: {  	[hbm4b:s3+s2] =	stream.linear.scatter [tilespmem:s6], [sflag:$0x9], $0x400, $0x38;
	[tilespmem:$0x1C400] =	vst v63  }
0x528: {  	s6 =	sld [smem:$0x7FD];
	_ =	sdelay $0x1  }
0x529: {  	s4 =	simm.s32 $0x4800  }
0x52a: {  	[hbm4b:s6+s2] =	stream.linear.scatter [tilespmem:s4], [sflag:$0x9], $0x400, $0x38;
	[tilespmem:$0x1C400] =	vst v63  }
0x52b: {  	s12 =	simm.s32 $0x5000;
	s11 =	sadd.s32 $0x80, s6  }
0x52c: {  	[hbm4b:s11+s2] =	stream.linear.scatter [tilespmem:s12], [sflag:$0x9], $0x400, $0x38;
	[tilespmem:$0x1C400] =	vst v63  }
0x52d: {  	s16 =	simm.s32 $0x5800;
	s14 =	sadd.s32 $0x100, s6  }
0x52e: {  	[hbm4b:s14+s2] =	stream.linear.scatter [tilespmem:s16], [sflag:$0x9], $0x400, $0x38;
	[tilespmem:$0x1C400] =	vst v63  }
0x52f: {  	s20 =	simm.s32 $0x6000;
	s19 =	sadd.s32 $0x180, s6  }
0x530: {  	[hbm4b:s19+s2] =	stream.linear.scatter [tilespmem:s20], [sflag:$0x9], $0x400, $0x38;
	[tilespmem:$0x1C400] =	vst v63  }
0x531: {  	s22 =	simm.s32 $0x6800;
	s21 =	sadd.s32 $0x200, s6  }
0x532: {  	[hbm4b:s21+s2] =	stream.linear.scatter [tilespmem:s22], [sflag:$0x9], $0x400, $0x38;
	[tilespmem:$0x1C400] =	vst v63  }
0x533: {  	s25 =	simm.s32 $0x7000;
	s23 =	sadd.s32 $0x280, s6  }
0x534: {  	[hbm4b:s23+s2] =	stream.linear.scatter [tilespmem:s25], [sflag:$0x9], $0x400, $0x38;
	[tilespmem:$0x1C400] =	vst v63  }
0x535: {  	s28 =	simm.s32 $0x7800;
	s26 =	sadd.s32 $0x300, s6  }
0x536: {  	[hbm4b:s26+s2] =	stream.linear.scatter [tilespmem:s28], [sflag:$0x9], $0x400, $0x38;
	[tilespmem:$0x1C400] =	vst v63  }
0x537: {  	s30 =	simm.s32 $0x8000;
	s29 =	sadd.s32 $0x380, s6  }
0x538: {  	[hbm4b:s29+s2] =	stream.linear.scatter [tilespmem:s30], [sflag:$0x9], $0x400, $0x38;
	[tilespmem:$0x1C400] =	vst v63  }
0x539: {  	s31 =	rddreg [dreg:$0xc];
	_ =	swait.ge [sflag:s13], $0x2000  }
0x53a: {  	[sflag:s13] =	ssyncset.done $0x0  }
0x53b: {  	[sflag:s13] =	ssyncadd.s32 $0xFFFFE000  }
0x53c: {  	_ =	swait.ge [sflag:s13], $0x2000  }
0x53d: {  	[sflag:s13] =	ssyncset.done $0x0  }
0x53e: {  	[sflag:s13] =	ssyncadd.s32 $0xFFFFE000  }
0x53f: {  	_ =	swait.ge [sflag:s15], $0x2000  }
0x540: {  	[sflag:s15] =	ssyncset.done $0x0  }
0x541: {  	[sflag:s15] =	ssyncadd.s32 $0xFFFFE000  }
0x542: {  	_ =	swait.ge [sflag:s15], $0x2000  }
0x543: {  	[sflag:s15] =	ssyncset.done $0x0  }
0x544: {  	[sflag:s15] =	ssyncadd.s32 $0xFFFFE000  }
0x545: {  	_ =	swait.ge [sflag:s17], $0x2000  }
0x546: {  	[sflag:s17] =	ssyncset.done $0x0  }
0x547: {  	[sflag:s17] =	ssyncadd.s32 $0xFFFFE000  }
0x548: {  	_ =	swait.ge [sflag:s17], $0x2000  }
0x549: {  	[sflag:s17] =	ssyncset.done $0x0  }
0x54a: {  	[sflag:s17] =	ssyncadd.s32 $0xFFFFE000  }
0x54b: {  	_ =	swait.ge [sflag:s18], $0x2000  }
0x54c: {  	[sflag:s18] =	ssyncset.done $0x0  }
0x54d: {  	[sflag:s18] =	ssyncadd.s32 $0xFFFFE000  }
0x54e: {  	_ =	swait.ge [sflag:s18], $0x2000  }
0x54f: {  	[sflag:s18] =	ssyncset.done $0x0  }
0x550: {  	[sflag:s18] =	ssyncadd.s32 $0xFFFFE000  }
0x551: {  	_ =	swait.ge [sflag:s9], $0x2000  }
0x552: {  	[sflag:s9] =	ssyncset.done $0x0  }
0x553: {  	[sflag:s9] =	ssyncadd.s32 $0xFFFFE000  }
0x554: {  	_ =	swait.ge [sflag:s9], $0x2000  }
0x555: {  	[sflag:s9] =	ssyncset.done $0x0  }
0x556: {  	[sflag:s9] =	ssyncadd.s32 $0xFFFFE000  }
0x557: {  	_ =	swait.ge [sflag:s24], $0x2000  }
0x558: {  	[sflag:s24] =	ssyncset.done $0x0  }
0x559: {  	[sflag:s24] =	ssyncadd.s32 $0xFFFFE000  }
0x55a: {  	_ =	swait.ge [sflag:s24], $0x2000  }
0x55b: {  	[sflag:s24] =	ssyncset.done $0x0  }
0x55c: {  	[sflag:s24] =	ssyncadd.s32 $0xFFFFE000  }
0x55d: {  	p0 =	sne.s32 s31, $0x1;
	_ =	swait.ge [sflag:s7], $0x2000  }
.Ltmp0:
0x55e: {  	[sflag:s7] =	ssyncset.done $0x0;
	(pc) =	sbr.rel @p0 .LBB2_1-.Ltmp0, $4  }
0x55f: {  	[sflag:s7] =	ssyncadd.s32 $0xFFFFE000  }
0x560: {  	_ =	swait.ge [sflag:s7], $0x2000  }
0x561: {  	[sflag:s7] =	ssyncset.done $0x0  }
0x562: {  	s8 =	sadd.s32 $0xFFFFFFFF, s31;
	[sflag:s7] =	ssyncadd.s32 $0xFFFFE000  }
0x563: {  	_ =	sfence.sel $0x180000  }
0x564: {  	[bflag:$0x0] =	sbarrier.arrive $0xFFFF  }
0x565: {  	_ =	strace $0x90000047  }
0x566: {  	s0 =	stileid.u32;
	[bflag:$0x2] =	sbarrier.arrive $0xFFFF  }
0x567: {  	p0 =	sne.s32 s0, $0x0;
	s0 =	rddreg [dreg:$0x3]  }
0x568: {  	s0 =	sadd.s32 @!p0 $0x100000, s0  }
0x569: {  	[sflag:s0] =	ssyncadd.tile.s32 @!p0 $0x1;
	_ =	shalt  }
.Lfunc_end2:
_tile_overlayer_lowered:
.L_overlay_start_2:
0x56a: {  	(tag) =	ssettag $0x2  }
0x56b: {  	s0 =	rddreg [dreg:$0x0];
	s2 =	stileid.u32  }
0x56c: {  	s1 =	rddreg [dreg:$0x1];
	p0 =	sne.s32 s2, $0x0  }
0x56d: {  	s3 =	rddreg [dreg:$0x2];
	[bflag:$0x3] =	sbarrier.arrive $0xFFFF;
	s2 =	simm.s32 @!p0 $0x1C0F  }
0x56e: {  	[timem:s3], [sflag:s2] =	dma.local @!p0 [hbm:s0], s1  }
0x56f: {  	s0 =	simm.s32 @!p0 $0xF  }
0x570: {  	_ =	swait.ge @!p0 [sflag:s0], s1  }
0x571: {  	s1 =	ssub.s32 @!p0 $0x0, s1;
	[sflag:s0] =	ssyncset.done @!p0 $0x0  }
0x572: {  	[sflag:s0] =	ssyncadd.s32 @!p0 s1  }
0x573: {  	[bflag:$0x3] =	sbarrier.arrive $0xFFFF  }
0x574: {  	_ =	shalt  }

</sc_bundles>
